<compile_context>
chip_gen: v7x
topology: tpu7x:2x2x1
jax: 0.10.2.dev20260603
libtpu: 0.0.44.dev20260713+nightly
codegen_flags: <defaults>
</compile_context>

<pallas_src>
import functools

import jax
import jax.numpy as jnp
from jax import lax
from jax.experimental import pallas as pl
from jax.experimental.pallas import tpu as pltpu
from jax.experimental.pallas import tpu_sc as plsc

N = 10000
H = 512
NP = 10240
NBLK = 4
RB = NP // NBLK
CCH = 4
RT = NP // 16
E = 160000
KB = 128
EPT = 10112
NB_E = EPT // KB
EPT32 = 5120

_MESH = dict(core_axis_name="c", subcore_axis_name="s")



def _sc_degree_counts(dst32, zeros_np):

    def body(dst_hbm, zeros_hbm, out_hbm, dst_all, counts):
        cid = lax.axis_index("c")
        sid = lax.axis_index("s")
        wid = sid * 2 + cid
        pltpu.sync_copy(zeros_hbm, counts)
        pltpu.sync_copy(dst_hbm.at[wid], dst_all)
        ones = jnp.full((16,), 1.0, jnp.float32)

        def step(j, carry):
            dvec = dst_all[pl.ds(j * 16, 16)]
            plsc.addupdate_scatter(counts, [dvec], ones)
            return carry

        lax.fori_loop(0, EPT32 // 16, step, 0)
        pltpu.sync_copy(counts, out_hbm.at[wid])

    fn = pl.kernel(
        body,
        out_type=jax.ShapeDtypeStruct((32, NP), jnp.float32),
        mesh=plsc.VectorSubcoreMesh(**_MESH),
        scratch_types=[
            pltpu.VMEM((EPT32,), jnp.int32),
            pltpu.VMEM((NP,), jnp.float32),
        ],
        compiler_params=pltpu.CompilerParams(needs_layout_passes=False),
    )
    return fn(dst32, zeros_np)


def _sc_segsum(hls, src16, dst16):

    def body(hls_hbm, src_hbm, dst_hbm, out_hbm,
             src_buf, dst_buf, rows, acc):
        cid = lax.axis_index("c")
        sid = lax.axis_index("s")
        for p in range(2):
            chunk = cid * 2 + p
            hls_c = hls_hbm.at[chunk]
            pltpu.sync_copy(hls_c.at[pl.ds(sid * RT, RT)],
                            acc.at[pl.ds(sid * RT, RT)])
            plsc.subcore_barrier()

            def step(b, carry):
                off = b * KB
                pltpu.sync_copy(src_hbm.at[sid, pl.ds(off, KB)], src_buf)
                pltpu.sync_copy(dst_hbm.at[sid, pl.ds(off, KB)], dst_buf)
                pltpu.sync_copy(hls_c.at[src_buf], rows)
                pltpu.sync_copy(rows, acc.at[dst_buf], add=True)
                return carry

            lax.fori_loop(0, NB_E, step, 0)
            plsc.subcore_barrier()
            pltpu.sync_copy(acc.at[pl.ds(sid * RT, RT)],
                            out_hbm.at[chunk, pl.ds(sid * RT, RT)])
            plsc.subcore_barrier()

    fn = pl.kernel(
        body,
        out_type=jax.ShapeDtypeStruct((4, NP, 128), jnp.float32),
        mesh=plsc.VectorSubcoreMesh(**_MESH),
        scratch_types=[
            pltpu.VMEM((KB,), jnp.int32),
            pltpu.VMEM((KB,), jnp.int32),
            pltpu.VMEM((KB, 128), jnp.float32),
            pltpu.VMEM_SHARED((NP, 128), jnp.float32),
        ],
        compiler_params=pltpu.CompilerParams(needs_layout_passes=False),
    )
    return fn(hls, src16, dst16)



def _first_max_onehot_cols(sub, k):
    m = jnp.max(sub, axis=1, keepdims=True)
    cols = []
    taken = None
    for j in range(k):
        ej = sub[:, j:j + 1] == m
        if taken is None:
            fj, taken = ej, ej
        else:
            fj = jnp.logical_and(ej, jnp.logical_not(taken))
            taken = jnp.logical_or(taken, ej)
        cols.append(fj.astype(jnp.float32))
    return cols


def _encode_body(x_ref, nt_ref, gt_ref, wx_ref, wnt_ref, wgt_ref, b_ref,
                 out_ref):
    x = x_ref[...]
    t_nt = jnp.dot(nt_ref[...], wnt_ref[...],
                   preferred_element_type=jnp.float32)
    t_gt = jnp.dot(gt_ref[...], wgt_ref[...],
                   preferred_element_type=jnp.float32)
    acc = jnp.dot(x, wx_ref[...], preferred_element_type=jnp.float32)
    acc = acc + b_ref[...]
    for j, fj in enumerate(_first_max_onehot_cols(x[:, 0:4], 4)):
        acc = acc + fj * t_nt[j:j + 1, :]
    for j, fj in enumerate(_first_max_onehot_cols(x[:, 4:12], 8)):
        acc = acc + fj * t_gt[j:j + 1, :]
    out_ref[...] = jnp.maximum(acc, 0.0)


def _encode(xp, node_type_emb, gate_type_emb, enc_W, enc_b):
    wx, wnt, wgt = enc_W[:24], enc_W[24:40], enc_W[40:56]
    return pl.pallas_call(
        _encode_body,
        grid=(NBLK,),
        in_specs=[
            pl.BlockSpec((RB, 24), lambda r: (r, 0)),
            pl.BlockSpec((4, 16), lambda r: (0, 0)),
            pl.BlockSpec((9, 16), lambda r: (0, 0)),
            pl.BlockSpec((24, H), lambda r: (0, 0)),
            pl.BlockSpec((16, H), lambda r: (0, 0)),
            pl.BlockSpec((16, H), lambda r: (0, 0)),
            pl.BlockSpec((1, H), lambda r: (0, 0)),
        ],
        out_specs=pl.BlockSpec((RB, H), lambda r: (r, 0)),
        out_shape=jax.ShapeDtypeStruct((NP, H), jnp.float32),
    )(xp, node_type_emb, gate_type_emb, wx, wnt, wgt, enc_b[None])


def _dinv_body(cnt_ref, out_ref):
    r = pl.program_id(0)
    deg = 1.0 + jnp.sum(cnt_ref[...], axis=0)
    dv = lax.rsqrt(deg)[:, None]
    rowid = lax.broadcasted_iota(jnp.int32, (RB, 1), 0) + r * RB
    out_ref[...] = jnp.where(rowid < N, dv, 0.0)


def _dinv(counts32):
    return pl.pallas_call(
        _dinv_body,
        grid=(NBLK,),
        in_specs=[pl.BlockSpec((32, RB), lambda r: (0, r))],
        out_specs=pl.BlockSpec((RB, 1), lambda r: (r, 0)),
        out_shape=jax.ShapeDtypeStruct((NP, 1), jnp.float32),
    )(counts32)


def _mm0_body(h_ref, dv_ref, w_ref, out_ref):
    out_ref[0] = jnp.dot(h_ref[...], w_ref[...],
                         preferred_element_type=jnp.float32) * dv_ref[...]


def _layer0_hls(h0, dinv, w):
    return pl.pallas_call(
        _mm0_body,
        grid=(NBLK, CCH),
        in_specs=[
            pl.BlockSpec((RB, H), lambda r, c: (r, 0)),
            pl.BlockSpec((RB, 1), lambda r, c: (r, 0)),
            pl.BlockSpec((H, 128), lambda r, c: (0, c)),
        ],
        out_specs=pl.BlockSpec((1, RB, 128), lambda r, c: (c, r, 0)),
        out_shape=jax.ShapeDtypeStruct((CCH, NP, 128), jnp.float32),
    )(h0, dinv, w)


def _post_bn_relu(agg, dv, cb, gam, bet, mu, var):
    hcat = jnp.concatenate([agg[0], agg[1], agg[2], agg[3]], axis=-1)
    v = hcat * dv + cb
    s = gam * lax.rsqrt(var + 1e-5)
    return jnp.maximum((v - mu) * s + bet, 0.0)


def _mmi_body(agg_ref, dv_ref, cb_ref, g_ref, b_ref, m_ref, v_ref, w_ref,
              out_ref):
    h = _post_bn_relu(agg_ref[...], dv_ref[...], cb_ref[...], g_ref[...],
                      b_ref[...], m_ref[...], v_ref[...])
    out_ref[0] = jnp.dot(h, w_ref[...],
                         preferred_element_type=jnp.float32) * dv_ref[...]


def _layeri_hls(agg, dinv, cb, gam, bet, mu, var, w):
    vec = lambda a: a[None]
    return pl.pallas_call(
        _mmi_body,
        grid=(NBLK, CCH),
        in_specs=[
            pl.BlockSpec((CCH, RB, 128), lambda r, c: (0, r, 0)),
            pl.BlockSpec((RB, 1), lambda r, c: (r, 0)),
            pl.BlockSpec((1, H), lambda r, c: (0, 0)),
            pl.BlockSpec((1, H), lambda r, c: (0, 0)),
            pl.BlockSpec((1, H), lambda r, c: (0, 0)),
            pl.BlockSpec((1, H), lambda r, c: (0, 0)),
            pl.BlockSpec((1, H), lambda r, c: (0, 0)),
            pl.BlockSpec((H, 128), lambda r, c: (0, c)),
        ],
        out_specs=pl.BlockSpec((1, RB, 128), lambda r, c: (c, r, 0)),
        out_shape=jax.ShapeDtypeStruct((CCH, NP, 128), jnp.float32),
    )(agg, dinv, vec(cb), vec(gam), vec(bet), vec(mu), vec(var), w)


def _pool_head_body(agg_ref, dv_ref, cb_ref, g_ref, b_ref, m_ref, v_ref,
                    aw1_ref, ab1_ref, aw2_ref, ab2_ref,
                    gw1_ref, gb1_ref, gw2_ref, gb2_ref,
                    pw1_ref, pb1_ref, pw2_ref, pb2_ref,
                    vw1_ref, vb1_ref, vw2_ref, vb2_ref,
                    cw1_ref, cb1_ref, cw2_ref, cb2_ref,
                    g_out, ppa_out, val_out, conf_out,
                    ssum, asum):
    r = pl.program_id(0)
    h = _post_bn_relu(agg_ref[...], dv_ref[...], cb_ref[...], g_ref[...],
                      b_ref[...], m_ref[...], v_ref[...])
    a1 = jnp.maximum(jnp.dot(h, aw1_ref[...],
                             preferred_element_type=jnp.float32)
                     + ab1_ref[...], 0.0)
    att = jax.nn.sigmoid(jnp.dot(a1, aw2_ref[...],
                                 preferred_element_type=jnp.float32)
                         + ab2_ref[...])
    rowid = lax.broadcasted_iota(jnp.int32, (RB, 1), 0) + r * RB
    att = jnp.where(rowid < N, att, 0.0)
    part = jnp.sum(h * att, axis=0, keepdims=True)
    apart = jnp.sum(att)

    @pl.when(r == 0)
    def _():
        ssum[...] = part
        asum[0] = apart

    @pl.when(r > 0)
    def _():
        ssum[...] = ssum[...] + part
        asum[0] = asum[0] + apart

    @pl.when(r == NBLK - 1)
    def _():
        pooled = ssum[...] / asum[0]
        g1 = jnp.maximum(jnp.dot(pooled, gw1_ref[...],
                                 preferred_element_type=jnp.float32)
                         + gb1_ref[...], 0.0)
        g = jnp.dot(g1, gw2_ref[...],
                    preferred_element_type=jnp.float32) + gb2_ref[...]
        g_out[...] = g

        def head(w1, b1, w2, b2):
            t = jnp.maximum(jnp.dot(g, w1[...],
                                    preferred_element_type=jnp.float32)
                            + b1[...], 0.0)
            return jnp.dot(t, w2[...],
                           preferred_element_type=jnp.float32) + b2[...]

        ppa_out[...] = jax.nn.sigmoid(head(pw1_ref, pb1_ref, pw2_ref,
                                           pb2_ref))
        val_out[...] = head(vw1_ref, vb1_ref, vw2_ref, vb2_ref)
        conf_out[...] = jax.nn.sigmoid(head(cw1_ref, cb1_ref, cw2_ref,
                                            cb2_ref))


def _pool_heads(agg, dinv, cb, gam, bet, mu, var,
                att_W1, att_b1, att_W2, att_b2,
                gp_W1, gp_b1, gp_W2, gp_b2,
                ppa_W1, ppa_b1, ppa_W2, ppa_b2,
                val_W1, val_b1, val_W2, val_b2,
                conf_W1, conf_b1, conf_W2, conf_b2):
    vec = lambda a: a[None]
    full = lambda a: pl.BlockSpec(a.shape, lambda r: tuple(0 for _ in a.shape))
    ins = [agg, dinv, vec(cb), vec(gam), vec(bet), vec(mu), vec(var),
           att_W1, vec(att_b1), att_W2, vec(att_b2),
           gp_W1, vec(gp_b1), gp_W2, vec(gp_b2),
           ppa_W1, vec(ppa_b1), ppa_W2, vec(ppa_b2),
           val_W1, vec(val_b1), val_W2, vec(val_b2),
           conf_W1, vec(conf_b1), conf_W2, vec(conf_b2)]
    in_specs = ([pl.BlockSpec((CCH, RB, 128), lambda r: (0, r, 0)),
                 pl.BlockSpec((RB, 1), lambda r: (r, 0))]
                + [full(a) for a in ins[2:]])
    return pl.pallas_call(
        _pool_head_body,
        grid=(NBLK,),
        in_specs=in_specs,
        out_specs=[
            pl.BlockSpec((1, H), lambda r: (0, 0)),
            pl.BlockSpec((1, 3), lambda r: (0, 0)),
            pl.BlockSpec((1, 1), lambda r: (0, 0)),
            pl.BlockSpec((1, 1), lambda r: (0, 0)),
        ],
        out_shape=[
            jax.ShapeDtypeStruct((1, H), jnp.float32),
            jax.ShapeDtypeStruct((1, 3), jnp.float32),
            jax.ShapeDtypeStruct((1, 1), jnp.float32),
            jax.ShapeDtypeStruct((1, 1), jnp.float32),
        ],
        scratch_shapes=[
            pltpu.VMEM((1, H), jnp.float32),
            pltpu.SMEM((1,), jnp.float32),
        ],
    )(*ins)



def kernel(x, edge_index, node_type_emb, gate_type_emb, enc_W, enc_b,
           convW, convb, bn_gamma, bn_beta, bn_mean, bn_var,
           att_W1, att_b1, att_W2, att_b2, gp_W1, gp_b1, gp_W2, gp_b2,
           ppa_W1, ppa_b1, ppa_W2, ppa_b2, val_W1, val_b1, val_W2, val_b2,
           conf_W1, conf_b1, conf_W2, conf_b2):
    src = edge_index[0]
    dst = edge_index[1]
    src16 = jnp.pad(src, (0, 16 * EPT - E), constant_values=N).reshape(16, EPT)
    dst16 = jnp.pad(dst, (0, 16 * EPT - E), constant_values=N).reshape(16, EPT)
    dst32 = jnp.pad(dst, (0, 32 * EPT32 - E),
                    constant_values=N).reshape(32, EPT32)
    xp = jnp.pad(x, ((0, NP - N), (0, 0)))
    zeros_np = jnp.zeros((NP,), jnp.float32)

    h0 = _encode(xp, node_type_emb, gate_type_emb, enc_W, enc_b)
    counts32 = _sc_degree_counts(dst32, zeros_np)
    dinv = _dinv(counts32)

    agg = None
    for i in range(4):
        if i == 0:
            hls = _layer0_hls(h0, dinv, convW[0])
        else:
            hls = _layeri_hls(agg, dinv, convb[i - 1], bn_gamma[i - 1],
                              bn_beta[i - 1], bn_mean[i - 1], bn_var[i - 1],
                              convW[i])
        agg = _sc_segsum(hls, src16, dst16)

    g, ppa, val, conf = _pool_heads(
        agg, dinv, convb[3], bn_gamma[3], bn_beta[3], bn_mean[3], bn_var[3],
        att_W1, att_b1, att_W2, att_b2, gp_W1, gp_b1, gp_W2, gp_b2,
        ppa_W1, ppa_b1, ppa_W2, ppa_b2, val_W1, val_b1, val_W2, val_b2,
        conf_W1, conf_b1, conf_W2, conf_b2)
    return (g, ppa, val, conf)

# --- scband reference (transcript-rebuilt; emitter-appended) ---
"""Pipeline reference for scband-rtloptimization-gnn-69423851372873 (READ-ONLY COPY).

The authoritative reference and input builder live on the scoring server;
editing this copy changes nothing except your own understanding.
"""

import jax, jax.numpy as jnp
import numpy as np

N = 10000
E = 160000
H = 512
L = 4

def setup_inputs(seed: int = 0) -> dict:
    key = jax.random.key(seed)
    ks = jax.random.split(key, 40)
    def rn(i, shape, s=0.05):
        return jax.random.normal(ks[i], shape, dtype=jnp.float32) * s
    inp = {}
    inp['x'] = jax.random.normal(ks[0], (N, 24), dtype=jnp.float32)
    inp['edge_index'] = jax.random.randint(ks[1], (2, E), 0, N, dtype=jnp.int32)
    inp['node_type_emb'] = rn(2, (4, 16), 0.1)
    inp['gate_type_emb'] = rn(3, (9, 16), 0.1)
    inp['enc_W'] = rn(4, (24 + 32, H))
    inp['enc_b'] = jnp.zeros((H,), jnp.float32)
    inp['convW'] = rn(5, (L, H, H))
    inp['convb'] = jnp.zeros((L, H), jnp.float32)
    inp['bn_gamma'] = jnp.ones((L, H), jnp.float32)
    inp['bn_beta'] = jnp.zeros((L, H), jnp.float32)
    inp['bn_mean'] = jnp.zeros((L, H), jnp.float32)
    inp['bn_var'] = jnp.ones((L, H), jnp.float32)
    inp['att_W1'] = rn(6, (H, H // 2))
    inp['att_b1'] = jnp.zeros((H // 2,), jnp.float32)
    inp['att_W2'] = rn(7, (H // 2, 1))
    inp['att_b2'] = jnp.zeros((1,), jnp.float32)
    inp['gp_W1'] = rn(8, (H, H))
    inp['gp_b1'] = jnp.zeros((H,), jnp.float32)
    inp['gp_W2'] = rn(9, (H, H))
    inp['gp_b2'] = jnp.zeros((H,), jnp.float32)
    inp['ppa_W1'] = rn(10, (H, H // 2))
    inp['ppa_b1'] = jnp.zeros((H // 2,), jnp.float32)
    inp['ppa_W2'] = rn(11, (H // 2, 3))
    inp['ppa_b2'] = jnp.zeros((3,), jnp.float32)
    inp['val_W1'] = rn(12, (H, H // 2))
    inp['val_b1'] = jnp.zeros((H // 2,), jnp.float32)
    inp['val_W2'] = rn(13, (H // 2, 1))
    inp['val_b2'] = jnp.zeros((1,), jnp.float32)
    inp['conf_W1'] = rn(14, (H, H // 2))
    inp['conf_b1'] = jnp.zeros((H // 2,), jnp.float32)
    inp['conf_W2'] = rn(15, (H // 2, 1))
    inp['conf_b2'] = jnp.zeros((1,), jnp.float32)
    return inp

def reference(x, edge_index, node_type_emb, gate_type_emb, enc_W, enc_b, convW, convb, bn_gamma, bn_beta, bn_mean, bn_var, att_W1, att_b1, att_W2, att_b2, gp_W1, gp_b1, gp_W2, gp_b2, ppa_W1, ppa_b1, ppa_W2, ppa_b2, val_W1, val_b1, val_W2, val_b2, conf_W1, conf_b1, conf_W2, conf_b2):
    n = x.shape[0]
    # _encode_node_features
    nt = jnp.argmax(x[:, :4], axis=1)
    gt = jnp.argmax(x[:, 4:12], axis=1)
    h = jnp.concatenate([x, node_type_emb[nt], gate_type_emb[gt]], axis=1)
    h = jax.nn.relu(h @ enc_W + enc_b)
    # GCNConv preprocessing: add self-loops, symmetric normalization
    loop = jnp.arange(n, dtype=edge_index.dtype)
    src = jnp.concatenate([edge_index[0], loop])
    dst = jnp.concatenate([edge_index[1], loop])
    deg = jax.ops.segment_sum(jnp.ones(src.shape[0], dtype=h.dtype), dst, num_segments=n)
    dinv = jnp.where(deg > 0, deg ** -0.5, 0.0)
    norm = (dinv[src] * dinv[dst])[:, None]
    # conv stack (eval mode: dropout is identity, BN uses running stats)
    for i in range(convW.shape[0]):
        hl = h @ convW[i]
        h = jax.ops.segment_sum(hl[src] * norm, dst, num_segments=n) + convb[i]
        h = (h - bn_mean[i]) / jnp.sqrt(bn_var[i] + 1e-5) * bn_gamma[i] + bn_beta[i]
        h = jax.nn.relu(h)
    # attention_mean pooling (batch is None -> single graph)
    att = jax.nn.sigmoid(jax.nn.relu(h @ att_W1 + att_b1) @ att_W2 + att_b2)
    pooled = jnp.sum(h * att, axis=0, keepdims=True) / jnp.sum(att)
    g = jax.nn.relu(pooled @ gp_W1 + gp_b1) @ gp_W2 + gp_b2
    ppa = jax.nn.sigmoid(jax.nn.relu(g @ ppa_W1 + ppa_b1) @ ppa_W2 + ppa_b2)
    val = jax.nn.relu(g @ val_W1 + val_b1) @ val_W2 + val_b2
    conf = jax.nn.sigmoid(jax.nn.relu(g @ conf_W1 + conf_b1) @ conf_W2 + conf_b2)
    return (g, ppa, val, conf)

if __name__ == "__main__":
    import jax
    _d = setup_inputs()
    print(jax.jit(kernel)(*tuple(_d.values())))

</pallas_src>

<mosaic_0001>
#map = affine_map<(d0, d1) -> (0, 0, 0)>
#map1 = affine_map<(d0, d1) -> (0, 0)>
module attributes {stable_mosaic.version = 14 : i64} {
  func.func @body(%arg0: i32, %arg1: i32, %arg2: memref<4x10240x128xf32, #tpu.memory_space<hbm>>, %arg3: memref<16x10112xi32, #tpu.memory_space<hbm>>, %arg4: memref<16x10112xi32, #tpu.memory_space<hbm>>, %arg5: memref<4x10240x128xf32, #tpu.memory_space<hbm>>, %arg6: memref<128xi32, #tpu.memory_space<vmem>>, %arg7: memref<128xi32, #tpu.memory_space<vmem>>, %arg8: memref<128x128xf32, #tpu.memory_space<vmem>>, %arg9: memref<10240x128xf32, #tpu.memory_space<vmem_shared>>) attributes {dimension_semantics = [#tpu.dimension_semantics<core_parallel>, #tpu.dimension_semantics<subcore_parallel>], iteration_bounds = array<i64: 2, 16>, scalar_prefetch = 0 : i64, scratch_operands = 4 : i64, tpu.core_type = #tpu.core_type<sc_vector_subcore>, window_params = [{transform_indices = #map}, {transform_indices = #map1}, {transform_indices = #map1}, {transform_indices = #map}]} {
    %mul3A = arith.constant 2 : i32
    %mul3A_0 = arith.muli %arg0, %mul3A : i32
    %add3A = arith.constant 0 : i32
    %add3A_1 = arith.addi %mul3A_0, %add3A : i32
    %mul3A_2 = arith.constant 640 : i32
    %mul3A_3 = arith.muli %arg1, %mul3A_2 : i32
    %mul3A_4 = arith.constant 640 : i32
    %mul3A_5 = arith.muli %arg1, %mul3A_4 : i32
    "tpu.region"() ({
      %run_scoped3A = tpu.sem_alloc : memref<!tpu.dma_semaphore, #tpu.memory_space<semaphore_mem>>
      %dma_start3A = arith.constant 0 : i32
      %dma_start3A_38 = tpu.memref_slice %arg9[%mul3A_5, %dma_start3A] : memref<10240x128xf32, #tpu.memory_space<vmem_shared>> -> memref<640x128xf32, #tpu.memory_space<vmem_shared>>
      %dma_start3A_39 = arith.constant 0 : i32
      %dma_start3A_40 = arith.constant 0 : i32
      %dma_start3A_41 = tpu.memref_slice %arg2[%add3A_1, %dma_start3A_39, %dma_start3A_40] : memref<4x10240x128xf32, #tpu.memory_space<hbm>> -> memref<1x10240x128xf32, #tpu.memory_space<hbm>>
      %dma_start3A_42 = tpu.memref_squeeze %dma_start3A_41 : memref<1x10240x128xf32, #tpu.memory_space<hbm>> -> memref<10240x128xf32, #tpu.memory_space<hbm>>
      %dma_start3A_43 = arith.constant 0 : i32
      %dma_start3A_44 = tpu.memref_slice %dma_start3A_42[%mul3A_3, %dma_start3A_43] : memref<10240x128xf32, #tpu.memory_space<hbm>> -> memref<640x128xf32, #tpu.memory_space<hbm>>
      tpu.enqueue_dma source(%dma_start3A_44 : memref<640x128xf32, #tpu.memory_space<hbm>>) target(%dma_start3A_38 : memref<640x128xf32, #tpu.memory_space<vmem_shared>>) target_semaphore(%run_scoped3A : memref<!tpu.dma_semaphore, #tpu.memory_space<semaphore_mem>>)
      %dma_wait3A = arith.constant 0 : i32
      %dma_wait3A_45 = tpu.memref_slice %arg9[%mul3A_5, %dma_wait3A] : memref<10240x128xf32, #tpu.memory_space<vmem_shared>> -> memref<640x128xf32, #tpu.memory_space<vmem_shared>>
      %dma_wait3A_46 = arith.constant 0 : i32
      %dma_wait3A_47 = arith.constant 0 : i32
      %dma_wait3A_48 = tpu.memref_slice %arg2[%add3A_1, %dma_wait3A_46, %dma_wait3A_47] : memref<4x10240x128xf32, #tpu.memory_space<hbm>> -> memref<1x10240x128xf32, #tpu.memory_space<hbm>>
      %dma_wait3A_49 = tpu.memref_squeeze %dma_wait3A_48 : memref<1x10240x128xf32, #tpu.memory_space<hbm>> -> memref<10240x128xf32, #tpu.memory_space<hbm>>
      %dma_wait3A_50 = arith.constant 0 : i32
      %dma_wait3A_51 = tpu.memref_slice %dma_wait3A_49[%mul3A_3, %dma_wait3A_50] : memref<10240x128xf32, #tpu.memory_space<hbm>> -> memref<640x128xf32, #tpu.memory_space<hbm>>
      tpu.wait_dma2 semaphore(%run_scoped3A : memref<!tpu.dma_semaphore, #tpu.memory_space<semaphore_mem>>) src(%dma_wait3A_51 : memref<640x128xf32, #tpu.memory_space<hbm>>) dst(%dma_wait3A_45 : memref<640x128xf32, #tpu.memory_space<vmem_shared>>)
      tpu.yield
    }) : () -> ()
    %barrier3A = arith.constant 0 : index
    tpu.barrier barrier_id(%barrier3A)
    %scan3A = arith.constant 0 : i32
    %scan3A_6 = arith.constant 0 : i32
    %scan3A_7 = arith.constant 79 : i32
    %scan3A_8 = arith.addi %scan3A_6, %scan3A_7 : i32
    %scan3A_9 = arith.constant 1 : i32
    scf.for %scan3A_38 = %scan3A_6 to %scan3A_8 step %scan3A_9  : i32 {
      %mul3A_39 = arith.constant 128 : i32
      %mul3A_40 = arith.muli %scan3A_38, %mul3A_39 : i32
      "tpu.region"() ({
        %run_scoped3A = tpu.sem_alloc : memref<!tpu.dma_semaphore, #tpu.memory_space<semaphore_mem>>
        %dma_start3A = tpu.memref_slice %arg3[%arg1, %mul3A_40] : memref<16x10112xi32, #tpu.memory_space<hbm>> -> memref<1x128xi32, #tpu.memory_space<hbm>>
        %dma_start3A_41 = tpu.memref_squeeze %dma_start3A : memref<1x128xi32, #tpu.memory_space<hbm>> -> memref<128xi32, #tpu.memory_space<hbm>>
        %dma_start3A_42 = tpu.memref_slice %arg3[%arg1, %mul3A_40] : memref<16x10112xi32, #tpu.memory_space<hbm>> -> memref<1x128xi32, #tpu.memory_space<hbm>>
        %dma_start3A_43 = tpu.memref_squeeze %dma_start3A_42 : memref<1x128xi32, #tpu.memory_space<hbm>> -> memref<128xi32, #tpu.memory_space<hbm>>
        tpu.enqueue_dma source(%dma_start3A_43 : memref<128xi32, #tpu.memory_space<hbm>>) target(%arg6 : memref<128xi32, #tpu.memory_space<vmem>>) target_semaphore(%run_scoped3A : memref<!tpu.dma_semaphore, #tpu.memory_space<semaphore_mem>>)
        %dma_wait3A = tpu.memref_slice %arg3[%arg1, %mul3A_40] : memref<16x10112xi32, #tpu.memory_space<hbm>> -> memref<1x128xi32, #tpu.memory_space<hbm>>
        %dma_wait3A_44 = tpu.memref_squeeze %dma_wait3A : memref<1x128xi32, #tpu.memory_space<hbm>> -> memref<128xi32, #tpu.memory_space<hbm>>
        %dma_wait3A_45 = tpu.memref_slice %arg3[%arg1, %mul3A_40] : memref<16x10112xi32, #tpu.memory_space<hbm>> -> memref<1x128xi32, #tpu.memory_space<hbm>>
        %dma_wait3A_46 = tpu.memref_squeeze %dma_wait3A_45 : memref<1x128xi32, #tpu.memory_space<hbm>> -> memref<128xi32, #tpu.memory_space<hbm>>
        tpu.wait_dma2 semaphore(%run_scoped3A : memref<!tpu.dma_semaphore, #tpu.memory_space<semaphore_mem>>) src(%dma_wait3A_46 : memref<128xi32, #tpu.memory_space<hbm>>) dst(%arg6 : memref<128xi32, #tpu.memory_space<vmem>>)
        tpu.yield
      }) : () -> ()
      "tpu.region"() ({
        %run_scoped3A = tpu.sem_alloc : memref<!tpu.dma_semaphore, #tpu.memory_space<semaphore_mem>>
        %dma_start3A = tpu.memref_slice %arg4[%arg1, %mul3A_40] : memref<16x10112xi32, #tpu.memory_space<hbm>> -> memref<1x128xi32, #tpu.memory_space<hbm>>
        %dma_start3A_41 = tpu.memref_squeeze %dma_start3A : memref<1x128xi32, #tpu.memory_space<hbm>> -> memref<128xi32, #tpu.memory_space<hbm>>
        %dma_start3A_42 = tpu.memref_slice %arg4[%arg1, %mul3A_40] : memref<16x10112xi32, #tpu.memory_space<hbm>> -> memref<1x128xi32, #tpu.memory_space<hbm>>
        %dma_start3A_43 = tpu.memref_squeeze %dma_start3A_42 : memref<1x128xi32, #tpu.memory_space<hbm>> -> memref<128xi32, #tpu.memory_space<hbm>>
        tpu.enqueue_dma source(%dma_start3A_43 : memref<128xi32, #tpu.memory_space<hbm>>) target(%arg7 : memref<128xi32, #tpu.memory_space<vmem>>) target_semaphore(%run_scoped3A : memref<!tpu.dma_semaphore, #tpu.memory_space<semaphore_mem>>)
        %dma_wait3A = tpu.memref_slice %arg4[%arg1, %mul3A_40] : memref<16x10112xi32, #tpu.memory_space<hbm>> -> memref<1x128xi32, #tpu.memory_space<hbm>>
        %dma_wait3A_44 = tpu.memref_squeeze %dma_wait3A : memref<1x128xi32, #tpu.memory_space<hbm>> -> memref<128xi32, #tpu.memory_space<hbm>>
        %dma_wait3A_45 = tpu.memref_slice %arg4[%arg1, %mul3A_40] : memref<16x10112xi32, #tpu.memory_space<hbm>> -> memref<1x128xi32, #tpu.memory_space<hbm>>
        %dma_wait3A_46 = tpu.memref_squeeze %dma_wait3A_45 : memref<1x128xi32, #tpu.memory_space<hbm>> -> memref<128xi32, #tpu.memory_space<hbm>>
        tpu.wait_dma2 semaphore(%run_scoped3A : memref<!tpu.dma_semaphore, #tpu.memory_space<semaphore_mem>>) src(%dma_wait3A_46 : memref<128xi32, #tpu.memory_space<hbm>>) dst(%arg7 : memref<128xi32, #tpu.memory_space<vmem>>)
        tpu.yield
      }) : () -> ()
      "tpu.region"() ({
        %run_scoped3A = tpu.sem_alloc : memref<!tpu.dma_semaphore, #tpu.memory_space<semaphore_mem>>
        %dma_start3A = arith.constant 0 : i32
        %dma_start3A_41 = arith.constant 0 : i32
        %dma_start3A_42 = tpu.memref_slice %arg2[%add3A_1, %dma_start3A, %dma_start3A_41] : memref<4x10240x128xf32, #tpu.memory_space<hbm>> -> memref<1x10240x128xf32, #tpu.memory_space<hbm>>
        %dma_start3A_43 = tpu.memref_squeeze %dma_start3A_42 : memref<1x10240x128xf32, #tpu.memory_space<hbm>> -> memref<10240x128xf32, #tpu.memory_space<hbm>>
        %dma_start3A_44 = arith.constant 0 : i32
        %dma_start3A_45 = arith.constant 0 : i32
        %dma_start3A_46 = tpu.memref_slice %dma_start3A_43[%dma_start3A_44, %dma_start3A_45] : memref<10240x128xf32, #tpu.memory_space<hbm>> -> memref<10240x128xf32, #tpu.memory_space<hbm>>
        tpu.enqueue_indirect_dma source(%dma_start3A_46 : memref<10240x128xf32, #tpu.memory_space<hbm>>) target(%arg8 : memref<128x128xf32, #tpu.memory_space<vmem>>) offsets(%arg6 : memref<128xi32, #tpu.memory_space<vmem>>) semaphore(%run_scoped3A : memref<!tpu.dma_semaphore, #tpu.memory_space<semaphore_mem>>)
        %dma_wait3A = arith.constant 0 : i32
        %dma_wait3A_47 = arith.constant 0 : i32
        %dma_wait3A_48 = tpu.memref_slice %arg2[%add3A_1, %dma_wait3A, %dma_wait3A_47] : memref<4x10240x128xf32, #tpu.memory_space<hbm>> -> memref<1x10240x128xf32, #tpu.memory_space<hbm>>
        %dma_wait3A_49 = tpu.memref_squeeze %dma_wait3A_48 : memref<1x10240x128xf32, #tpu.memory_space<hbm>> -> memref<10240x128xf32, #tpu.memory_space<hbm>>
        %dma_wait3A_50 = arith.constant 0 : i32
        %dma_wait3A_51 = arith.constant 0 : i32
        %dma_wait3A_52 = tpu.memref_slice %dma_wait3A_49[%dma_wait3A_50, %dma_wait3A_51] : memref<10240x128xf32, #tpu.memory_space<hbm>> -> memref<10240x128xf32, #tpu.memory_space<hbm>>
        tpu.wait_indirect_dma semaphore(%run_scoped3A : memref<!tpu.dma_semaphore, #tpu.memory_space<semaphore_mem>>) src(%dma_wait3A_52 : memref<10240x128xf32, #tpu.memory_space<hbm>>) dst(%arg8 : memref<128x128xf32, #tpu.memory_space<vmem>>)
        tpu.yield
      }) : () -> ()
      "tpu.region"() ({
        %run_scoped3A = tpu.sem_alloc : memref<!tpu.dma_semaphore, #tpu.memory_space<semaphore_mem>>
        %dma_start3A = arith.constant 0 : i32
        %dma_start3A_41 = arith.constant 0 : i32
        %dma_start3A_42 = tpu.memref_slice %arg9[%dma_start3A, %dma_start3A_41] : memref<10240x128xf32, #tpu.memory_space<vmem_shared>> -> memref<10240x128xf32, #tpu.memory_space<vmem_shared>>
        tpu.enqueue_indirect_dma source(%arg8 : memref<128x128xf32, #tpu.memory_space<vmem>>) target(%dma_start3A_42 : memref<10240x128xf32, #tpu.memory_space<vmem_shared>>) offsets(%arg7 : memref<128xi32, #tpu.memory_space<vmem>>) semaphore(%run_scoped3A : memref<!tpu.dma_semaphore, #tpu.memory_space<semaphore_mem>>) {add = true}
        %dma_wait3A = arith.constant 0 : i32
        %dma_wait3A_43 = arith.constant 0 : i32
        %dma_wait3A_44 = tpu.memref_slice %arg9[%dma_wait3A, %dma_wait3A_43] : memref<10240x128xf32, #tpu.memory_space<vmem_shared>> -> memref<10240x128xf32, #tpu.memory_space<vmem_shared>>
        tpu.wait_indirect_dma semaphore(%run_scoped3A : memref<!tpu.dma_semaphore, #tpu.memory_space<semaphore_mem>>) src(%arg8 : memref<128x128xf32, #tpu.memory_space<vmem>>) dst(%dma_wait3A_44 : memref<10240x128xf32, #tpu.memory_space<vmem_shared>>)
        tpu.yield
      }) : () -> ()
    }
    %scan3A_10 = arith.constant 79 : i32
    %barrier3A_11 = arith.constant 0 : index
    tpu.barrier barrier_id(%barrier3A_11)
    %mul3A_12 = arith.constant 640 : i32
    %mul3A_13 = arith.muli %arg1, %mul3A_12 : i32
    %mul3A_14 = arith.constant 640 : i32
    %mul3A_15 = arith.muli %arg1, %mul3A_14 : i32
    "tpu.region"() ({
      %run_scoped3A = tpu.sem_alloc : memref<!tpu.dma_semaphore, #tpu.memory_space<semaphore_mem>>
      %dma_start3A = arith.constant 0 : i32
      %dma_start3A_38 = tpu.memref_slice %arg5[%add3A_1, %mul3A_15, %dma_start3A] : memref<4x10240x128xf32, #tpu.memory_space<hbm>> -> memref<1x640x128xf32, #tpu.memory_space<hbm>>
      %dma_start3A_39 = tpu.memref_squeeze %dma_start3A_38 : memref<1x640x128xf32, #tpu.memory_space<hbm>> -> memref<640x128xf32, #tpu.memory_space<hbm>>
      %dma_start3A_40 = arith.constant 0 : i32
      %dma_start3A_41 = tpu.memref_slice %arg9[%mul3A_13, %dma_start3A_40] : memref<10240x128xf32, #tpu.memory_space<vmem_shared>> -> memref<640x128xf32, #tpu.memory_space<vmem_shared>>
      tpu.enqueue_dma source(%dma_start3A_41 : memref<640x128xf32, #tpu.memory_space<vmem_shared>>) target(%dma_start3A_39 : memref<640x128xf32, #tpu.memory_space<hbm>>) target_semaphore(%run_scoped3A : memref<!tpu.dma_semaphore, #tpu.memory_space<semaphore_mem>>)
      %dma_wait3A = arith.constant 0 : i32
      %dma_wait3A_42 = tpu.memref_slice %arg5[%add3A_1, %mul3A_15, %dma_wait3A] : memref<4x10240x128xf32, #tpu.memory_space<hbm>> -> memref<1x640x128xf32, #tpu.memory_space<hbm>>
      %dma_wait3A_43 = tpu.memref_squeeze %dma_wait3A_42 : memref<1x640x128xf32, #tpu.memory_space<hbm>> -> memref<640x128xf32, #tpu.memory_space<hbm>>
      %dma_wait3A_44 = arith.constant 0 : i32
      %dma_wait3A_45 = tpu.memref_slice %arg9[%mul3A_13, %dma_wait3A_44] : memref<10240x128xf32, #tpu.memory_space<vmem_shared>> -> memref<640x128xf32, #tpu.memory_space<vmem_shared>>
      tpu.wait_dma2 semaphore(%run_scoped3A : memref<!tpu.dma_semaphore, #tpu.memory_space<semaphore_mem>>) src(%dma_wait3A_45 : memref<640x128xf32, #tpu.memory_space<vmem_shared>>) dst(%dma_wait3A_43 : memref<640x128xf32, #tpu.memory_space<hbm>>)
      tpu.yield
    }) : () -> ()
    %barrier3A_16 = arith.constant 0 : index
    tpu.barrier barrier_id(%barrier3A_16)
    %mul3A_17 = arith.constant 2 : i32
    %mul3A_18 = arith.muli %arg0, %mul3A_17 : i32
    %add3A_19 = arith.constant 1 : i32
    %add3A_20 = arith.addi %mul3A_18, %add3A_19 : i32
    %mul3A_21 = arith.constant 640 : i32
    %mul3A_22 = arith.muli %arg1, %mul3A_21 : i32
    %mul3A_23 = arith.constant 640 : i32
    %mul3A_24 = arith.muli %arg1, %mul3A_23 : i32
    "tpu.region"() ({
      %run_scoped3A = tpu.sem_alloc : memref<!tpu.dma_semaphore, #tpu.memory_space<semaphore_mem>>
      %dma_start3A = arith.constant 0 : i32
      %dma_start3A_38 = tpu.memref_slice %arg9[%mul3A_24, %dma_start3A] : memref<10240x128xf32, #tpu.memory_space<vmem_shared>> -> memref<640x128xf32, #tpu.memory_space<vmem_shared>>
      %dma_start3A_39 = arith.constant 0 : i32
      %dma_start3A_40 = arith.constant 0 : i32
      %dma_start3A_41 = tpu.memref_slice %arg2[%add3A_20, %dma_start3A_39, %dma_start3A_40] : memref<4x10240x128xf32, #tpu.memory_space<hbm>> -> memref<1x10240x128xf32, #tpu.memory_space<hbm>>
      %dma_start3A_42 = tpu.memref_squeeze %dma_start3A_41 : memref<1x10240x128xf32, #tpu.memory_space<hbm>> -> memref<10240x128xf32, #tpu.memory_space<hbm>>
      %dma_start3A_43 = arith.constant 0 : i32
      %dma_start3A_44 = tpu.memref_slice %dma_start3A_42[%mul3A_22, %dma_start3A_43] : memref<10240x128xf32, #tpu.memory_space<hbm>> -> memref<640x128xf32, #tpu.memory_space<hbm>>
      tpu.enqueue_dma source(%dma_start3A_44 : memref<640x128xf32, #tpu.memory_space<hbm>>) target(%dma_start3A_38 : memref<640x128xf32, #tpu.memory_space<vmem_shared>>) target_semaphore(%run_scoped3A : memref<!tpu.dma_semaphore, #tpu.memory_space<semaphore_mem>>)
      %dma_wait3A = arith.constant 0 : i32
      %dma_wait3A_45 = tpu.memref_slice %arg9[%mul3A_24, %dma_wait3A] : memref<10240x128xf32, #tpu.memory_space<vmem_shared>> -> memref<640x128xf32, #tpu.memory_space<vmem_shared>>
      %dma_wait3A_46 = arith.constant 0 : i32
      %dma_wait3A_47 = arith.constant 0 : i32
      %dma_wait3A_48 = tpu.memref_slice %arg2[%add3A_20, %dma_wait3A_46, %dma_wait3A_47] : memref<4x10240x128xf32, #tpu.memory_space<hbm>> -> memref<1x10240x128xf32, #tpu.memory_space<hbm>>
      %dma_wait3A_49 = tpu.memref_squeeze %dma_wait3A_48 : memref<1x10240x128xf32, #tpu.memory_space<hbm>> -> memref<10240x128xf32, #tpu.memory_space<hbm>>
      %dma_wait3A_50 = arith.constant 0 : i32
      %dma_wait3A_51 = tpu.memref_slice %dma_wait3A_49[%mul3A_22, %dma_wait3A_50] : memref<10240x128xf32, #tpu.memory_space<hbm>> -> memref<640x128xf32, #tpu.memory_space<hbm>>
      tpu.wait_dma2 semaphore(%run_scoped3A : memref<!tpu.dma_semaphore, #tpu.memory_space<semaphore_mem>>) src(%dma_wait3A_51 : memref<640x128xf32, #tpu.memory_space<hbm>>) dst(%dma_wait3A_45 : memref<640x128xf32, #tpu.memory_space<vmem_shared>>)
      tpu.yield
    }) : () -> ()
    %barrier3A_25 = arith.constant 0 : index
    tpu.barrier barrier_id(%barrier3A_25)
    %scan3A_26 = arith.constant 0 : i32
    %scan3A_27 = arith.constant 0 : i32
    %scan3A_28 = arith.constant 79 : i32
    %scan3A_29 = arith.addi %scan3A_27, %scan3A_28 : i32
    %scan3A_30 = arith.constant 1 : i32
    scf.for %scan3A_38 = %scan3A_27 to %scan3A_29 step %scan3A_30  : i32 {
      %mul3A_39 = arith.constant 128 : i32
      %mul3A_40 = arith.muli %scan3A_38, %mul3A_39 : i32
      "tpu.region"() ({
        %run_scoped3A = tpu.sem_alloc : memref<!tpu.dma_semaphore, #tpu.memory_space<semaphore_mem>>
        %dma_start3A = tpu.memref_slice %arg3[%arg1, %mul3A_40] : memref<16x10112xi32, #tpu.memory_space<hbm>> -> memref<1x128xi32, #tpu.memory_space<hbm>>
        %dma_start3A_41 = tpu.memref_squeeze %dma_start3A : memref<1x128xi32, #tpu.memory_space<hbm>> -> memref<128xi32, #tpu.memory_space<hbm>>
        %dma_start3A_42 = tpu.memref_slice %arg3[%arg1, %mul3A_40] : memref<16x10112xi32, #tpu.memory_space<hbm>> -> memref<1x128xi32, #tpu.memory_space<hbm>>
        %dma_start3A_43 = tpu.memref_squeeze %dma_start3A_42 : memref<1x128xi32, #tpu.memory_space<hbm>> -> memref<128xi32, #tpu.memory_space<hbm>>
        tpu.enqueue_dma source(%dma_start3A_43 : memref<128xi32, #tpu.memory_space<hbm>>) target(%arg6 : memref<128xi32, #tpu.memory_space<vmem>>) target_semaphore(%run_scoped3A : memref<!tpu.dma_semaphore, #tpu.memory_space<semaphore_mem>>)
        %dma_wait3A = tpu.memref_slice %arg3[%arg1, %mul3A_40] : memref<16x10112xi32, #tpu.memory_space<hbm>> -> memref<1x128xi32, #tpu.memory_space<hbm>>
        %dma_wait3A_44 = tpu.memref_squeeze %dma_wait3A : memref<1x128xi32, #tpu.memory_space<hbm>> -> memref<128xi32, #tpu.memory_space<hbm>>
        %dma_wait3A_45 = tpu.memref_slice %arg3[%arg1, %mul3A_40] : memref<16x10112xi32, #tpu.memory_space<hbm>> -> memref<1x128xi32, #tpu.memory_space<hbm>>
        %dma_wait3A_46 = tpu.memref_squeeze %dma_wait3A_45 : memref<1x128xi32, #tpu.memory_space<hbm>> -> memref<128xi32, #tpu.memory_space<hbm>>
        tpu.wait_dma2 semaphore(%run_scoped3A : memref<!tpu.dma_semaphore, #tpu.memory_space<semaphore_mem>>) src(%dma_wait3A_46 : memref<128xi32, #tpu.memory_space<hbm>>) dst(%arg6 : memref<128xi32, #tpu.memory_space<vmem>>)
        tpu.yield
      }) : () -> ()
      "tpu.region"() ({
        %run_scoped3A = tpu.sem_alloc : memref<!tpu.dma_semaphore, #tpu.memory_space<semaphore_mem>>
        %dma_start3A = tpu.memref_slice %arg4[%arg1, %mul3A_40] : memref<16x10112xi32, #tpu.memory_space<hbm>> -> memref<1x128xi32, #tpu.memory_space<hbm>>
        %dma_start3A_41 = tpu.memref_squeeze %dma_start3A : memref<1x128xi32, #tpu.memory_space<hbm>> -> memref<128xi32, #tpu.memory_space<hbm>>
        %dma_start3A_42 = tpu.memref_slice %arg4[%arg1, %mul3A_40] : memref<16x10112xi32, #tpu.memory_space<hbm>> -> memref<1x128xi32, #tpu.memory_space<hbm>>
        %dma_start3A_43 = tpu.memref_squeeze %dma_start3A_42 : memref<1x128xi32, #tpu.memory_space<hbm>> -> memref<128xi32, #tpu.memory_space<hbm>>
        tpu.enqueue_dma source(%dma_start3A_43 : memref<128xi32, #tpu.memory_space<hbm>>) target(%arg7 : memref<128xi32, #tpu.memory_space<vmem>>) target_semaphore(%run_scoped3A : memref<!tpu.dma_semaphore, #tpu.memory_space<semaphore_mem>>)
        %dma_wait3A = tpu.memref_slice %arg4[%arg1, %mul3A_40] : memref<16x10112xi32, #tpu.memory_space<hbm>> -> memref<1x128xi32, #tpu.memory_space<hbm>>
        %dma_wait3A_44 = tpu.memref_squeeze %dma_wait3A : memref<1x128xi32, #tpu.memory_space<hbm>> -> memref<128xi32, #tpu.memory_space<hbm>>
        %dma_wait3A_45 = tpu.memref_slice %arg4[%arg1, %mul3A_40] : memref<16x10112xi32, #tpu.memory_space<hbm>> -> memref<1x128xi32, #tpu.memory_space<hbm>>
        %dma_wait3A_46 = tpu.memref_squeeze %dma_wait3A_45 : memref<1x128xi32, #tpu.memory_space<hbm>> -> memref<128xi32, #tpu.memory_space<hbm>>
        tpu.wait_dma2 semaphore(%run_scoped3A : memref<!tpu.dma_semaphore, #tpu.memory_space<semaphore_mem>>) src(%dma_wait3A_46 : memref<128xi32, #tpu.memory_space<hbm>>) dst(%arg7 : memref<128xi32, #tpu.memory_space<vmem>>)
        tpu.yield
      }) : () -> ()
      "tpu.region"() ({
        %run_scoped3A = tpu.sem_alloc : memref<!tpu.dma_semaphore, #tpu.memory_space<semaphore_mem>>
        %dma_start3A = arith.constant 0 : i32
        %dma_start3A_41 = arith.constant 0 : i32
        %dma_start3A_42 = tpu.memref_slice %arg2[%add3A_20, %dma_start3A, %dma_start3A_41] : memref<4x10240x128xf32, #tpu.memory_space<hbm>> -> memref<1x10240x128xf32, #tpu.memory_space<hbm>>
        %dma_start3A_43 = tpu.memref_squeeze %dma_start3A_42 : memref<1x10240x128xf32, #tpu.memory_space<hbm>> -> memref<10240x128xf32, #tpu.memory_space<hbm>>
        %dma_start3A_44 = arith.constant 0 : i32
        %dma_start3A_45 = arith.constant 0 : i32
        %dma_start3A_46 = tpu.memref_slice %dma_start3A_43[%dma_start3A_44, %dma_start3A_45] : memref<10240x128xf32, #tpu.memory_space<hbm>> -> memref<10240x128xf32, #tpu.memory_space<hbm>>
        tpu.enqueue_indirect_dma source(%dma_start3A_46 : memref<10240x128xf32, #tpu.memory_space<hbm>>) target(%arg8 : memref<128x128xf32, #tpu.memory_space<vmem>>) offsets(%arg6 : memref<128xi32, #tpu.memory_space<vmem>>) semaphore(%run_scoped3A : memref<!tpu.dma_semaphore, #tpu.memory_space<semaphore_mem>>)
        %dma_wait3A = arith.constant 0 : i32
        %dma_wait3A_47 = arith.constant 0 : i32
        %dma_wait3A_48 = tpu.memref_slice %arg2[%add3A_20, %dma_wait3A, %dma_wait3A_47] : memref<4x10240x128xf32, #tpu.memory_space<hbm>> -> memref<1x10240x128xf32, #tpu.memory_space<hbm>>
        %dma_wait3A_49 = tpu.memref_squeeze %dma_wait3A_48 : memref<1x10240x128xf32, #tpu.memory_space<hbm>> -> memref<10240x128xf32, #tpu.memory_space<hbm>>
        %dma_wait3A_50 = arith.constant 0 : i32
        %dma_wait3A_51 = arith.constant 0 : i32
        %dma_wait3A_52 = tpu.memref_slice %dma_wait3A_49[%dma_wait3A_50, %dma_wait3A_51] : memref<10240x128xf32, #tpu.memory_space<hbm>> -> memref<10240x128xf32, #tpu.memory_space<hbm>>
        tpu.wait_indirect_dma semaphore(%run_scoped3A : memref<!tpu.dma_semaphore, #tpu.memory_space<semaphore_mem>>) src(%dma_wait3A_52 : memref<10240x128xf32, #tpu.memory_space<hbm>>) dst(%arg8 : memref<128x128xf32, #tpu.memory_space<vmem>>)
        tpu.yield
      }) : () -> ()
      "tpu.region"() ({
        %run_scoped3A = tpu.sem_alloc : memref<!tpu.dma_semaphore, #tpu.memory_space<semaphore_mem>>
        %dma_start3A = arith.constant 0 : i32
        %dma_start3A_41 = arith.constant 0 : i32
        %dma_start3A_42 = tpu.memref_slice %arg9[%dma_start3A, %dma_start3A_41] : memref<10240x128xf32, #tpu.memory_space<vmem_shared>> -> memref<10240x128xf32, #tpu.memory_space<vmem_shared>>
        tpu.enqueue_indirect_dma source(%arg8 : memref<128x128xf32, #tpu.memory_space<vmem>>) target(%dma_start3A_42 : memref<10240x128xf32, #tpu.memory_space<vmem_shared>>) offsets(%arg7 : memref<128xi32, #tpu.memory_space<vmem>>) semaphore(%run_scoped3A : memref<!tpu.dma_semaphore, #tpu.memory_space<semaphore_mem>>) {add = true}
        %dma_wait3A = arith.constant 0 : i32
        %dma_wait3A_43 = arith.constant 0 : i32
        %dma_wait3A_44 = tpu.memref_slice %arg9[%dma_wait3A, %dma_wait3A_43] : memref<10240x128xf32, #tpu.memory_space<vmem_shared>> -> memref<10240x128xf32, #tpu.memory_space<vmem_shared>>
        tpu.wait_indirect_dma semaphore(%run_scoped3A : memref<!tpu.dma_semaphore, #tpu.memory_space<semaphore_mem>>) src(%arg8 : memref<128x128xf32, #tpu.memory_space<vmem>>) dst(%dma_wait3A_44 : memref<10240x128xf32, #tpu.memory_space<vmem_shared>>)
        tpu.yield
      }) : () -> ()
    }
    %scan3A_31 = arith.constant 79 : i32
    %barrier3A_32 = arith.constant 0 : index
    tpu.barrier barrier_id(%barrier3A_32)
    %mul3A_33 = arith.constant 640 : i32
    %mul3A_34 = arith.muli %arg1, %mul3A_33 : i32
    %mul3A_35 = arith.constant 640 : i32
    %mul3A_36 = arith.muli %arg1, %mul3A_35 : i32
    "tpu.region"() ({
      %run_scoped3A = tpu.sem_alloc : memref<!tpu.dma_semaphore, #tpu.memory_space<semaphore_mem>>
      %dma_start3A = arith.constant 0 : i32
      %dma_start3A_38 = tpu.memref_slice %arg5[%add3A_20, %mul3A_36, %dma_start3A] : memref<4x10240x128xf32, #tpu.memory_space<hbm>> -> memref<1x640x128xf32, #tpu.memory_space<hbm>>
      %dma_start3A_39 = tpu.memref_squeeze %dma_start3A_38 : memref<1x640x128xf32, #tpu.memory_space<hbm>> -> memref<640x128xf32, #tpu.memory_space<hbm>>
      %dma_start3A_40 = arith.constant 0 : i32
      %dma_start3A_41 = tpu.memref_slice %arg9[%mul3A_34, %dma_start3A_40] : memref<10240x128xf32, #tpu.memory_space<vmem_shared>> -> memref<640x128xf32, #tpu.memory_space<vmem_shared>>
      tpu.enqueue_dma source(%dma_start3A_41 : memref<640x128xf32, #tpu.memory_space<vmem_shared>>) target(%dma_start3A_39 : memref<640x128xf32, #tpu.memory_space<hbm>>) target_semaphore(%run_scoped3A : memref<!tpu.dma_semaphore, #tpu.memory_space<semaphore_mem>>)
      %dma_wait3A = arith.constant 0 : i32
      %dma_wait3A_42 = tpu.memref_slice %arg5[%add3A_20, %mul3A_36, %dma_wait3A] : memref<4x10240x128xf32, #tpu.memory_space<hbm>> -> memref<1x640x128xf32, #tpu.memory_space<hbm>>
      %dma_wait3A_43 = tpu.memref_squeeze %dma_wait3A_42 : memref<1x640x128xf32, #tpu.memory_space<hbm>> -> memref<640x128xf32, #tpu.memory_space<hbm>>
      %dma_wait3A_44 = arith.constant 0 : i32
      %dma_wait3A_45 = tpu.memref_slice %arg9[%mul3A_34, %dma_wait3A_44] : memref<10240x128xf32, #tpu.memory_space<vmem_shared>> -> memref<640x128xf32, #tpu.memory_space<vmem_shared>>
      tpu.wait_dma2 semaphore(%run_scoped3A : memref<!tpu.dma_semaphore, #tpu.memory_space<semaphore_mem>>) src(%dma_wait3A_45 : memref<640x128xf32, #tpu.memory_space<vmem_shared>>) dst(%dma_wait3A_43 : memref<640x128xf32, #tpu.memory_space<hbm>>)
      tpu.yield
    }) : () -> ()
    %barrier3A_37 = arith.constant 0 : index
    tpu.barrier barrier_id(%barrier3A_37)
    return
  }
}

#map = affine_map<(d0, d1) -> (0, 0, 0)>
#map1 = affine_map<(d0, d1) -> (0, 0)>
module attributes {stable_mosaic.version = 14 : i64} {
  func.func @body(%arg0: i32, %arg1: i32, %arg2: memref<4x10240x128xf32, #tpu.memory_space<hbm>>, %arg3: memref<16x10112xi32, #tpu.memory_space<hbm>>, %arg4: memref<16x10112xi32, #tpu.memory_space<hbm>>, %arg5: memref<4x10240x128xf32, #tpu.memory_space<hbm>>, %arg6: memref<128xi32, #tpu.memory_space<vmem>>, %arg7: memref<128xi32, #tpu.memory_space<vmem>>, %arg8: memref<128x128xf32, #tpu.memory_space<vmem>>, %arg9: memref<10240x128xf32, #tpu.memory_space<vmem_shared>>) attributes {dimension_semantics = [#tpu.dimension_semantics<core_parallel>, #tpu.dimension_semantics<subcore_parallel>], iteration_bounds = array<i64: 2, 16>, scalar_prefetch = 0 : i64, scratch_operands = 4 : i64, tpu.core_type = #tpu.core_type<sc_vector_subcore>, window_params = [{transform_indices = #map}, {transform_indices = #map1}, {transform_indices = #map1}, {transform_indices = #map}]} {
    %mul3A = arith.constant 2 : i32
    %mul3A_0 = arith.muli %arg0, %mul3A : i32
    %add3A = arith.constant 0 : i32
    %add3A_1 = arith.addi %mul3A_0, %add3A : i32
    %mul3A_2 = arith.constant 640 : i32
    %mul3A_3 = arith.muli %arg1, %mul3A_2 : i32
    %mul3A_4 = arith.constant 640 : i32
    %mul3A_5 = arith.muli %arg1, %mul3A_4 : i32
    "tpu.region"() ({
      %run_scoped3A = tpu.sem_alloc : memref<!tpu.dma_semaphore, #tpu.memory_space<semaphore_mem>>
      %dma_start3A = arith.constant 0 : i32
      %dma_start3A_38 = tpu.memref_slice %arg9[%mul3A_5, %dma_start3A] : memref<10240x128xf32, #tpu.memory_space<vmem_shared>> -> memref<640x128xf32, #tpu.memory_space<vmem_shared>>
      %dma_start3A_39 = arith.constant 0 : i32
      %dma_start3A_40 = arith.constant 0 : i32
      %dma_start3A_41 = tpu.memref_slice %arg2[%add3A_1, %dma_start3A_39, %dma_start3A_40] : memref<4x10240x128xf32, #tpu.memory_space<hbm>> -> memref<1x10240x128xf32, #tpu.memory_space<hbm>>
      %dma_start3A_42 = tpu.memref_squeeze %dma_start3A_41 : memref<1x10240x128xf32, #tpu.memory_space<hbm>> -> memref<10240x128xf32, #tpu.memory_space<hbm>>
      %dma_start3A_43 = arith.constant 0 : i32
      %dma_start3A_44 = tpu.memref_slice %dma_start3A_42[%mul3A_3, %dma_start3A_43] : memref<10240x128xf32, #tpu.memory_space<hbm>> -> memref<640x128xf32, #tpu.memory_space<hbm>>
      tpu.enqueue_dma source(%dma_start3A_44 : memref<640x128xf32, #tpu.memory_space<hbm>>) target(%dma_start3A_38 : memref<640x128xf32, #tpu.memory_space<vmem_shared>>) target_semaphore(%run_scoped3A : memref<!tpu.dma_semaphore, #tpu.memory_space<semaphore_mem>>)
      %dma_wait3A = arith.constant 0 : i32
      %dma_wait3A_45 = tpu.memref_slice %arg9[%mul3A_5, %dma_wait3A] : memref<10240x128xf32, #tpu.memory_space<vmem_shared>> -> memref<640x128xf32, #tpu.memory_space<vmem_shared>>
      %dma_wait3A_46 = arith.constant 0 : i32
      %dma_wait3A_47 = arith.constant 0 : i32
      %dma_wait3A_48 = tpu.memref_slice %arg2[%add3A_1, %dma_wait3A_46, %dma_wait3A_47] : memref<4x10240x128xf32, #tpu.memory_space<hbm>> -> memref<1x10240x128xf32, #tpu.memory_space<hbm>>
      %dma_wait3A_49 = tpu.memref_squeeze %dma_wait3A_48 : memref<1x10240x128xf32, #tpu.memory_space<hbm>> -> memref<10240x128xf32, #tpu.memory_space<hbm>>
      %dma_wait3A_50 = arith.constant 0 : i32
      %dma_wait3A_51 = tpu.memref_slice %dma_wait3A_49[%mul3A_3, %dma_wait3A_50] : memref<10240x128xf32, #tpu.memory_space<hbm>> -> memref<640x128xf32, #tpu.memory_space<hbm>>
      tpu.wait_dma2 semaphore(%run_scoped3A : memref<!tpu.dma_semaphore, #tpu.memory_space<semaphore_mem>>) src(%dma_wait3A_51 : memref<640x128xf32, #tpu.memory_space<hbm>>) dst(%dma_wait3A_45 : memref<640x128xf32, #tpu.memory_space<vmem_shared>>)
      tpu.yield
    }) : () -> ()
    %barrier3A = arith.constant 0 : index
    tpu.barrier barrier_id(%barrier3A)
    %scan3A = arith.constant 0 : i32
    %scan3A_6 = arith.constant 0 : i32
    %scan3A_7 = arith.constant 79 : i32
    %scan3A_8 = arith.addi %scan3A_6, %scan3A_7 : i32
    %scan3A_9 = arith.constant 1 : i32
    scf.for %scan3A_38 = %scan3A_6 to %scan3A_8 step %scan3A_9  : i32 {
      %mul3A_39 = arith.constant 128 : i32
      %mul3A_40 = arith.muli %scan3A_38, %mul3A_39 : i32
      "tpu.region"() ({
        %run_scoped3A = tpu.sem_alloc : memref<!tpu.dma_semaphore, #tpu.memory_space<semaphore_mem>>
        %dma_start3A = tpu.memref_slice %arg3[%arg1, %mul3A_40] : memref<16x10112xi32, #tpu.memory_space<hbm>> -> memref<1x128xi32, #tpu.memory_space<hbm>>
        %dma_start3A_41 = tpu.memref_squeeze %dma_start3A : memref<1x128xi32, #tpu.memory_space<hbm>> -> memref<128xi32, #tpu.memory_space<hbm>>
        %dma_start3A_42 = tpu.memref_slice %arg3[%arg1, %mul3A_40] : memref<16x10112xi32, #tpu.memory_space<hbm>> -> memref<1x128xi32, #tpu.memory_space<hbm>>
        %dma_start3A_43 = tpu.memref_squeeze %dma_start3A_42 : memref<1x128xi32, #tpu.memory_space<hbm>> -> memref<128xi32, #tpu.memory_space<hbm>>
        tpu.enqueue_dma source(%dma_start3A_43 : memref<128xi32, #tpu.memory_space<hbm>>) target(%arg6 : memref<128xi32, #tpu.memory_space<vmem>>) target_semaphore(%run_scoped3A : memref<!tpu.dma_semaphore, #tpu.memory_space<semaphore_mem>>)
        %dma_wait3A = tpu.memref_slice %arg3[%arg1, %mul3A_40] : memref<16x10112xi32, #tpu.memory_space<hbm>> -> memref<1x128xi32, #tpu.memory_space<hbm>>
        %dma_wait3A_44 = tpu.memref_squeeze %dma_wait3A : memref<1x128xi32, #tpu.memory_space<hbm>> -> memref<128xi32, #tpu.memory_space<hbm>>
        %dma_wait3A_45 = tpu.memref_slice %arg3[%arg1, %mul3A_40] : memref<16x10112xi32, #tpu.memory_space<hbm>> -> memref<1x128xi32, #tpu.memory_space<hbm>>
        %dma_wait3A_46 = tpu.memref_squeeze %dma_wait3A_45 : memref<1x128xi32, #tpu.memory_space<hbm>> -> memref<128xi32, #tpu.memory_space<hbm>>
        tpu.wait_dma2 semaphore(%run_scoped3A : memref<!tpu.dma_semaphore, #tpu.memory_space<semaphore_mem>>) src(%dma_wait3A_46 : memref<128xi32, #tpu.memory_space<hbm>>) dst(%arg6 : memref<128xi32, #tpu.memory_space<vmem>>)
        tpu.yield
      }) : () -> ()
      "tpu.region"() ({
        %run_scoped3A = tpu.sem_alloc : memref<!tpu.dma_semaphore, #tpu.memory_space<semaphore_mem>>
        %dma_start3A = tpu.memref_slice %arg4[%arg1, %mul3A_40] : memref<16x10112xi32, #tpu.memory_space<hbm>> -> memref<1x128xi32, #tpu.memory_space<hbm>>
        %dma_start3A_41 = tpu.memref_squeeze %dma_start3A : memref<1x128xi32, #tpu.memory_space<hbm>> -> memref<128xi32, #tpu.memory_space<hbm>>
        %dma_start3A_42 = tpu.memref_slice %arg4[%arg1, %mul3A_40] : memref<16x10112xi32, #tpu.memory_space<hbm>> -> memref<1x128xi32, #tpu.memory_space<hbm>>
        %dma_start3A_43 = tpu.memref_squeeze %dma_start3A_42 : memref<1x128xi32, #tpu.memory_space<hbm>> -> memref<128xi32, #tpu.memory_space<hbm>>
        tpu.enqueue_dma source(%dma_start3A_43 : memref<128xi32, #tpu.memory_space<hbm>>) target(%arg7 : memref<128xi32, #tpu.memory_space<vmem>>) target_semaphore(%run_scoped3A : memref<!tpu.dma_semaphore, #tpu.memory_space<semaphore_mem>>)
        %dma_wait3A = tpu.memref_slice %arg4[%arg1, %mul3A_40] : memref<16x10112xi32, #tpu.memory_space<hbm>> -> memref<1x128xi32, #tpu.memory_space<hbm>>
        %dma_wait3A_44 = tpu.memref_squeeze %dma_wait3A : memref<1x128xi32, #tpu.memory_space<hbm>> -> memref<128xi32, #tpu.memory_space<hbm>>
        %dma_wait3A_45 = tpu.memref_slice %arg4[%arg1, %mul3A_40] : memref<16x10112xi32, #tpu.memory_space<hbm>> -> memref<1x128xi32, #tpu.memory_space<hbm>>
        %dma_wait3A_46 = tpu.memref_squeeze %dma_wait3A_45 : memref<1x128xi32, #tpu.memory_space<hbm>> -> memref<128xi32, #tpu.memory_space<hbm>>
        tpu.wait_dma2 semaphore(%run_scoped3A : memref<!tpu.dma_semaphore, #tpu.memory_space<semaphore_mem>>) src(%dma_wait3A_46 : memref<128xi32, #tpu.memory_space<hbm>>) dst(%arg7 : memref<128xi32, #tpu.memory_space<vmem>>)
        tpu.yield
      }) : () -> ()
      "tpu.region"() ({
        %run_scoped3A = tpu.sem_alloc : memref<!tpu.dma_semaphore, #tpu.memory_space<semaphore_mem>>
        %dma_start3A = arith.constant 0 : i32
        %dma_start3A_41 = arith.constant 0 : i32
        %dma_start3A_42 = tpu.memref_slice %arg2[%add3A_1, %dma_start3A, %dma_start3A_41] : memref<4x10240x128xf32, #tpu.memory_space<hbm>> -> memref<1x10240x128xf32, #tpu.memory_space<hbm>>
        %dma_start3A_43 = tpu.memref_squeeze %dma_start3A_42 : memref<1x10240x128xf32, #tpu.memory_space<hbm>> -> memref<10240x128xf32, #tpu.memory_space<hbm>>
        %dma_start3A_44 = arith.constant 0 : i32
        %dma_start3A_45 = arith.constant 0 : i32
        %dma_start3A_46 = tpu.memref_slice %dma_start3A_43[%dma_start3A_44, %dma_start3A_45] : memref<10240x128xf32, #tpu.memory_space<hbm>> -> memref<10240x128xf32, #tpu.memory_space<hbm>>
        tpu.enqueue_indirect_dma source(%dma_start3A_46 : memref<10240x128xf32, #tpu.memory_space<hbm>>) target(%arg8 : memref<128x128xf32, #tpu.memory_space<vmem>>) offsets(%arg6 : memref<128xi32, #tpu.memory_space<vmem>>) semaphore(%run_scoped3A : memref<!tpu.dma_semaphore, #tpu.memory_space<semaphore_mem>>)
        %dma_wait3A = arith.constant 0 : i32
        %dma_wait3A_47 = arith.constant 0 : i32
        %dma_wait3A_48 = tpu.memref_slice %arg2[%add3A_1, %dma_wait3A, %dma_wait3A_47] : memref<4x10240x128xf32, #tpu.memory_space<hbm>> -> memref<1x10240x128xf32, #tpu.memory_space<hbm>>
        %dma_wait3A_49 = tpu.memref_squeeze %dma_wait3A_48 : memref<1x10240x128xf32, #tpu.memory_space<hbm>> -> memref<10240x128xf32, #tpu.memory_space<hbm>>
        %dma_wait3A_50 = arith.constant 0 : i32
        %dma_wait3A_51 = arith.constant 0 : i32
        %dma_wait3A_52 = tpu.memref_slice %dma_wait3A_49[%dma_wait3A_50, %dma_wait3A_51] : memref<10240x128xf32, #tpu.memory_space<hbm>> -> memref<10240x128xf32, #tpu.memory_space<hbm>>
        tpu.wait_indirect_dma semaphore(%run_scoped3A : memref<!tpu.dma_semaphore, #tpu.memory_space<semaphore_mem>>) src(%dma_wait3A_52 : memref<10240x128xf32, #tpu.memory_space<hbm>>) dst(%arg8 : memref<128x128xf32, #tpu.memory_space<vmem>>)
        tpu.yield
      }) : () -> ()
      "tpu.region"() ({
        %run_scoped3A = tpu.sem_alloc : memref<!tpu.dma_semaphore, #tpu.memory_space<semaphore_mem>>
        %dma_start3A = arith.constant 0 : i32
        %dma_start3A_41 = arith.constant 0 : i32
        %dma_start3A_42 = tpu.memref_slice %arg9[%dma_start3A, %dma_start3A_41] : memref<10240x128xf32, #tpu.memory_space<vmem_shared>> -> memref<10240x128xf32, #tpu.memory_space<vmem_shared>>
        tpu.enqueue_indirect_dma source(%arg8 : memref<128x128xf32, #tpu.memory_space<vmem>>) target(%dma_start3A_42 : memref<10240x128xf32, #tpu.memory_space<vmem_shared>>) offsets(%arg7 : memref<128xi32, #tpu.memory_space<vmem>>) semaphore(%run_scoped3A : memref<!tpu.dma_semaphore, #tpu.memory_space<semaphore_mem>>) {add = true}
        %dma_wait3A = arith.constant 0 : i32
        %dma_wait3A_43 = arith.constant 0 : i32
        %dma_wait3A_44 = tpu.memref_slice %arg9[%dma_wait3A, %dma_wait3A_43] : memref<10240x128xf32, #tpu.memory_space<vmem_shared>> -> memref<10240x128xf32, #tpu.memory_space<vmem_shared>>
        tpu.wait_indirect_dma semaphore(%run_scoped3A : memref<!tpu.dma_semaphore, #tpu.memory_space<semaphore_mem>>) src(%arg8 : memref<128x128xf32, #tpu.memory_space<vmem>>) dst(%dma_wait3A_44 : memref<10240x128xf32, #tpu.memory_space<vmem_shared>>)
        tpu.yield
      }) : () -> ()
    }
    %scan3A_10 = arith.constant 79 : i32
    %barrier3A_11 = arith.constant 0 : index
    tpu.barrier barrier_id(%barrier3A_11)
    %mul3A_12 = arith.constant 640 : i32
    %mul3A_13 = arith.muli %arg1, %mul3A_12 : i32
    %mul3A_14 = arith.constant 640 : i32
    %mul3A_15 = arith.muli %arg1, %mul3A_14 : i32
    "tpu.region"() ({
      %run_scoped3A = tpu.sem_alloc : memref<!tpu.dma_semaphore, #tpu.memory_space<semaphore_mem>>
      %dma_start3A = arith.constant 0 : i32
      %dma_start3A_38 = tpu.memref_slice %arg5[%add3A_1, %mul3A_15, %dma_start3A] : memref<4x10240x128xf32, #tpu.memory_space<hbm>> -> memref<1x640x128xf32, #tpu.memory_space<hbm>>
      %dma_start3A_39 = tpu.memref_squeeze %dma_start3A_38 : memref<1x640x128xf32, #tpu.memory_space<hbm>> -> memref<640x128xf32, #tpu.memory_space<hbm>>
      %dma_start3A_40 = arith.constant 0 : i32
      %dma_start3A_41 = tpu.memref_slice %arg9[%mul3A_13, %dma_start3A_40] : memref<10240x128xf32, #tpu.memory_space<vmem_shared>> -> memref<640x128xf32, #tpu.memory_space<vmem_shared>>
      tpu.enqueue_dma source(%dma_start3A_41 : memref<640x128xf32, #tpu.memory_space<vmem_shared>>) target(%dma_start3A_39 : memref<640x128xf32, #tpu.memory_space<hbm>>) target_semaphore(%run_scoped3A : memref<!tpu.dma_semaphore, #tpu.memory_space<semaphore_mem>>)
      %dma_wait3A = arith.constant 0 : i32
      %dma_wait3A_42 = tpu.memref_slice %arg5[%add3A_1, %mul3A_15, %dma_wait3A] : memref<4x10240x128xf32, #tpu.memory_space<hbm>> -> memref<1x640x128xf32, #tpu.memory_space<hbm>>
      %dma_wait3A_43 = tpu.memref_squeeze %dma_wait3A_42 : memref<1x640x128xf32, #tpu.memory_space<hbm>> -> memref<640x128xf32, #tpu.memory_space<hbm>>
      %dma_wait3A_44 = arith.constant 0 : i32
      %dma_wait3A_45 = tpu.memref_slice %arg9[%mul3A_13, %dma_wait3A_44] : memref<10240x128xf32, #tpu.memory_space<vmem_shared>> -> memref<640x128xf32, #tpu.memory_space<vmem_shared>>
      tpu.wait_dma2 semaphore(%run_scoped3A : memref<!tpu.dma_semaphore, #tpu.memory_space<semaphore_mem>>) src(%dma_wait3A_45 : memref<640x128xf32, #tpu.memory_space<vmem_shared>>) dst(%dma_wait3A_43 : memref<640x128xf32, #tpu.memory_space<hbm>>)
      tpu.yield
    }) : () -> ()
    %barrier3A_16 = arith.constant 0 : index
    tpu.barrier barrier_id(%barrier3A_16)
    %mul3A_17 = arith.constant 2 : i32
    %mul3A_18 = arith.muli %arg0, %mul3A_17 : i32
    %add3A_19 = arith.constant 1 : i32
    %add3A_20 = arith.addi %mul3A_18, %add3A_19 : i32
    %mul3A_21 = arith.constant 640 : i32
    %mul3A_22 = arith.muli %arg1, %mul3A_21 : i32
    %mul3A_23 = arith.constant 640 : i32
    %mul3A_24 = arith.muli %arg1, %mul3A_23 : i32
    "tpu.region"() ({
      %run_scoped3A = tpu.sem_alloc : memref<!tpu.dma_semaphore, #tpu.memory_space<semaphore_mem>>
      %dma_start3A = arith.constant 0 : i32
      %dma_start3A_38 = tpu.memref_slice %arg9[%mul3A_24, %dma_start3A] : memref<10240x128xf32, #tpu.memory_space<vmem_shared>> -> memref<640x128xf32, #tpu.memory_space<vmem_shared>>
      %dma_start3A_39 = arith.constant 0 : i32
      %dma_start3A_40 = arith.constant 0 : i32
      %dma_start3A_41 = tpu.memref_slice %arg2[%add3A_20, %dma_start3A_39, %dma_start3A_40] : memref<4x10240x128xf32, #tpu.memory_space<hbm>> -> memref<1x10240x128xf32, #tpu.memory_space<hbm>>
      %dma_start3A_42 = tpu.memref_squeeze %dma_start3A_41 : memref<1x10240x128xf32, #tpu.memory_space<hbm>> -> memref<10240x128xf32, #tpu.memory_space<hbm>>
      %dma_start3A_43 = arith.constant 0 : i32
      %dma_start3A_44 = tpu.memref_slice %dma_start3A_42[%mul3A_22, %dma_start3A_43] : memref<10240x128xf32, #tpu.memory_space<hbm>> -> memref<640x128xf32, #tpu.memory_space<hbm>>
      tpu.enqueue_dma source(%dma_start3A_44 : memref<640x128xf32, #tpu.memory_space<hbm>>) target(%dma_start3A_38 : memref<640x128xf32, #tpu.memory_space<vmem_shared>>) target_semaphore(%run_scoped3A : memref<!tpu.dma_semaphore, #tpu.memory_space<semaphore_mem>>)
      %dma_wait3A = arith.constant 0 : i32
      %dma_wait3A_45 = tpu.memref_slice %arg9[%mul3A_24, %dma_wait3A] : memref<10240x128xf32, #tpu.memory_space<vmem_shared>> -> memref<640x128xf32, #tpu.memory_space<vmem_shared>>
      %dma_wait3A_46 = arith.constant 0 : i32
      %dma_wait3A_47 = arith.constant 0 : i32
      %dma_wait3A_48 = tpu.memref_slice %arg2[%add3A_20, %dma_wait3A_46, %dma_wait3A_47] : memref<4x10240x128xf32, #tpu.memory_space<hbm>> -> memref<1x10240x128xf32, #tpu.memory_space<hbm>>
      %dma_wait3A_49 = tpu.memref_squeeze %dma_wait3A_48 : memref<1x10240x128xf32, #tpu.memory_space<hbm>> -> memref<10240x128xf32, #tpu.memory_space<hbm>>
      %dma_wait3A_50 = arith.constant 0 : i32
      %dma_wait3A_51 = tpu.memref_slice %dma_wait3A_49[%mul3A_22, %dma_wait3A_50] : memref<10240x128xf32, #tpu.memory_space<hbm>> -> memref<640x128xf32, #tpu.memory_space<hbm>>
      tpu.wait_dma2 semaphore(%run_scoped3A : memref<!tpu.dma_semaphore, #tpu.memory_space<semaphore_mem>>) src(%dma_wait3A_51 : memref<640x128xf32, #tpu.memory_space<hbm>>) dst(%dma_wait3A_45 : memref<640x128xf32, #tpu.memory_space<vmem_shared>>)
      tpu.yield
    }) : () -> ()
    %barrier3A_25 = arith.constant 0 : index
    tpu.barrier barrier_id(%barrier3A_25)
    %scan3A_26 = arith.constant 0 : i32
    %scan3A_27 = arith.constant 0 : i32
    %scan3A_28 = arith.constant 79 : i32
    %scan3A_29 = arith.addi %scan3A_27, %scan3A_28 : i32
    %scan3A_30 = arith.constant 1 : i32
    scf.for %scan3A_38 = %scan3A_27 to %scan3A_29 step %scan3A_30  : i32 {
      %mul3A_39 = arith.constant 128 : i32
      %mul3A_40 = arith.muli %scan3A_38, %mul3A_39 : i32
      "tpu.region"() ({
        %run_scoped3A = tpu.sem_alloc : memref<!tpu.dma_semaphore, #tpu.memory_space<semaphore_mem>>
        %dma_start3A = tpu.memref_slice %arg3[%arg1, %mul3A_40] : memref<16x10112xi32, #tpu.memory_space<hbm>> -> memref<1x128xi32, #tpu.memory_space<hbm>>
        %dma_start3A_41 = tpu.memref_squeeze %dma_start3A : memref<1x128xi32, #tpu.memory_space<hbm>> -> memref<128xi32, #tpu.memory_space<hbm>>
        %dma_start3A_42 = tpu.memref_slice %arg3[%arg1, %mul3A_40] : memref<16x10112xi32, #tpu.memory_space<hbm>> -> memref<1x128xi32, #tpu.memory_space<hbm>>
        %dma_start3A_43 = tpu.memref_squeeze %dma_start3A_42 : memref<1x128xi32, #tpu.memory_space<hbm>> -> memref<128xi32, #tpu.memory_space<hbm>>
        tpu.enqueue_dma source(%dma_start3A_43 : memref<128xi32, #tpu.memory_space<hbm>>) target(%arg6 : memref<128xi32, #tpu.memory_space<vmem>>) target_semaphore(%run_scoped3A : memref<!tpu.dma_semaphore, #tpu.memory_space<semaphore_mem>>)
        %dma_wait3A = tpu.memref_slice %arg3[%arg1, %mul3A_40] : memref<16x10112xi32, #tpu.memory_space<hbm>> -> memref<1x128xi32, #tpu.memory_space<hbm>>
        %dma_wait3A_44 = tpu.memref_squeeze %dma_wait3A : memref<1x128xi32, #tpu.memory_space<hbm>> -> memref<128xi32, #tpu.memory_space<hbm>>
        %dma_wait3A_45 = tpu.memref_slice %arg3[%arg1, %mul3A_40] : memref<16x10112xi32, #tpu.memory_space<hbm>> -> memref<1x128xi32, #tpu.memory_space<hbm>>
        %dma_wait3A_46 = tpu.memref_squeeze %dma_wait3A_45 : memref<1x128xi32, #tpu.memory_space<hbm>> -> memref<128xi32, #tpu.memory_space<hbm>>
        tpu.wait_dma2 semaphore(%run_scoped3A : memref<!tpu.dma_semaphore, #tpu.memory_space<semaphore_mem>>) src(%dma_wait3A_46 : memref<128xi32, #tpu.memory_space<hbm>>) dst(%arg6 : memref<128xi32, #tpu.memory_space<vmem>>)
        tpu.yield
      }) : () -> ()
      "tpu.region"() ({
        %run_scoped3A = tpu.sem_alloc : memref<!tpu.dma_semaphore, #tpu.memory_space<semaphore_mem>>
        %dma_start3A = tpu.memref_slice %arg4[%arg1, %mul3A_40] : memref<16x10112xi32, #tpu.memory_space<hbm>> -> memref<1x128xi32, #tpu.memory_space<hbm>>
        %dma_start3A_41 = tpu.memref_squeeze %dma_start3A : memref<1x128xi32, #tpu.memory_space<hbm>> -> memref<128xi32, #tpu.memory_space<hbm>>
        %dma_start3A_42 = tpu.memref_slice %arg4[%arg1, %mul3A_40] : memref<16x10112xi32, #tpu.memory_space<hbm>> -> memref<1x128xi32, #tpu.memory_space<hbm>>
        %dma_start3A_43 = tpu.memref_squeeze %dma_start3A_42 : memref<1x128xi32, #tpu.memory_space<hbm>> -> memref<128xi32, #tpu.memory_space<hbm>>
        tpu.enqueue_dma source(%dma_start3A_43 : memref<128xi32, #tpu.memory_space<hbm>>) target(%arg7 : memref<128xi32, #tpu.memory_space<vmem>>) target_semaphore(%run_scoped3A : memref<!tpu.dma_semaphore, #tpu.memory_space<semaphore_mem>>)
        %dma_wait3A = tpu.memref_slice %arg4[%arg1, %mul3A_40] : memref<16x10112xi32, #tpu.memory_space<hbm>> -> memref<1x128xi32, #tpu.memory_space<hbm>>
        %dma_wait3A_44 = tpu.memref_squeeze %dma_wait3A : memref<1x128xi32, #tpu.memory_space<hbm>> -> memref<128xi32, #tpu.memory_space<hbm>>
        %dma_wait3A_45 = tpu.memref_slice %arg4[%arg1, %mul3A_40] : memref<16x10112xi32, #tpu.memory_space<hbm>> -> memref<1x128xi32, #tpu.memory_space<hbm>>
        %dma_wait3A_46 = tpu.memref_squeeze %dma_wait3A_45 : memref<1x128xi32, #tpu.memory_space<hbm>> -> memref<128xi32, #tpu.memory_space<hbm>>
        tpu.wait_dma2 semaphore(%run_scoped3A : memref<!tpu.dma_semaphore, #tpu.memory_space<semaphore_mem>>) src(%dma_wait3A_46 : memref<128xi32, #tpu.memory_space<hbm>>) dst(%arg7 : memref<128xi32, #tpu.memory_space<vmem>>)
        tpu.yield
      }) : () -> ()
      "tpu.region"() ({
        %run_scoped3A = tpu.sem_alloc : memref<!tpu.dma_semaphore, #tpu.memory_space<semaphore_mem>>
        %dma_start3A = arith.constant 0 : i32
        %dma_start3A_41 = arith.constant 0 : i32
        %dma_start3A_42 = tpu.memref_slice %arg2[%add3A_20, %dma_start3A, %dma_start3A_41] : memref<4x10240x128xf32, #tpu.memory_space<hbm>> -> memref<1x10240x128xf32, #tpu.memory_space<hbm>>
        %dma_start3A_43 = tpu.memref_squeeze %dma_start3A_42 : memref<1x10240x128xf32, #tpu.memory_space<hbm>> -> memref<10240x128xf32, #tpu.memory_space<hbm>>
        %dma_start3A_44 = arith.constant 0 : i32
        %dma_start3A_45 = arith.constant 0 : i32
        %dma_start3A_46 = tpu.memref_slice %dma_start3A_43[%dma_start3A_44, %dma_start3A_45] : memref<10240x128xf32, #tpu.memory_space<hbm>> -> memref<10240x128xf32, #tpu.memory_space<hbm>>
        tpu.enqueue_indirect_dma source(%dma_start3A_46 : memref<10240x128xf32, #tpu.memory_space<hbm>>) target(%arg8 : memref<128x128xf32, #tpu.memory_space<vmem>>) offsets(%arg6 : memref<128xi32, #tpu.memory_space<vmem>>) semaphore(%run_scoped3A : memref<!tpu.dma_semaphore, #tpu.memory_space<semaphore_mem>>)
        %dma_wait3A = arith.constant 0 : i32
        %dma_wait3A_47 = arith.constant 0 : i32
        %dma_wait3A_48 = tpu.memref_slice %arg2[%add3A_20, %dma_wait3A, %dma_wait3A_47] : memref<4x10240x128xf32, #tpu.memory_space<hbm>> -> memref<1x10240x128xf32, #tpu.memory_space<hbm>>
        %dma_wait3A_49 = tpu.memref_squeeze %dma_wait3A_48 : memref<1x10240x128xf32, #tpu.memory_space<hbm>> -> memref<10240x128xf32, #tpu.memory_space<hbm>>
        %dma_wait3A_50 = arith.constant 0 : i32
        %dma_wait3A_51 = arith.constant 0 : i32
        %dma_wait3A_52 = tpu.memref_slice %dma_wait3A_49[%dma_wait3A_50, %dma_wait3A_51] : memref<10240x128xf32, #tpu.memory_space<hbm>> -> memref<10240x128xf32, #tpu.memory_space<hbm>>
        tpu.wait_indirect_dma semaphore(%run_scoped3A : memref<!tpu.dma_semaphore, #tpu.memory_space<semaphore_mem>>) src(%dma_wait3A_52 : memref<10240x128xf32, #tpu.memory_space<hbm>>) dst(%arg8 : memref<128x128xf32, #tpu.memory_space<vmem>>)
        tpu.yield
      }) : () -> ()
      "tpu.region"() ({
        %run_scoped3A = tpu.sem_alloc : memref<!tpu.dma_semaphore, #tpu.memory_space<semaphore_mem>>
        %dma_start3A = arith.constant 0 : i32
        %dma_start3A_41 = arith.constant 0 : i32
        %dma_start3A_42 = tpu.memref_slice %arg9[%dma_start3A, %dma_start3A_41] : memref<10240x128xf32, #tpu.memory_space<vmem_shared>> -> memref<10240x128xf32, #tpu.memory_space<vmem_shared>>
        tpu.enqueue_indirect_dma source(%arg8 : memref<128x128xf32, #tpu.memory_space<vmem>>) target(%dma_start3A_42 : memref<10240x128xf32, #tpu.memory_space<vmem_shared>>) offsets(%arg7 : memref<128xi32, #tpu.memory_space<vmem>>) semaphore(%run_scoped3A : memref<!tpu.dma_semaphore, #tpu.memory_space<semaphore_mem>>) {add = true}
        %dma_wait3A = arith.constant 0 : i32
        %dma_wait3A_43 = arith.constant 0 : i32
        %dma_wait3A_44 = tpu.memref_slice %arg9[%dma_wait3A, %dma_wait3A_43] : memref<10240x128xf32, #tpu.memory_space<vmem_shared>> -> memref<10240x128xf32, #tpu.memory_space<vmem_shared>>
        tpu.wait_indirect_dma semaphore(%run_scoped3A : memref<!tpu.dma_semaphore, #tpu.memory_space<semaphore_mem>>) src(%arg8 : memref<128x128xf32, #tpu.memory_space<vmem>>) dst(%dma_wait3A_44 : memref<10240x128xf32, #tpu.memory_space<vmem_shared>>)
        tpu.yield
      }) : () -> ()
    }
    %scan3A_31 = arith.constant 79 : i32
    %barrier3A_32 = arith.constant 0 : index
    tpu.barrier barrier_id(%barrier3A_32)
    %mul3A_33 = arith.constant 640 : i32
    %mul3A_34 = arith.muli %arg1, %mul3A_33 : i32
    %mul3A_35 = arith.constant 640 : i32
    %mul3A_36 = arith.muli %arg1, %mul3A_35 : i32
    "tpu.region"() ({
      %run_scoped3A = tpu.sem_alloc : memref<!tpu.dma_semaphore, #tpu.memory_space<semaphore_mem>>
      %dma_start3A = arith.constant 0 : i32
      %dma_start3A_38 = tpu.memref_slice %arg5[%add3A_20, %mul3A_36, %dma_start3A] : memref<4x10240x128xf32, #tpu.memory_space<hbm>> -> memref<1x640x128xf32, #tpu.memory_space<hbm>>
      %dma_start3A_39 = tpu.memref_squeeze %dma_start3A_38 : memref<1x640x128xf32, #tpu.memory_space<hbm>> -> memref<640x128xf32, #tpu.memory_space<hbm>>
      %dma_start3A_40 = arith.constant 0 : i32
      %dma_start3A_41 = tpu.memref_slice %arg9[%mul3A_34, %dma_start3A_40] : memref<10240x128xf32, #tpu.memory_space<vmem_shared>> -> memref<640x128xf32, #tpu.memory_space<vmem_shared>>
      tpu.enqueue_dma source(%dma_start3A_41 : memref<640x128xf32, #tpu.memory_space<vmem_shared>>) target(%dma_start3A_39 : memref<640x128xf32, #tpu.memory_space<hbm>>) target_semaphore(%run_scoped3A : memref<!tpu.dma_semaphore, #tpu.memory_space<semaphore_mem>>)
      %dma_wait3A = arith.constant 0 : i32
      %dma_wait3A_42 = tpu.memref_slice %arg5[%add3A_20, %mul3A_36, %dma_wait3A] : memref<4x10240x128xf32, #tpu.memory_space<hbm>> -> memref<1x640x128xf32, #tpu.memory_space<hbm>>
      %dma_wait3A_43 = tpu.memref_squeeze %dma_wait3A_42 : memref<1x640x128xf32, #tpu.memory_space<hbm>> -> memref<640x128xf32, #tpu.memory_space<hbm>>
      %dma_wait3A_44 = arith.constant 0 : i32
      %dma_wait3A_45 = tpu.memref_slice %arg9[%mul3A_34, %dma_wait3A_44] : memref<10240x128xf32, #tpu.memory_space<vmem_shared>> -> memref<640x128xf32, #tpu.memory_space<vmem_shared>>
      tpu.wait_dma2 semaphore(%run_scoped3A : memref<!tpu.dma_semaphore, #tpu.memory_space<semaphore_mem>>) src(%dma_wait3A_45 : memref<640x128xf32, #tpu.memory_space<vmem_shared>>) dst(%dma_wait3A_43 : memref<640x128xf32, #tpu.memory_space<hbm>>)
      tpu.yield
    }) : () -> ()
    %barrier3A_37 = arith.constant 0 : index
    tpu.barrier barrier_id(%barrier3A_37)
    return
  }
}

#map = affine_map<(d0, d1) -> (0, 0)>
#map1 = affine_map<(d0, d1) -> (0)>
module attributes {stable_mosaic.version = 14 : i64} {
  func.func @body(%arg0: i32, %arg1: i32, %arg2: memref<32x5120xi32, #tpu.memory_space<hbm>>, %arg3: memref<10240xf32, #tpu.memory_space<hbm>>, %arg4: memref<32x10240xf32, #tpu.memory_space<hbm>>, %arg5: memref<5120xi32, #tpu.memory_space<vmem>>, %arg6: memref<10240xf32, #tpu.memory_space<vmem>>) attributes {dimension_semantics = [#tpu.dimension_semantics<core_parallel>, #tpu.dimension_semantics<subcore_parallel>], iteration_bounds = array<i64: 2, 16>, scalar_prefetch = 0 : i64, scratch_operands = 2 : i64, tpu.core_type = #tpu.core_type<sc_vector_subcore>, window_params = [{transform_indices = #map}, {transform_indices = #map1}, {transform_indices = #map}]} {
    %mul3A = arith.constant 2 : i32
    %mul3A_0 = arith.muli %arg1, %mul3A : i32
    %add3A = arith.addi %mul3A_0, %arg0 : i32
    "tpu.region"() ({
      %run_scoped3A = tpu.sem_alloc : memref<!tpu.dma_semaphore, #tpu.memory_space<semaphore_mem>>
      tpu.enqueue_dma source(%arg3 : memref<10240xf32, #tpu.memory_space<hbm>>) target(%arg6 : memref<10240xf32, #tpu.memory_space<vmem>>) target_semaphore(%run_scoped3A : memref<!tpu.dma_semaphore, #tpu.memory_space<semaphore_mem>>)
      tpu.wait_dma2 semaphore(%run_scoped3A : memref<!tpu.dma_semaphore, #tpu.memory_space<semaphore_mem>>) src(%arg3 : memref<10240xf32, #tpu.memory_space<hbm>>) dst(%arg6 : memref<10240xf32, #tpu.memory_space<vmem>>)
      tpu.yield
    }) : () -> ()
    "tpu.region"() ({
      %run_scoped3A = tpu.sem_alloc : memref<!tpu.dma_semaphore, #tpu.memory_space<semaphore_mem>>
      %dma_start3A = arith.constant 0 : i32
      %dma_start3A_7 = tpu.memref_slice %arg2[%add3A, %dma_start3A] : memref<32x5120xi32, #tpu.memory_space<hbm>> -> memref<1x5120xi32, #tpu.memory_space<hbm>>
      %dma_start3A_8 = tpu.memref_squeeze %dma_start3A_7 : memref<1x5120xi32, #tpu.memory_space<hbm>> -> memref<5120xi32, #tpu.memory_space<hbm>>
      %dma_start3A_9 = arith.constant 0 : i32
      %dma_start3A_10 = tpu.memref_slice %arg2[%add3A, %dma_start3A_9] : memref<32x5120xi32, #tpu.memory_space<hbm>> -> memref<1x5120xi32, #tpu.memory_space<hbm>>
      %dma_start3A_11 = tpu.memref_squeeze %dma_start3A_10 : memref<1x5120xi32, #tpu.memory_space<hbm>> -> memref<5120xi32, #tpu.memory_space<hbm>>
      tpu.enqueue_dma source(%dma_start3A_11 : memref<5120xi32, #tpu.memory_space<hbm>>) target(%arg5 : memref<5120xi32, #tpu.memory_space<vmem>>) target_semaphore(%run_scoped3A : memref<!tpu.dma_semaphore, #tpu.memory_space<semaphore_mem>>)
      %dma_wait3A = arith.constant 0 : i32
      %dma_wait3A_12 = tpu.memref_slice %arg2[%add3A, %dma_wait3A] : memref<32x5120xi32, #tpu.memory_space<hbm>> -> memref<1x5120xi32, #tpu.memory_space<hbm>>
      %dma_wait3A_13 = tpu.memref_squeeze %dma_wait3A_12 : memref<1x5120xi32, #tpu.memory_space<hbm>> -> memref<5120xi32, #tpu.memory_space<hbm>>
      %dma_wait3A_14 = arith.constant 0 : i32
      %dma_wait3A_15 = tpu.memref_slice %arg2[%add3A, %dma_wait3A_14] : memref<32x5120xi32, #tpu.memory_space<hbm>> -> memref<1x5120xi32, #tpu.memory_space<hbm>>
      %dma_wait3A_16 = tpu.memref_squeeze %dma_wait3A_15 : memref<1x5120xi32, #tpu.memory_space<hbm>> -> memref<5120xi32, #tpu.memory_space<hbm>>
      tpu.wait_dma2 semaphore(%run_scoped3A : memref<!tpu.dma_semaphore, #tpu.memory_space<semaphore_mem>>) src(%dma_wait3A_16 : memref<5120xi32, #tpu.memory_space<hbm>>) dst(%arg5 : memref<5120xi32, #tpu.memory_space<vmem>>)
      tpu.yield
    }) : () -> ()
    %broadcast_in_dim3A = arith.constant 1.000000e+00 : f32
    %broadcast_in_dim3A_1 = vector.broadcast %broadcast_in_dim3A : f32 to vector<16xf32>
    %scan3A = arith.constant 0 : i32
    %scan3A_2 = arith.constant 0 : i32
    %scan3A_3 = arith.constant 320 : i32
    %scan3A_4 = arith.addi %scan3A_2, %scan3A_3 : i32
    %scan3A_5 = arith.constant 1 : i32
    scf.for %scan3A_7 = %scan3A_2 to %scan3A_4 step %scan3A_5  : i32 {
      %mul3A_8 = arith.constant 16 : i32
      %mul3A_9 = arith.muli %scan3A_7, %mul3A_8 : i32
      %get3A = arith.index_cast %mul3A_9 : i32 to index
      %get3A_10 = tpu.vector_load %arg5[%get3A] {strides = array<i32>} : memref<5120xi32, #tpu.memory_space<vmem>>, vector<16xi32>,
      tpu.vector_store_idx %arg6[%get3A_10], %broadcast_in_dim3A_1 {add = true} : memref<10240xf32, #tpu.memory_space<vmem>>[vector<16xi32>], vector<16xf32>,
    }
    %scan3A_6 = arith.constant 320 : i32
    "tpu.region"() ({
      %run_scoped3A = tpu.sem_alloc : memref<!tpu.dma_semaphore, #tpu.memory_space<semaphore_mem>>
      %dma_start3A = arith.constant 0 : i32
      %dma_start3A_7 = tpu.memref_slice %arg4[%add3A, %dma_start3A] : memref<32x10240xf32, #tpu.memory_space<hbm>> -> memref<1x10240xf32, #tpu.memory_space<hbm>>
      %dma_start3A_8 = tpu.memref_squeeze %dma_start3A_7 : memref<1x10240xf32, #tpu.memory_space<hbm>> -> memref<10240xf32, #tpu.memory_space<hbm>>
      %dma_start3A_9 = arith.constant 0 : i32
      %dma_start3A_10 = tpu.memref_slice %arg4[%add3A, %dma_start3A_9] : memref<32x10240xf32, #tpu.memory_space<hbm>> -> memref<1x10240xf32, #tpu.memory_space<hbm>>
      %dma_start3A_11 = tpu.memref_squeeze %dma_start3A_10 : memref<1x10240xf32, #tpu.memory_space<hbm>> -> memref<10240xf32, #tpu.memory_space<hbm>>
      tpu.enqueue_dma source(%arg6 : memref<10240xf32, #tpu.memory_space<vmem>>) target(%dma_start3A_11 : memref<10240xf32, #tpu.memory_space<hbm>>) target_semaphore(%run_scoped3A : memref<!tpu.dma_semaphore, #tpu.memory_space<semaphore_mem>>)
      %dma_wait3A = arith.constant 0 : i32
      %dma_wait3A_12 = tpu.memref_slice %arg4[%add3A, %dma_wait3A] : memref<32x10240xf32, #tpu.memory_space<hbm>> -> memref<1x10240xf32, #tpu.memory_space<hbm>>
      %dma_wait3A_13 = tpu.memref_squeeze %dma_wait3A_12 : memref<1x10240xf32, #tpu.memory_space<hbm>> -> memref<10240xf32, #tpu.memory_space<hbm>>
      %dma_wait3A_14 = arith.constant 0 : i32
      %dma_wait3A_15 = tpu.memref_slice %arg4[%add3A, %dma_wait3A_14] : memref<32x10240xf32, #tpu.memory_space<hbm>> -> memref<1x10240xf32, #tpu.memory_space<hbm>>
      %dma_wait3A_16 = tpu.memref_squeeze %dma_wait3A_15 : memref<1x10240xf32, #tpu.memory_space<hbm>> -> memref<10240xf32, #tpu.memory_space<hbm>>
      tpu.wait_dma2 semaphore(%run_scoped3A : memref<!tpu.dma_semaphore, #tpu.memory_space<semaphore_mem>>) src(%arg6 : memref<10240xf32, #tpu.memory_space<vmem>>) dst(%dma_wait3A_16 : memref<10240xf32, #tpu.memory_space<hbm>>)
      tpu.yield
    }) : () -> ()
    return
  }
}

#map = affine_map<(d0, d1) -> (0, 0, 0)>
#map1 = affine_map<(d0, d1) -> (0, 0)>
module attributes {stable_mosaic.version = 14 : i64} {
  func.func @body(%arg0: i32, %arg1: i32, %arg2: memref<4x10240x128xf32, #tpu.memory_space<hbm>>, %arg3: memref<16x10112xi32, #tpu.memory_space<hbm>>, %arg4: memref<16x10112xi32, #tpu.memory_space<hbm>>, %arg5: memref<4x10240x128xf32, #tpu.memory_space<hbm>>, %arg6: memref<128xi32, #tpu.memory_space<vmem>>, %arg7: memref<128xi32, #tpu.memory_space<vmem>>, %arg8: memref<128x128xf32, #tpu.memory_space<vmem>>, %arg9: memref<10240x128xf32, #tpu.memory_space<vmem_shared>>) attributes {dimension_semantics = [#tpu.dimension_semantics<core_parallel>, #tpu.dimension_semantics<subcore_parallel>], iteration_bounds = array<i64: 2, 16>, scalar_prefetch = 0 : i64, scratch_operands = 4 : i64, tpu.core_type = #tpu.core_type<sc_vector_subcore>, window_params = [{transform_indices = #map}, {transform_indices = #map1}, {transform_indices = #map1}, {transform_indices = #map}]} {
    %mul3A = arith.constant 2 : i32
    %mul3A_0 = arith.muli %arg0, %mul3A : i32
    %add3A = arith.constant 0 : i32
    %add3A_1 = arith.addi %mul3A_0, %add3A : i32
    %mul3A_2 = arith.constant 640 : i32
    %mul3A_3 = arith.muli %arg1, %mul3A_2 : i32
    %mul3A_4 = arith.constant 640 : i32
    %mul3A_5 = arith.muli %arg1, %mul3A_4 : i32
    "tpu.region"() ({
      %run_scoped3A = tpu.sem_alloc : memref<!tpu.dma_semaphore, #tpu.memory_space<semaphore_mem>>
      %dma_start3A = arith.constant 0 : i32
      %dma_start3A_38 = tpu.memref_slice %arg9[%mul3A_5, %dma_start3A] : memref<10240x128xf32, #tpu.memory_space<vmem_shared>> -> memref<640x128xf32, #tpu.memory_space<vmem_shared>>
      %dma_start3A_39 = arith.constant 0 : i32
      %dma_start3A_40 = arith.constant 0 : i32
      %dma_start3A_41 = tpu.memref_slice %arg2[%add3A_1, %dma_start3A_39, %dma_start3A_40] : memref<4x10240x128xf32, #tpu.memory_space<hbm>> -> memref<1x10240x128xf32, #tpu.memory_space<hbm>>
      %dma_start3A_42 = tpu.memref_squeeze %dma_start3A_41 : memref<1x10240x128xf32, #tpu.memory_space<hbm>> -> memref<10240x128xf32, #tpu.memory_space<hbm>>
      %dma_start3A_43 = arith.constant 0 : i32
      %dma_start3A_44 = tpu.memref_slice %dma_start3A_42[%mul3A_3, %dma_start3A_43] : memref<10240x128xf32, #tpu.memory_space<hbm>> -> memref<640x128xf32, #tpu.memory_space<hbm>>
      tpu.enqueue_dma source(%dma_start3A_44 : memref<640x128xf32, #tpu.memory_space<hbm>>) target(%dma_start3A_38 : memref<640x128xf32, #tpu.memory_space<vmem_shared>>) target_semaphore(%run_scoped3A : memref<!tpu.dma_semaphore, #tpu.memory_space<semaphore_mem>>)
      %dma_wait3A = arith.constant 0 : i32
      %dma_wait3A_45 = tpu.memref_slice %arg9[%mul3A_5, %dma_wait3A] : memref<10240x128xf32, #tpu.memory_space<vmem_shared>> -> memref<640x128xf32, #tpu.memory_space<vmem_shared>>
      %dma_wait3A_46 = arith.constant 0 : i32
      %dma_wait3A_47 = arith.constant 0 : i32
      %dma_wait3A_48 = tpu.memref_slice %arg2[%add3A_1, %dma_wait3A_46, %dma_wait3A_47] : memref<4x10240x128xf32, #tpu.memory_space<hbm>> -> memref<1x10240x128xf32, #tpu.memory_space<hbm>>
      %dma_wait3A_49 = tpu.memref_squeeze %dma_wait3A_48 : memref<1x10240x128xf32, #tpu.memory_space<hbm>> -> memref<10240x128xf32, #tpu.memory_space<hbm>>
      %dma_wait3A_50 = arith.constant 0 : i32
      %dma_wait3A_51 = tpu.memref_slice %dma_wait3A_49[%mul3A_3, %dma_wait3A_50] : memref<10240x128xf32, #tpu.memory_space<hbm>> -> memref<640x128xf32, #tpu.memory_space<hbm>>
      tpu.wait_dma2 semaphore(%run_scoped3A : memref<!tpu.dma_semaphore, #tpu.memory_space<semaphore_mem>>) src(%dma_wait3A_51 : memref<640x128xf32, #tpu.memory_space<hbm>>) dst(%dma_wait3A_45 : memref<640x128xf32, #tpu.memory_space<vmem_shared>>)
      tpu.yield
    }) : () -> ()
    %barrier3A = arith.constant 0 : index
    tpu.barrier barrier_id(%barrier3A)
    %scan3A = arith.constant 0 : i32
    %scan3A_6 = arith.constant 0 : i32
    %scan3A_7 = arith.constant 79 : i32
    %scan3A_8 = arith.addi %scan3A_6, %scan3A_7 : i32
    %scan3A_9 = arith.constant 1 : i32
    scf.for %scan3A_38 = %scan3A_6 to %scan3A_8 step %scan3A_9  : i32 {
      %mul3A_39 = arith.constant 128 : i32
      %mul3A_40 = arith.muli %scan3A_38, %mul3A_39 : i32
      "tpu.region"() ({
        %run_scoped3A = tpu.sem_alloc : memref<!tpu.dma_semaphore, #tpu.memory_space<semaphore_mem>>
        %dma_start3A = tpu.memref_slice %arg3[%arg1, %mul3A_40] : memref<16x10112xi32, #tpu.memory_space<hbm>> -> memref<1x128xi32, #tpu.memory_space<hbm>>
        %dma_start3A_41 = tpu.memref_squeeze %dma_start3A : memref<1x128xi32, #tpu.memory_space<hbm>> -> memref<128xi32, #tpu.memory_space<hbm>>
        %dma_start3A_42 = tpu.memref_slice %arg3[%arg1, %mul3A_40] : memref<16x10112xi32, #tpu.memory_space<hbm>> -> memref<1x128xi32, #tpu.memory_space<hbm>>
        %dma_start3A_43 = tpu.memref_squeeze %dma_start3A_42 : memref<1x128xi32, #tpu.memory_space<hbm>> -> memref<128xi32, #tpu.memory_space<hbm>>
        tpu.enqueue_dma source(%dma_start3A_43 : memref<128xi32, #tpu.memory_space<hbm>>) target(%arg6 : memref<128xi32, #tpu.memory_space<vmem>>) target_semaphore(%run_scoped3A : memref<!tpu.dma_semaphore, #tpu.memory_space<semaphore_mem>>)
        %dma_wait3A = tpu.memref_slice %arg3[%arg1, %mul3A_40] : memref<16x10112xi32, #tpu.memory_space<hbm>> -> memref<1x128xi32, #tpu.memory_space<hbm>>
        %dma_wait3A_44 = tpu.memref_squeeze %dma_wait3A : memref<1x128xi32, #tpu.memory_space<hbm>> -> memref<128xi32, #tpu.memory_space<hbm>>
        %dma_wait3A_45 = tpu.memref_slice %arg3[%arg1, %mul3A_40] : memref<16x10112xi32, #tpu.memory_space<hbm>> -> memref<1x128xi32, #tpu.memory_space<hbm>>
        %dma_wait3A_46 = tpu.memref_squeeze %dma_wait3A_45 : memref<1x128xi32, #tpu.memory_space<hbm>> -> memref<128xi32, #tpu.memory_space<hbm>>
        tpu.wait_dma2 semaphore(%run_scoped3A : memref<!tpu.dma_semaphore, #tpu.memory_space<semaphore_mem>>) src(%dma_wait3A_46 : memref<128xi32, #tpu.memory_space<hbm>>) dst(%arg6 : memref<128xi32, #tpu.memory_space<vmem>>)
        tpu.yield
      }) : () -> ()
      "tpu.region"() ({
        %run_scoped3A = tpu.sem_alloc : memref<!tpu.dma_semaphore, #tpu.memory_space<semaphore_mem>>
        %dma_start3A = tpu.memref_slice %arg4[%arg1, %mul3A_40] : memref<16x10112xi32, #tpu.memory_space<hbm>> -> memref<1x128xi32, #tpu.memory_space<hbm>>
        %dma_start3A_41 = tpu.memref_squeeze %dma_start3A : memref<1x128xi32, #tpu.memory_space<hbm>> -> memref<128xi32, #tpu.memory_space<hbm>>
        %dma_start3A_42 = tpu.memref_slice %arg4[%arg1, %mul3A_40] : memref<16x10112xi32, #tpu.memory_space<hbm>> -> memref<1x128xi32, #tpu.memory_space<hbm>>
        %dma_start3A_43 = tpu.memref_squeeze %dma_start3A_42 : memref<1x128xi32, #tpu.memory_space<hbm>> -> memref<128xi32, #tpu.memory_space<hbm>>
        tpu.enqueue_dma source(%dma_start3A_43 : memref<128xi32, #tpu.memory_space<hbm>>) target(%arg7 : memref<128xi32, #tpu.memory_space<vmem>>) target_semaphore(%run_scoped3A : memref<!tpu.dma_semaphore, #tpu.memory_space<semaphore_mem>>)
        %dma_wait3A = tpu.memref_slice %arg4[%arg1, %mul3A_40] : memref<16x10112xi32, #tpu.memory_space<hbm>> -> memref<1x128xi32, #tpu.memory_space<hbm>>
        %dma_wait3A_44 = tpu.memref_squeeze %dma_wait3A : memref<1x128xi32, #tpu.memory_space<hbm>> -> memref<128xi32, #tpu.memory_space<hbm>>
        %dma_wait3A_45 = tpu.memref_slice %arg4[%arg1, %mul3A_40] : memref<16x10112xi32, #tpu.memory_space<hbm>> -> memref<1x128xi32, #tpu.memory_space<hbm>>
        %dma_wait3A_46 = tpu.memref_squeeze %dma_wait3A_45 : memref<1x128xi32, #tpu.memory_space<hbm>> -> memref<128xi32, #tpu.memory_space<hbm>>
        tpu.wait_dma2 semaphore(%run_scoped3A : memref<!tpu.dma_semaphore, #tpu.memory_space<semaphore_mem>>) src(%dma_wait3A_46 : memref<128xi32, #tpu.memory_space<hbm>>) dst(%arg7 : memref<128xi32, #tpu.memory_space<vmem>>)
        tpu.yield
      }) : () -> ()
      "tpu.region"() ({
        %run_scoped3A = tpu.sem_alloc : memref<!tpu.dma_semaphore, #tpu.memory_space<semaphore_mem>>
        %dma_start3A = arith.constant 0 : i32
        %dma_start3A_41 = arith.constant 0 : i32
        %dma_start3A_42 = tpu.memref_slice %arg2[%add3A_1, %dma_start3A, %dma_start3A_41] : memref<4x10240x128xf32, #tpu.memory_space<hbm>> -> memref<1x10240x128xf32, #tpu.memory_space<hbm>>
        %dma_start3A_43 = tpu.memref_squeeze %dma_start3A_42 : memref<1x10240x128xf32, #tpu.memory_space<hbm>> -> memref<10240x128xf32, #tpu.memory_space<hbm>>
        %dma_start3A_44 = arith.constant 0 : i32
        %dma_start3A_45 = arith.constant 0 : i32
        %dma_start3A_46 = tpu.memref_slice %dma_start3A_43[%dma_start3A_44, %dma_start3A_45] : memref<10240x128xf32, #tpu.memory_space<hbm>> -> memref<10240x128xf32, #tpu.memory_space<hbm>>
        tpu.enqueue_indirect_dma source(%dma_start3A_46 : memref<10240x128xf32, #tpu.memory_space<hbm>>) target(%arg8 : memref<128x128xf32, #tpu.memory_space<vmem>>) offsets(%arg6 : memref<128xi32, #tpu.memory_space<vmem>>) semaphore(%run_scoped3A : memref<!tpu.dma_semaphore, #tpu.memory_space<semaphore_mem>>)
        %dma_wait3A = arith.constant 0 : i32
        %dma_wait3A_47 = arith.constant 0 : i32
        %dma_wait3A_48 = tpu.memref_slice %arg2[%add3A_1, %dma_wait3A, %dma_wait3A_47] : memref<4x10240x128xf32, #tpu.memory_space<hbm>> -> memref<1x10240x128xf32, #tpu.memory_space<hbm>>
        %dma_wait3A_49 = tpu.memref_squeeze %dma_wait3A_48 : memref<1x10240x128xf32, #tpu.memory_space<hbm>> -> memref<10240x128xf32, #tpu.memory_space<hbm>>
        %dma_wait3A_50 = arith.constant 0 : i32
        %dma_wait3A_51 = arith.constant 0 : i32
        %dma_wait3A_52 = tpu.memref_slice %dma_wait3A_49[%dma_wait3A_50, %dma_wait3A_51] : memref<10240x128xf32, #tpu.memory_space<hbm>> -> memref<10240x128xf32, #tpu.memory_space<hbm>>
        tpu.wait_indirect_dma semaphore(%run_scoped3A : memref<!tpu.dma_semaphore, #tpu.memory_space<semaphore_mem>>) src(%dma_wait3A_52 : memref<10240x128xf32, #tpu.memory_space<hbm>>) dst(%arg8 : memref<128x128xf32, #tpu.memory_space<vmem>>)
        tpu.yield
      }) : () -> ()
      "tpu.region"() ({
        %run_scoped3A = tpu.sem_alloc : memref<!tpu.dma_semaphore, #tpu.memory_space<semaphore_mem>>
        %dma_start3A = arith.constant 0 : i32
        %dma_start3A_41 = arith.constant 0 : i32
        %dma_start3A_42 = tpu.memref_slice %arg9[%dma_start3A, %dma_start3A_41] : memref<10240x128xf32, #tpu.memory_space<vmem_shared>> -> memref<10240x128xf32, #tpu.memory_space<vmem_shared>>
        tpu.enqueue_indirect_dma source(%arg8 : memref<128x128xf32, #tpu.memory_space<vmem>>) target(%dma_start3A_42 : memref<10240x128xf32, #tpu.memory_space<vmem_shared>>) offsets(%arg7 : memref<128xi32, #tpu.memory_space<vmem>>) semaphore(%run_scoped3A : memref<!tpu.dma_semaphore, #tpu.memory_space<semaphore_mem>>) {add = true}
        %dma_wait3A = arith.constant 0 : i32
        %dma_wait3A_43 = arith.constant 0 : i32
        %dma_wait3A_44 = tpu.memref_slice %arg9[%dma_wait3A, %dma_wait3A_43] : memref<10240x128xf32, #tpu.memory_space<vmem_shared>> -> memref<10240x128xf32, #tpu.memory_space<vmem_shared>>
        tpu.wait_indirect_dma semaphore(%run_scoped3A : memref<!tpu.dma_semaphore, #tpu.memory_space<semaphore_mem>>) src(%arg8 : memref<128x128xf32, #tpu.memory_space<vmem>>) dst(%dma_wait3A_44 : memref<10240x128xf32, #tpu.memory_space<vmem_shared>>)
        tpu.yield
      }) : () -> ()
    }
    %scan3A_10 = arith.constant 79 : i32
    %barrier3A_11 = arith.constant 0 : index
    tpu.barrier barrier_id(%barrier3A_11)
    %mul3A_12 = arith.constant 640 : i32
    %mul3A_13 = arith.muli %arg1, %mul3A_12 : i32
    %mul3A_14 = arith.constant 640 : i32
    %mul3A_15 = arith.muli %arg1, %mul3A_14 : i32
    "tpu.region"() ({
      %run_scoped3A = tpu.sem_alloc : memref<!tpu.dma_semaphore, #tpu.memory_space<semaphore_mem>>
      %dma_start3A = arith.constant 0 : i32
      %dma_start3A_38 = tpu.memref_slice %arg5[%add3A_1, %mul3A_15, %dma_start3A] : memref<4x10240x128xf32, #tpu.memory_space<hbm>> -> memref<1x640x128xf32, #tpu.memory_space<hbm>>
      %dma_start3A_39 = tpu.memref_squeeze %dma_start3A_38 : memref<1x640x128xf32, #tpu.memory_space<hbm>> -> memref<640x128xf32, #tpu.memory_space<hbm>>
      %dma_start3A_40 = arith.constant 0 : i32
      %dma_start3A_41 = tpu.memref_slice %arg9[%mul3A_13, %dma_start3A_40] : memref<10240x128xf32, #tpu.memory_space<vmem_shared>> -> memref<640x128xf32, #tpu.memory_space<vmem_shared>>
      tpu.enqueue_dma source(%dma_start3A_41 : memref<640x128xf32, #tpu.memory_space<vmem_shared>>) target(%dma_start3A_39 : memref<640x128xf32, #tpu.memory_space<hbm>>) target_semaphore(%run_scoped3A : memref<!tpu.dma_semaphore, #tpu.memory_space<semaphore_mem>>)
      %dma_wait3A = arith.constant 0 : i32
      %dma_wait3A_42 = tpu.memref_slice %arg5[%add3A_1, %mul3A_15, %dma_wait3A] : memref<4x10240x128xf32, #tpu.memory_space<hbm>> -> memref<1x640x128xf32, #tpu.memory_space<hbm>>
      %dma_wait3A_43 = tpu.memref_squeeze %dma_wait3A_42 : memref<1x640x128xf32, #tpu.memory_space<hbm>> -> memref<640x128xf32, #tpu.memory_space<hbm>>
      %dma_wait3A_44 = arith.constant 0 : i32
      %dma_wait3A_45 = tpu.memref_slice %arg9[%mul3A_13, %dma_wait3A_44] : memref<10240x128xf32, #tpu.memory_space<vmem_shared>> -> memref<640x128xf32, #tpu.memory_space<vmem_shared>>
      tpu.wait_dma2 semaphore(%run_scoped3A : memref<!tpu.dma_semaphore, #tpu.memory_space<semaphore_mem>>) src(%dma_wait3A_45 : memref<640x128xf32, #tpu.memory_space<vmem_shared>>) dst(%dma_wait3A_43 : memref<640x128xf32, #tpu.memory_space<hbm>>)
      tpu.yield
    }) : () -> ()
    %barrier3A_16 = arith.constant 0 : index
    tpu.barrier barrier_id(%barrier3A_16)
    %mul3A_17 = arith.constant 2 : i32
    %mul3A_18 = arith.muli %arg0, %mul3A_17 : i32
    %add3A_19 = arith.constant 1 : i32
    %add3A_20 = arith.addi %mul3A_18, %add3A_19 : i32
    %mul3A_21 = arith.constant 640 : i32
    %mul3A_22 = arith.muli %arg1, %mul3A_21 : i32
    %mul3A_23 = arith.constant 640 : i32
    %mul3A_24 = arith.muli %arg1, %mul3A_23 : i32
    "tpu.region"() ({
      %run_scoped3A = tpu.sem_alloc : memref<!tpu.dma_semaphore, #tpu.memory_space<semaphore_mem>>
      %dma_start3A = arith.constant 0 : i32
      %dma_start3A_38 = tpu.memref_slice %arg9[%mul3A_24, %dma_start3A] : memref<10240x128xf32, #tpu.memory_space<vmem_shared>> -> memref<640x128xf32, #tpu.memory_space<vmem_shared>>
      %dma_start3A_39 = arith.constant 0 : i32
      %dma_start3A_40 = arith.constant 0 : i32
      %dma_start3A_41 = tpu.memref_slice %arg2[%add3A_20, %dma_start3A_39, %dma_start3A_40] : memref<4x10240x128xf32, #tpu.memory_space<hbm>> -> memref<1x10240x128xf32, #tpu.memory_space<hbm>>
      %dma_start3A_42 = tpu.memref_squeeze %dma_start3A_41 : memref<1x10240x128xf32, #tpu.memory_space<hbm>> -> memref<10240x128xf32, #tpu.memory_space<hbm>>
      %dma_start3A_43 = arith.constant 0 : i32
      %dma_start3A_44 = tpu.memref_slice %dma_start3A_42[%mul3A_22, %dma_start3A_43] : memref<10240x128xf32, #tpu.memory_space<hbm>> -> memref<640x128xf32, #tpu.memory_space<hbm>>
      tpu.enqueue_dma source(%dma_start3A_44 : memref<640x128xf32, #tpu.memory_space<hbm>>) target(%dma_start3A_38 : memref<640x128xf32, #tpu.memory_space<vmem_shared>>) target_semaphore(%run_scoped3A : memref<!tpu.dma_semaphore, #tpu.memory_space<semaphore_mem>>)
      %dma_wait3A = arith.constant 0 : i32
      %dma_wait3A_45 = tpu.memref_slice %arg9[%mul3A_24, %dma_wait3A] : memref<10240x128xf32, #tpu.memory_space<vmem_shared>> -> memref<640x128xf32, #tpu.memory_space<vmem_shared>>
      %dma_wait3A_46 = arith.constant 0 : i32
      %dma_wait3A_47 = arith.constant 0 : i32
      %dma_wait3A_48 = tpu.memref_slice %arg2[%add3A_20, %dma_wait3A_46, %dma_wait3A_47] : memref<4x10240x128xf32, #tpu.memory_space<hbm>> -> memref<1x10240x128xf32, #tpu.memory_space<hbm>>
      %dma_wait3A_49 = tpu.memref_squeeze %dma_wait3A_48 : memref<1x10240x128xf32, #tpu.memory_space<hbm>> -> memref<10240x128xf32, #tpu.memory_space<hbm>>
      %dma_wait3A_50 = arith.constant 0 : i32
      %dma_wait3A_51 = tpu.memref_slice %dma_wait3A_49[%mul3A_22, %dma_wait3A_50] : memref<10240x128xf32, #tpu.memory_space<hbm>> -> memref<640x128xf32, #tpu.memory_space<hbm>>
      tpu.wait_dma2 semaphore(%run_scoped3A : memref<!tpu.dma_semaphore, #tpu.memory_space<semaphore_mem>>) src(%dma_wait3A_51 : memref<640x128xf32, #tpu.memory_space<hbm>>) dst(%dma_wait3A_45 : memref<640x128xf32, #tpu.memory_space<vmem_shared>>)
      tpu.yield
    }) : () -> ()
    %barrier3A_25 = arith.constant 0 : index
    tpu.barrier barrier_id(%barrier3A_25)
    %scan3A_26 = arith.constant 0 : i32
    %scan3A_27 = arith.constant 0 : i32
    %scan3A_28 = arith.constant 79 : i32
    %scan3A_29 = arith.addi %scan3A_27, %scan3A_28 : i32
    %scan3A_30 = arith.constant 1 : i32
    scf.for %scan3A_38 = %scan3A_27 to %scan3A_29 step %scan3A_30  : i32 {
      %mul3A_39 = arith.constant 128 : i32
      %mul3A_40 = arith.muli %scan3A_38, %mul3A_39 : i32
      "tpu.region"() ({
        %run_scoped3A = tpu.sem_alloc : memref<!tpu.dma_semaphore, #tpu.memory_space<semaphore_mem>>
        %dma_start3A = tpu.memref_slice %arg3[%arg1, %mul3A_40] : memref<16x10112xi32, #tpu.memory_space<hbm>> -> memref<1x128xi32, #tpu.memory_space<hbm>>
        %dma_start3A_41 = tpu.memref_squeeze %dma_start3A : memref<1x128xi32, #tpu.memory_space<hbm>> -> memref<128xi32, #tpu.memory_space<hbm>>
        %dma_start3A_42 = tpu.memref_slice %arg3[%arg1, %mul3A_40] : memref<16x10112xi32, #tpu.memory_space<hbm>> -> memref<1x128xi32, #tpu.memory_space<hbm>>
        %dma_start3A_43 = tpu.memref_squeeze %dma_start3A_42 : memref<1x128xi32, #tpu.memory_space<hbm>> -> memref<128xi32, #tpu.memory_space<hbm>>
        tpu.enqueue_dma source(%dma_start3A_43 : memref<128xi32, #tpu.memory_space<hbm>>) target(%arg6 : memref<128xi32, #tpu.memory_space<vmem>>) target_semaphore(%run_scoped3A : memref<!tpu.dma_semaphore, #tpu.memory_space<semaphore_mem>>)
        %dma_wait3A = tpu.memref_slice %arg3[%arg1, %mul3A_40] : memref<16x10112xi32, #tpu.memory_space<hbm>> -> memref<1x128xi32, #tpu.memory_space<hbm>>
        %dma_wait3A_44 = tpu.memref_squeeze %dma_wait3A : memref<1x128xi32, #tpu.memory_space<hbm>> -> memref<128xi32, #tpu.memory_space<hbm>>
        %dma_wait3A_45 = tpu.memref_slice %arg3[%arg1, %mul3A_40] : memref<16x10112xi32, #tpu.memory_space<hbm>> -> memref<1x128xi32, #tpu.memory_space<hbm>>
        %dma_wait3A_46 = tpu.memref_squeeze %dma_wait3A_45 : memref<1x128xi32, #tpu.memory_space<hbm>> -> memref<128xi32, #tpu.memory_space<hbm>>
        tpu.wait_dma2 semaphore(%run_scoped3A : memref<!tpu.dma_semaphore, #tpu.memory_space<semaphore_mem>>) src(%dma_wait3A_46 : memref<128xi32, #tpu.memory_space<hbm>>) dst(%arg6 : memref<128xi32, #tpu.memory_space<vmem>>)
        tpu.yield
      }) : () -> ()
      "tpu.region"() ({
        %run_scoped3A = tpu.sem_alloc : memref<!tpu.dma_semaphore, #tpu.memory_space<semaphore_mem>>
        %dma_start3A = tpu.memref_slice %arg4[%arg1, %mul3A_40] : memref<16x10112xi32, #tpu.memory_space<hbm>> -> memref<1x128xi32, #tpu.memory_space<hbm>>
        %dma_start3A_41 = tpu.memref_squeeze %dma_start3A : memref<1x128xi32, #tpu.memory_space<hbm>> -> memref<128xi32, #tpu.memory_space<hbm>>
        %dma_start3A_42 = tpu.memref_slice %arg4[%arg1, %mul3A_40] : memref<16x10112xi32, #tpu.memory_space<hbm>> -> memref<1x128xi32, #tpu.memory_space<hbm>>
        %dma_start3A_43 = tpu.memref_squeeze %dma_start3A_42 : memref<1x128xi32, #tpu.memory_space<hbm>> -> memref<128xi32, #tpu.memory_space<hbm>>
        tpu.enqueue_dma source(%dma_start3A_43 : memref<128xi32, #tpu.memory_space<hbm>>) target(%arg7 : memref<128xi32, #tpu.memory_space<vmem>>) target_semaphore(%run_scoped3A : memref<!tpu.dma_semaphore, #tpu.memory_space<semaphore_mem>>)
        %dma_wait3A = tpu.memref_slice %arg4[%arg1, %mul3A_40] : memref<16x10112xi32, #tpu.memory_space<hbm>> -> memref<1x128xi32, #tpu.memory_space<hbm>>
        %dma_wait3A_44 = tpu.memref_squeeze %dma_wait3A : memref<1x128xi32, #tpu.memory_space<hbm>> -> memref<128xi32, #tpu.memory_space<hbm>>
        %dma_wait3A_45 = tpu.memref_slice %arg4[%arg1, %mul3A_40] : memref<16x10112xi32, #tpu.memory_space<hbm>> -> memref<1x128xi32, #tpu.memory_space<hbm>>
        %dma_wait3A_46 = tpu.memref_squeeze %dma_wait3A_45 : memref<1x128xi32, #tpu.memory_space<hbm>> -> memref<128xi32, #tpu.memory_space<hbm>>
        tpu.wait_dma2 semaphore(%run_scoped3A : memref<!tpu.dma_semaphore, #tpu.memory_space<semaphore_mem>>) src(%dma_wait3A_46 : memref<128xi32, #tpu.memory_space<hbm>>) dst(%arg7 : memref<128xi32, #tpu.memory_space<vmem>>)
        tpu.yield
      }) : () -> ()
      "tpu.region"() ({
        %run_scoped3A = tpu.sem_alloc : memref<!tpu.dma_semaphore, #tpu.memory_space<semaphore_mem>>
        %dma_start3A = arith.constant 0 : i32
        %dma_start3A_41 = arith.constant 0 : i32
        %dma_start3A_42 = tpu.memref_slice %arg2[%add3A_20, %dma_start3A, %dma_start3A_41] : memref<4x10240x128xf32, #tpu.memory_space<hbm>> -> memref<1x10240x128xf32, #tpu.memory_space<hbm>>
        %dma_start3A_43 = tpu.memref_squeeze %dma_start3A_42 : memref<1x10240x128xf32, #tpu.memory_space<hbm>> -> memref<10240x128xf32, #tpu.memory_space<hbm>>
        %dma_start3A_44 = arith.constant 0 : i32
        %dma_start3A_45 = arith.constant 0 : i32
        %dma_start3A_46 = tpu.memref_slice %dma_start3A_43[%dma_start3A_44, %dma_start3A_45] : memref<10240x128xf32, #tpu.memory_space<hbm>> -> memref<10240x128xf32, #tpu.memory_space<hbm>>
        tpu.enqueue_indirect_dma source(%dma_start3A_46 : memref<10240x128xf32, #tpu.memory_space<hbm>>) target(%arg8 : memref<128x128xf32, #tpu.memory_space<vmem>>) offsets(%arg6 : memref<128xi32, #tpu.memory_space<vmem>>) semaphore(%run_scoped3A : memref<!tpu.dma_semaphore, #tpu.memory_space<semaphore_mem>>)
        %dma_wait3A = arith.constant 0 : i32
        %dma_wait3A_47 = arith.constant 0 : i32
        %dma_wait3A_48 = tpu.memref_slice %arg2[%add3A_20, %dma_wait3A, %dma_wait3A_47] : memref<4x10240x128xf32, #tpu.memory_space<hbm>> -> memref<1x10240x128xf32, #tpu.memory_space<hbm>>
        %dma_wait3A_49 = tpu.memref_squeeze %dma_wait3A_48 : memref<1x10240x128xf32, #tpu.memory_space<hbm>> -> memref<10240x128xf32, #tpu.memory_space<hbm>>
        %dma_wait3A_50 = arith.constant 0 : i32
        %dma_wait3A_51 = arith.constant 0 : i32
        %dma_wait3A_52 = tpu.memref_slice %dma_wait3A_49[%dma_wait3A_50, %dma_wait3A_51] : memref<10240x128xf32, #tpu.memory_space<hbm>> -> memref<10240x128xf32, #tpu.memory_space<hbm>>
        tpu.wait_indirect_dma semaphore(%run_scoped3A : memref<!tpu.dma_semaphore, #tpu.memory_space<semaphore_mem>>) src(%dma_wait3A_52 : memref<10240x128xf32, #tpu.memory_space<hbm>>) dst(%arg8 : memref<128x128xf32, #tpu.memory_space<vmem>>)
        tpu.yield
      }) : () -> ()
      "tpu.region"() ({
        %run_scoped3A = tpu.sem_alloc : memref<!tpu.dma_semaphore, #tpu.memory_space<semaphore_mem>>
        %dma_start3A = arith.constant 0 : i32
        %dma_start3A_41 = arith.constant 0 : i32
        %dma_start3A_42 = tpu.memref_slice %arg9[%dma_start3A, %dma_start3A_41] : memref<10240x128xf32, #tpu.memory_space<vmem_shared>> -> memref<10240x128xf32, #tpu.memory_space<vmem_shared>>
        tpu.enqueue_indirect_dma source(%arg8 : memref<128x128xf32, #tpu.memory_space<vmem>>) target(%dma_start3A_42 : memref<10240x128xf32, #tpu.memory_space<vmem_shared>>) offsets(%arg7 : memref<128xi32, #tpu.memory_space<vmem>>) semaphore(%run_scoped3A : memref<!tpu.dma_semaphore, #tpu.memory_space<semaphore_mem>>) {add = true}
        %dma_wait3A = arith.constant 0 : i32
        %dma_wait3A_43 = arith.constant 0 : i32
        %dma_wait3A_44 = tpu.memref_slice %arg9[%dma_wait3A, %dma_wait3A_43] : memref<10240x128xf32, #tpu.memory_space<vmem_shared>> -> memref<10240x128xf32, #tpu.memory_space<vmem_shared>>
        tpu.wait_indirect_dma semaphore(%run_scoped3A : memref<!tpu.dma_semaphore, #tpu.memory_space<semaphore_mem>>) src(%arg8 : memref<128x128xf32, #tpu.memory_space<vmem>>) dst(%dma_wait3A_44 : memref<10240x128xf32, #tpu.memory_space<vmem_shared>>)
        tpu.yield
      }) : () -> ()
    }
    %scan3A_31 = arith.constant 79 : i32
    %barrier3A_32 = arith.constant 0 : index
    tpu.barrier barrier_id(%barrier3A_32)
    %mul3A_33 = arith.constant 640 : i32
    %mul3A_34 = arith.muli %arg1, %mul3A_33 : i32
    %mul3A_35 = arith.constant 640 : i32
    %mul3A_36 = arith.muli %arg1, %mul3A_35 : i32
    "tpu.region"() ({
      %run_scoped3A = tpu.sem_alloc : memref<!tpu.dma_semaphore, #tpu.memory_space<semaphore_mem>>
      %dma_start3A = arith.constant 0 : i32
      %dma_start3A_38 = tpu.memref_slice %arg5[%add3A_20, %mul3A_36, %dma_start3A] : memref<4x10240x128xf32, #tpu.memory_space<hbm>> -> memref<1x640x128xf32, #tpu.memory_space<hbm>>
      %dma_start3A_39 = tpu.memref_squeeze %dma_start3A_38 : memref<1x640x128xf32, #tpu.memory_space<hbm>> -> memref<640x128xf32, #tpu.memory_space<hbm>>
      %dma_start3A_40 = arith.constant 0 : i32
      %dma_start3A_41 = tpu.memref_slice %arg9[%mul3A_34, %dma_start3A_40] : memref<10240x128xf32, #tpu.memory_space<vmem_shared>> -> memref<640x128xf32, #tpu.memory_space<vmem_shared>>
      tpu.enqueue_dma source(%dma_start3A_41 : memref<640x128xf32, #tpu.memory_space<vmem_shared>>) target(%dma_start3A_39 : memref<640x128xf32, #tpu.memory_space<hbm>>) target_semaphore(%run_scoped3A : memref<!tpu.dma_semaphore, #tpu.memory_space<semaphore_mem>>)
      %dma_wait3A = arith.constant 0 : i32
      %dma_wait3A_42 = tpu.memref_slice %arg5[%add3A_20, %mul3A_36, %dma_wait3A] : memref<4x10240x128xf32, #tpu.memory_space<hbm>> -> memref<1x640x128xf32, #tpu.memory_space<hbm>>
      %dma_wait3A_43 = tpu.memref_squeeze %dma_wait3A_42 : memref<1x640x128xf32, #tpu.memory_space<hbm>> -> memref<640x128xf32, #tpu.memory_space<hbm>>
      %dma_wait3A_44 = arith.constant 0 : i32
      %dma_wait3A_45 = tpu.memref_slice %arg9[%mul3A_34, %dma_wait3A_44] : memref<10240x128xf32, #tpu.memory_space<vmem_shared>> -> memref<640x128xf32, #tpu.memory_space<vmem_shared>>
      tpu.wait_dma2 semaphore(%run_scoped3A : memref<!tpu.dma_semaphore, #tpu.memory_space<semaphore_mem>>) src(%dma_wait3A_45 : memref<640x128xf32, #tpu.memory_space<vmem_shared>>) dst(%dma_wait3A_43 : memref<640x128xf32, #tpu.memory_space<hbm>>)
      tpu.yield
    }) : () -> ()
    %barrier3A_37 = arith.constant 0 : index
    tpu.barrier barrier_id(%barrier3A_37)
    return
  }
}

#map = affine_map<(d0, d1) -> (0, 0, 0)>
#map1 = affine_map<(d0, d1) -> (0, 0)>
module attributes {stable_mosaic.version = 14 : i64} {
  func.func @body(%arg0: i32, %arg1: i32, %arg2: memref<4x10240x128xf32, #tpu.memory_space<hbm>>, %arg3: memref<16x10112xi32, #tpu.memory_space<hbm>>, %arg4: memref<16x10112xi32, #tpu.memory_space<hbm>>, %arg5: memref<4x10240x128xf32, #tpu.memory_space<hbm>>, %arg6: memref<128xi32, #tpu.memory_space<vmem>>, %arg7: memref<128xi32, #tpu.memory_space<vmem>>, %arg8: memref<128x128xf32, #tpu.memory_space<vmem>>, %arg9: memref<10240x128xf32, #tpu.memory_space<vmem_shared>>) attributes {dimension_semantics = [#tpu.dimension_semantics<core_parallel>, #tpu.dimension_semantics<subcore_parallel>], iteration_bounds = array<i64: 2, 16>, scalar_prefetch = 0 : i64, scratch_operands = 4 : i64, tpu.core_type = #tpu.core_type<sc_vector_subcore>, window_params = [{transform_indices = #map}, {transform_indices = #map1}, {transform_indices = #map1}, {transform_indices = #map}]} {
    %mul3A = arith.constant 2 : i32
    %mul3A_0 = arith.muli %arg0, %mul3A : i32
    %add3A = arith.constant 0 : i32
    %add3A_1 = arith.addi %mul3A_0, %add3A : i32
    %mul3A_2 = arith.constant 640 : i32
    %mul3A_3 = arith.muli %arg1, %mul3A_2 : i32
    %mul3A_4 = arith.constant 640 : i32
    %mul3A_5 = arith.muli %arg1, %mul3A_4 : i32
    "tpu.region"() ({
      %run_scoped3A = tpu.sem_alloc : memref<!tpu.dma_semaphore, #tpu.memory_space<semaphore_mem>>
      %dma_start3A = arith.constant 0 : i32
      %dma_start3A_38 = tpu.memref_slice %arg9[%mul3A_5, %dma_start3A] : memref<10240x128xf32, #tpu.memory_space<vmem_shared>> -> memref<640x128xf32, #tpu.memory_space<vmem_shared>>
      %dma_start3A_39 = arith.constant 0 : i32
      %dma_start3A_40 = arith.constant 0 : i32
      %dma_start3A_41 = tpu.memref_slice %arg2[%add3A_1, %dma_start3A_39, %dma_start3A_40] : memref<4x10240x128xf32, #tpu.memory_space<hbm>> -> memref<1x10240x128xf32, #tpu.memory_space<hbm>>
      %dma_start3A_42 = tpu.memref_squeeze %dma_start3A_41 : memref<1x10240x128xf32, #tpu.memory_space<hbm>> -> memref<10240x128xf32, #tpu.memory_space<hbm>>
      %dma_start3A_43 = arith.constant 0 : i32
      %dma_start3A_44 = tpu.memref_slice %dma_start3A_42[%mul3A_3, %dma_start3A_43] : memref<10240x128xf32, #tpu.memory_space<hbm>> -> memref<640x128xf32, #tpu.memory_space<hbm>>
      tpu.enqueue_dma source(%dma_start3A_44 : memref<640x128xf32, #tpu.memory_space<hbm>>) target(%dma_start3A_38 : memref<640x128xf32, #tpu.memory_space<vmem_shared>>) target_semaphore(%run_scoped3A : memref<!tpu.dma_semaphore, #tpu.memory_space<semaphore_mem>>)
      %dma_wait3A = arith.constant 0 : i32
      %dma_wait3A_45 = tpu.memref_slice %arg9[%mul3A_5, %dma_wait3A] : memref<10240x128xf32, #tpu.memory_space<vmem_shared>> -> memref<640x128xf32, #tpu.memory_space<vmem_shared>>
      %dma_wait3A_46 = arith.constant 0 : i32
      %dma_wait3A_47 = arith.constant 0 : i32
      %dma_wait3A_48 = tpu.memref_slice %arg2[%add3A_1, %dma_wait3A_46, %dma_wait3A_47] : memref<4x10240x128xf32, #tpu.memory_space<hbm>> -> memref<1x10240x128xf32, #tpu.memory_space<hbm>>
      %dma_wait3A_49 = tpu.memref_squeeze %dma_wait3A_48 : memref<1x10240x128xf32, #tpu.memory_space<hbm>> -> memref<10240x128xf32, #tpu.memory_space<hbm>>
      %dma_wait3A_50 = arith.constant 0 : i32
      %dma_wait3A_51 = tpu.memref_slice %dma_wait3A_49[%mul3A_3, %dma_wait3A_50] : memref<10240x128xf32, #tpu.memory_space<hbm>> -> memref<640x128xf32, #tpu.memory_space<hbm>>
      tpu.wait_dma2 semaphore(%run_scoped3A : memref<!tpu.dma_semaphore, #tpu.memory_space<semaphore_mem>>) src(%dma_wait3A_51 : memref<640x128xf32, #tpu.memory_space<hbm>>) dst(%dma_wait3A_45 : memref<640x128xf32, #tpu.memory_space<vmem_shared>>)
      tpu.yield
    }) : () -> ()
    %barrier3A = arith.constant 0 : index
    tpu.barrier barrier_id(%barrier3A)
    %scan3A = arith.constant 0 : i32
    %scan3A_6 = arith.constant 0 : i32
    %scan3A_7 = arith.constant 79 : i32
    %scan3A_8 = arith.addi %scan3A_6, %scan3A_7 : i32
    %scan3A_9 = arith.constant 1 : i32
    scf.for %scan3A_38 = %scan3A_6 to %scan3A_8 step %scan3A_9  : i32 {
      %mul3A_39 = arith.constant 128 : i32
      %mul3A_40 = arith.muli %scan3A_38, %mul3A_39 : i32
      "tpu.region"() ({
        %run_scoped3A = tpu.sem_alloc : memref<!tpu.dma_semaphore, #tpu.memory_space<semaphore_mem>>
        %dma_start3A = tpu.memref_slice %arg3[%arg1, %mul3A_40] : memref<16x10112xi32, #tpu.memory_space<hbm>> -> memref<1x128xi32, #tpu.memory_space<hbm>>
        %dma_start3A_41 = tpu.memref_squeeze %dma_start3A : memref<1x128xi32, #tpu.memory_space<hbm>> -> memref<128xi32, #tpu.memory_space<hbm>>
        %dma_start3A_42 = tpu.memref_slice %arg3[%arg1, %mul3A_40] : memref<16x10112xi32, #tpu.memory_space<hbm>> -> memref<1x128xi32, #tpu.memory_space<hbm>>
        %dma_start3A_43 = tpu.memref_squeeze %dma_start3A_42 : memref<1x128xi32, #tpu.memory_space<hbm>> -> memref<128xi32, #tpu.memory_space<hbm>>
        tpu.enqueue_dma source(%dma_start3A_43 : memref<128xi32, #tpu.memory_space<hbm>>) target(%arg6 : memref<128xi32, #tpu.memory_space<vmem>>) target_semaphore(%run_scoped3A : memref<!tpu.dma_semaphore, #tpu.memory_space<semaphore_mem>>)
        %dma_wait3A = tpu.memref_slice %arg3[%arg1, %mul3A_40] : memref<16x10112xi32, #tpu.memory_space<hbm>> -> memref<1x128xi32, #tpu.memory_space<hbm>>
        %dma_wait3A_44 = tpu.memref_squeeze %dma_wait3A : memref<1x128xi32, #tpu.memory_space<hbm>> -> memref<128xi32, #tpu.memory_space<hbm>>
        %dma_wait3A_45 = tpu.memref_slice %arg3[%arg1, %mul3A_40] : memref<16x10112xi32, #tpu.memory_space<hbm>> -> memref<1x128xi32, #tpu.memory_space<hbm>>
        %dma_wait3A_46 = tpu.memref_squeeze %dma_wait3A_45 : memref<1x128xi32, #tpu.memory_space<hbm>> -> memref<128xi32, #tpu.memory_space<hbm>>
        tpu.wait_dma2 semaphore(%run_scoped3A : memref<!tpu.dma_semaphore, #tpu.memory_space<semaphore_mem>>) src(%dma_wait3A_46 : memref<128xi32, #tpu.memory_space<hbm>>) dst(%arg6 : memref<128xi32, #tpu.memory_space<vmem>>)
        tpu.yield
      }) : () -> ()
      "tpu.region"() ({
        %run_scoped3A = tpu.sem_alloc : memref<!tpu.dma_semaphore, #tpu.memory_space<semaphore_mem>>
        %dma_start3A = tpu.memref_slice %arg4[%arg1, %mul3A_40] : memref<16x10112xi32, #tpu.memory_space<hbm>> -> memref<1x128xi32, #tpu.memory_space<hbm>>
        %dma_start3A_41 = tpu.memref_squeeze %dma_start3A : memref<1x128xi32, #tpu.memory_space<hbm>> -> memref<128xi32, #tpu.memory_space<hbm>>
        %dma_start3A_42 = tpu.memref_slice %arg4[%arg1, %mul3A_40] : memref<16x10112xi32, #tpu.memory_space<hbm>> -> memref<1x128xi32, #tpu.memory_space<hbm>>
        %dma_start3A_43 = tpu.memref_squeeze %dma_start3A_42 : memref<1x128xi32, #tpu.memory_space<hbm>> -> memref<128xi32, #tpu.memory_space<hbm>>
        tpu.enqueue_dma source(%dma_start3A_43 : memref<128xi32, #tpu.memory_space<hbm>>) target(%arg7 : memref<128xi32, #tpu.memory_space<vmem>>) target_semaphore(%run_scoped3A : memref<!tpu.dma_semaphore, #tpu.memory_space<semaphore_mem>>)
        %dma_wait3A = tpu.memref_slice %arg4[%arg1, %mul3A_40] : memref<16x10112xi32, #tpu.memory_space<hbm>> -> memref<1x128xi32, #tpu.memory_space<hbm>>
        %dma_wait3A_44 = tpu.memref_squeeze %dma_wait3A : memref<1x128xi32, #tpu.memory_space<hbm>> -> memref<128xi32, #tpu.memory_space<hbm>>
        %dma_wait3A_45 = tpu.memref_slice %arg4[%arg1, %mul3A_40] : memref<16x10112xi32, #tpu.memory_space<hbm>> -> memref<1x128xi32, #tpu.memory_space<hbm>>
        %dma_wait3A_46 = tpu.memref_squeeze %dma_wait3A_45 : memref<1x128xi32, #tpu.memory_space<hbm>> -> memref<128xi32, #tpu.memory_space<hbm>>
        tpu.wait_dma2 semaphore(%run_scoped3A : memref<!tpu.dma_semaphore, #tpu.memory_space<semaphore_mem>>) src(%dma_wait3A_46 : memref<128xi32, #tpu.memory_space<hbm>>) dst(%arg7 : memref<128xi32, #tpu.memory_space<vmem>>)
        tpu.yield
      }) : () -> ()
      "tpu.region"() ({
        %run_scoped3A = tpu.sem_alloc : memref<!tpu.dma_semaphore, #tpu.memory_space<semaphore_mem>>
        %dma_start3A = arith.constant 0 : i32
        %dma_start3A_41 = arith.constant 0 : i32
        %dma_start3A_42 = tpu.memref_slice %arg2[%add3A_1, %dma_start3A, %dma_start3A_41] : memref<4x10240x128xf32, #tpu.memory_space<hbm>> -> memref<1x10240x128xf32, #tpu.memory_space<hbm>>
        %dma_start3A_43 = tpu.memref_squeeze %dma_start3A_42 : memref<1x10240x128xf32, #tpu.memory_space<hbm>> -> memref<10240x128xf32, #tpu.memory_space<hbm>>
        %dma_start3A_44 = arith.constant 0 : i32
        %dma_start3A_45 = arith.constant 0 : i32
        %dma_start3A_46 = tpu.memref_slice %dma_start3A_43[%dma_start3A_44, %dma_start3A_45] : memref<10240x128xf32, #tpu.memory_space<hbm>> -> memref<10240x128xf32, #tpu.memory_space<hbm>>
        tpu.enqueue_indirect_dma source(%dma_start3A_46 : memref<10240x128xf32, #tpu.memory_space<hbm>>) target(%arg8 : memref<128x128xf32, #tpu.memory_space<vmem>>) offsets(%arg6 : memref<128xi32, #tpu.memory_space<vmem>>) semaphore(%run_scoped3A : memref<!tpu.dma_semaphore, #tpu.memory_space<semaphore_mem>>)
        %dma_wait3A = arith.constant 0 : i32
        %dma_wait3A_47 = arith.constant 0 : i32
        %dma_wait3A_48 = tpu.memref_slice %arg2[%add3A_1, %dma_wait3A, %dma_wait3A_47] : memref<4x10240x128xf32, #tpu.memory_space<hbm>> -> memref<1x10240x128xf32, #tpu.memory_space<hbm>>
        %dma_wait3A_49 = tpu.memref_squeeze %dma_wait3A_48 : memref<1x10240x128xf32, #tpu.memory_space<hbm>> -> memref<10240x128xf32, #tpu.memory_space<hbm>>
        %dma_wait3A_50 = arith.constant 0 : i32
        %dma_wait3A_51 = arith.constant 0 : i32
        %dma_wait3A_52 = tpu.memref_slice %dma_wait3A_49[%dma_wait3A_50, %dma_wait3A_51] : memref<10240x128xf32, #tpu.memory_space<hbm>> -> memref<10240x128xf32, #tpu.memory_space<hbm>>
        tpu.wait_indirect_dma semaphore(%run_scoped3A : memref<!tpu.dma_semaphore, #tpu.memory_space<semaphore_mem>>) src(%dma_wait3A_52 : memref<10240x128xf32, #tpu.memory_space<hbm>>) dst(%arg8 : memref<128x128xf32, #tpu.memory_space<vmem>>)
        tpu.yield
      }) : () -> ()
      "tpu.region"() ({
        %run_scoped3A = tpu.sem_alloc : memref<!tpu.dma_semaphore, #tpu.memory_space<semaphore_mem>>
        %dma_start3A = arith.constant 0 : i32
        %dma_start3A_41 = arith.constant 0 : i32
        %dma_start3A_42 = tpu.memref_slice %arg9[%dma_start3A, %dma_start3A_41] : memref<10240x128xf32, #tpu.memory_space<vmem_shared>> -> memref<10240x128xf32, #tpu.memory_space<vmem_shared>>
        tpu.enqueue_indirect_dma source(%arg8 : memref<128x128xf32, #tpu.memory_space<vmem>>) target(%dma_start3A_42 : memref<10240x128xf32, #tpu.memory_space<vmem_shared>>) offsets(%arg7 : memref<128xi32, #tpu.memory_space<vmem>>) semaphore(%run_scoped3A : memref<!tpu.dma_semaphore, #tpu.memory_space<semaphore_mem>>) {add = true}
        %dma_wait3A = arith.constant 0 : i32
        %dma_wait3A_43 = arith.constant 0 : i32
        %dma_wait3A_44 = tpu.memref_slice %arg9[%dma_wait3A, %dma_wait3A_43] : memref<10240x128xf32, #tpu.memory_space<vmem_shared>> -> memref<10240x128xf32, #tpu.memory_space<vmem_shared>>
        tpu.wait_indirect_dma semaphore(%run_scoped3A : memref<!tpu.dma_semaphore, #tpu.memory_space<semaphore_mem>>) src(%arg8 : memref<128x128xf32, #tpu.memory_space<vmem>>) dst(%dma_wait3A_44 : memref<10240x128xf32, #tpu.memory_space<vmem_shared>>)
        tpu.yield
      }) : () -> ()
    }
    %scan3A_10 = arith.constant 79 : i32
    %barrier3A_11 = arith.constant 0 : index
    tpu.barrier barrier_id(%barrier3A_11)
    %mul3A_12 = arith.constant 640 : i32
    %mul3A_13 = arith.muli %arg1, %mul3A_12 : i32
    %mul3A_14 = arith.constant 640 : i32
    %mul3A_15 = arith.muli %arg1, %mul3A_14 : i32
    "tpu.region"() ({
      %run_scoped3A = tpu.sem_alloc : memref<!tpu.dma_semaphore, #tpu.memory_space<semaphore_mem>>
      %dma_start3A = arith.constant 0 : i32
      %dma_start3A_38 = tpu.memref_slice %arg5[%add3A_1, %mul3A_15, %dma_start3A] : memref<4x10240x128xf32, #tpu.memory_space<hbm>> -> memref<1x640x128xf32, #tpu.memory_space<hbm>>
      %dma_start3A_39 = tpu.memref_squeeze %dma_start3A_38 : memref<1x640x128xf32, #tpu.memory_space<hbm>> -> memref<640x128xf32, #tpu.memory_space<hbm>>
      %dma_start3A_40 = arith.constant 0 : i32
      %dma_start3A_41 = tpu.memref_slice %arg9[%mul3A_13, %dma_start3A_40] : memref<10240x128xf32, #tpu.memory_space<vmem_shared>> -> memref<640x128xf32, #tpu.memory_space<vmem_shared>>
      tpu.enqueue_dma source(%dma_start3A_41 : memref<640x128xf32, #tpu.memory_space<vmem_shared>>) target(%dma_start3A_39 : memref<640x128xf32, #tpu.memory_space<hbm>>) target_semaphore(%run_scoped3A : memref<!tpu.dma_semaphore, #tpu.memory_space<semaphore_mem>>)
      %dma_wait3A = arith.constant 0 : i32
      %dma_wait3A_42 = tpu.memref_slice %arg5[%add3A_1, %mul3A_15, %dma_wait3A] : memref<4x10240x128xf32, #tpu.memory_space<hbm>> -> memref<1x640x128xf32, #tpu.memory_space<hbm>>
      %dma_wait3A_43 = tpu.memref_squeeze %dma_wait3A_42 : memref<1x640x128xf32, #tpu.memory_space<hbm>> -> memref<640x128xf32, #tpu.memory_space<hbm>>
      %dma_wait3A_44 = arith.constant 0 : i32
      %dma_wait3A_45 = tpu.memref_slice %arg9[%mul3A_13, %dma_wait3A_44] : memref<10240x128xf32, #tpu.memory_space<vmem_shared>> -> memref<640x128xf32, #tpu.memory_space<vmem_shared>>
      tpu.wait_dma2 semaphore(%run_scoped3A : memref<!tpu.dma_semaphore, #tpu.memory_space<semaphore_mem>>) src(%dma_wait3A_45 : memref<640x128xf32, #tpu.memory_space<vmem_shared>>) dst(%dma_wait3A_43 : memref<640x128xf32, #tpu.memory_space<hbm>>)
      tpu.yield
    }) : () -> ()
    %barrier3A_16 = arith.constant 0 : index
    tpu.barrier barrier_id(%barrier3A_16)
    %mul3A_17 = arith.constant 2 : i32
    %mul3A_18 = arith.muli %arg0, %mul3A_17 : i32
    %add3A_19 = arith.constant 1 : i32
    %add3A_20 = arith.addi %mul3A_18, %add3A_19 : i32
    %mul3A_21 = arith.constant 640 : i32
    %mul3A_22 = arith.muli %arg1, %mul3A_21 : i32
    %mul3A_23 = arith.constant 640 : i32
    %mul3A_24 = arith.muli %arg1, %mul3A_23 : i32
    "tpu.region"() ({
      %run_scoped3A = tpu.sem_alloc : memref<!tpu.dma_semaphore, #tpu.memory_space<semaphore_mem>>
      %dma_start3A = arith.constant 0 : i32
      %dma_start3A_38 = tpu.memref_slice %arg9[%mul3A_24, %dma_start3A] : memref<10240x128xf32, #tpu.memory_space<vmem_shared>> -> memref<640x128xf32, #tpu.memory_space<vmem_shared>>
      %dma_start3A_39 = arith.constant 0 : i32
      %dma_start3A_40 = arith.constant 0 : i32
      %dma_start3A_41 = tpu.memref_slice %arg2[%add3A_20, %dma_start3A_39, %dma_start3A_40] : memref<4x10240x128xf32, #tpu.memory_space<hbm>> -> memref<1x10240x128xf32, #tpu.memory_space<hbm>>
      %dma_start3A_42 = tpu.memref_squeeze %dma_start3A_41 : memref<1x10240x128xf32, #tpu.memory_space<hbm>> -> memref<10240x128xf32, #tpu.memory_space<hbm>>
      %dma_start3A_43 = arith.constant 0 : i32
      %dma_start3A_44 = tpu.memref_slice %dma_start3A_42[%mul3A_22, %dma_start3A_43] : memref<10240x128xf32, #tpu.memory_space<hbm>> -> memref<640x128xf32, #tpu.memory_space<hbm>>
      tpu.enqueue_dma source(%dma_start3A_44 : memref<640x128xf32, #tpu.memory_space<hbm>>) target(%dma_start3A_38 : memref<640x128xf32, #tpu.memory_space<vmem_shared>>) target_semaphore(%run_scoped3A : memref<!tpu.dma_semaphore, #tpu.memory_space<semaphore_mem>>)
      %dma_wait3A = arith.constant 0 : i32
      %dma_wait3A_45 = tpu.memref_slice %arg9[%mul3A_24, %dma_wait3A] : memref<10240x128xf32, #tpu.memory_space<vmem_shared>> -> memref<640x128xf32, #tpu.memory_space<vmem_shared>>
      %dma_wait3A_46 = arith.constant 0 : i32
      %dma_wait3A_47 = arith.constant 0 : i32
      %dma_wait3A_48 = tpu.memref_slice %arg2[%add3A_20, %dma_wait3A_46, %dma_wait3A_47] : memref<4x10240x128xf32, #tpu.memory_space<hbm>> -> memref<1x10240x128xf32, #tpu.memory_space<hbm>>
      %dma_wait3A_49 = tpu.memref_squeeze %dma_wait3A_48 : memref<1x10240x128xf32, #tpu.memory_space<hbm>> -> memref<10240x128xf32, #tpu.memory_space<hbm>>
      %dma_wait3A_50 = arith.constant 0 : i32
      %dma_wait3A_51 = tpu.memref_slice %dma_wait3A_49[%mul3A_22, %dma_wait3A_50] : memref<10240x128xf32, #tpu.memory_space<hbm>> -> memref<640x128xf32, #tpu.memory_space<hbm>>
      tpu.wait_dma2 semaphore(%run_scoped3A : memref<!tpu.dma_semaphore, #tpu.memory_space<semaphore_mem>>) src(%dma_wait3A_51 : memref<640x128xf32, #tpu.memory_space<hbm>>) dst(%dma_wait3A_45 : memref<640x128xf32, #tpu.memory_space<vmem_shared>>)
      tpu.yield
    }) : () -> ()
    %barrier3A_25 = arith.constant 0 : index
    tpu.barrier barrier_id(%barrier3A_25)
    %scan3A_26 = arith.constant 0 : i32
    %scan3A_27 = arith.constant 0 : i32
    %scan3A_28 = arith.constant 79 : i32
    %scan3A_29 = arith.addi %scan3A_27, %scan3A_28 : i32
    %scan3A_30 = arith.constant 1 : i32
    scf.for %scan3A_38 = %scan3A_27 to %scan3A_29 step %scan3A_30  : i32 {
      %mul3A_39 = arith.constant 128 : i32
      %mul3A_40 = arith.muli %scan3A_38, %mul3A_39 : i32
      "tpu.region"() ({
        %run_scoped3A = tpu.sem_alloc : memref<!tpu.dma_semaphore, #tpu.memory_space<semaphore_mem>>
        %dma_start3A = tpu.memref_slice %arg3[%arg1, %mul3A_40] : memref<16x10112xi32, #tpu.memory_space<hbm>> -> memref<1x128xi32, #tpu.memory_space<hbm>>
        %dma_start3A_41 = tpu.memref_squeeze %dma_start3A : memref<1x128xi32, #tpu.memory_space<hbm>> -> memref<128xi32, #tpu.memory_space<hbm>>
        %dma_start3A_42 = tpu.memref_slice %arg3[%arg1, %mul3A_40] : memref<16x10112xi32, #tpu.memory_space<hbm>> -> memref<1x128xi32, #tpu.memory_space<hbm>>
        %dma_start3A_43 = tpu.memref_squeeze %dma_start3A_42 : memref<1x128xi32, #tpu.memory_space<hbm>> -> memref<128xi32, #tpu.memory_space<hbm>>
        tpu.enqueue_dma source(%dma_start3A_43 : memref<128xi32, #tpu.memory_space<hbm>>) target(%arg6 : memref<128xi32, #tpu.memory_space<vmem>>) target_semaphore(%run_scoped3A : memref<!tpu.dma_semaphore, #tpu.memory_space<semaphore_mem>>)
        %dma_wait3A = tpu.memref_slice %arg3[%arg1, %mul3A_40] : memref<16x10112xi32, #tpu.memory_space<hbm>> -> memref<1x128xi32, #tpu.memory_space<hbm>>
        %dma_wait3A_44 = tpu.memref_squeeze %dma_wait3A : memref<1x128xi32, #tpu.memory_space<hbm>> -> memref<128xi32, #tpu.memory_space<hbm>>
        %dma_wait3A_45 = tpu.memref_slice %arg3[%arg1, %mul3A_40] : memref<16x10112xi32, #tpu.memory_space<hbm>> -> memref<1x128xi32, #tpu.memory_space<hbm>>
        %dma_wait3A_46 = tpu.memref_squeeze %dma_wait3A_45 : memref<1x128xi32, #tpu.memory_space<hbm>> -> memref<128xi32, #tpu.memory_space<hbm>>
        tpu.wait_dma2 semaphore(%run_scoped3A : memref<!tpu.dma_semaphore, #tpu.memory_space<semaphore_mem>>) src(%dma_wait3A_46 : memref<128xi32, #tpu.memory_space<hbm>>) dst(%arg6 : memref<128xi32, #tpu.memory_space<vmem>>)
        tpu.yield
      }) : () -> ()
      "tpu.region"() ({
        %run_scoped3A = tpu.sem_alloc : memref<!tpu.dma_semaphore, #tpu.memory_space<semaphore_mem>>
        %dma_start3A = tpu.memref_slice %arg4[%arg1, %mul3A_40] : memref<16x10112xi32, #tpu.memory_space<hbm>> -> memref<1x128xi32, #tpu.memory_space<hbm>>
        %dma_start3A_41 = tpu.memref_squeeze %dma_start3A : memref<1x128xi32, #tpu.memory_space<hbm>> -> memref<128xi32, #tpu.memory_space<hbm>>
        %dma_start3A_42 = tpu.memref_slice %arg4[%arg1, %mul3A_40] : memref<16x10112xi32, #tpu.memory_space<hbm>> -> memref<1x128xi32, #tpu.memory_space<hbm>>
        %dma_start3A_43 = tpu.memref_squeeze %dma_start3A_42 : memref<1x128xi32, #tpu.memory_space<hbm>> -> memref<128xi32, #tpu.memory_space<hbm>>
        tpu.enqueue_dma source(%dma_start3A_43 : memref<128xi32, #tpu.memory_space<hbm>>) target(%arg7 : memref<128xi32, #tpu.memory_space<vmem>>) target_semaphore(%run_scoped3A : memref<!tpu.dma_semaphore, #tpu.memory_space<semaphore_mem>>)
        %dma_wait3A = tpu.memref_slice %arg4[%arg1, %mul3A_40] : memref<16x10112xi32, #tpu.memory_space<hbm>> -> memref<1x128xi32, #tpu.memory_space<hbm>>
        %dma_wait3A_44 = tpu.memref_squeeze %dma_wait3A : memref<1x128xi32, #tpu.memory_space<hbm>> -> memref<128xi32, #tpu.memory_space<hbm>>
        %dma_wait3A_45 = tpu.memref_slice %arg4[%arg1, %mul3A_40] : memref<16x10112xi32, #tpu.memory_space<hbm>> -> memref<1x128xi32, #tpu.memory_space<hbm>>
        %dma_wait3A_46 = tpu.memref_squeeze %dma_wait3A_45 : memref<1x128xi32, #tpu.memory_space<hbm>> -> memref<128xi32, #tpu.memory_space<hbm>>
        tpu.wait_dma2 semaphore(%run_scoped3A : memref<!tpu.dma_semaphore, #tpu.memory_space<semaphore_mem>>) src(%dma_wait3A_46 : memref<128xi32, #tpu.memory_space<hbm>>) dst(%arg7 : memref<128xi32, #tpu.memory_space<vmem>>)
        tpu.yield
      }) : () -> ()
      "tpu.region"() ({
        %run_scoped3A = tpu.sem_alloc : memref<!tpu.dma_semaphore, #tpu.memory_space<semaphore_mem>>
        %dma_start3A = arith.constant 0 : i32
        %dma_start3A_41 = arith.constant 0 : i32
        %dma_start3A_42 = tpu.memref_slice %arg2[%add3A_20, %dma_start3A, %dma_start3A_41] : memref<4x10240x128xf32, #tpu.memory_space<hbm>> -> memref<1x10240x128xf32, #tpu.memory_space<hbm>>
        %dma_start3A_43 = tpu.memref_squeeze %dma_start3A_42 : memref<1x10240x128xf32, #tpu.memory_space<hbm>> -> memref<10240x128xf32, #tpu.memory_space<hbm>>
        %dma_start3A_44 = arith.constant 0 : i32
        %dma_start3A_45 = arith.constant 0 : i32
        %dma_start3A_46 = tpu.memref_slice %dma_start3A_43[%dma_start3A_44, %dma_start3A_45] : memref<10240x128xf32, #tpu.memory_space<hbm>> -> memref<10240x128xf32, #tpu.memory_space<hbm>>
        tpu.enqueue_indirect_dma source(%dma_start3A_46 : memref<10240x128xf32, #tpu.memory_space<hbm>>) target(%arg8 : memref<128x128xf32, #tpu.memory_space<vmem>>) offsets(%arg6 : memref<128xi32, #tpu.memory_space<vmem>>) semaphore(%run_scoped3A : memref<!tpu.dma_semaphore, #tpu.memory_space<semaphore_mem>>)
        %dma_wait3A = arith.constant 0 : i32
        %dma_wait3A_47 = arith.constant 0 : i32
        %dma_wait3A_48 = tpu.memref_slice %arg2[%add3A_20, %dma_wait3A, %dma_wait3A_47] : memref<4x10240x128xf32, #tpu.memory_space<hbm>> -> memref<1x10240x128xf32, #tpu.memory_space<hbm>>
        %dma_wait3A_49 = tpu.memref_squeeze %dma_wait3A_48 : memref<1x10240x128xf32, #tpu.memory_space<hbm>> -> memref<10240x128xf32, #tpu.memory_space<hbm>>
        %dma_wait3A_50 = arith.constant 0 : i32
        %dma_wait3A_51 = arith.constant 0 : i32
        %dma_wait3A_52 = tpu.memref_slice %dma_wait3A_49[%dma_wait3A_50, %dma_wait3A_51] : memref<10240x128xf32, #tpu.memory_space<hbm>> -> memref<10240x128xf32, #tpu.memory_space<hbm>>
        tpu.wait_indirect_dma semaphore(%run_scoped3A : memref<!tpu.dma_semaphore, #tpu.memory_space<semaphore_mem>>) src(%dma_wait3A_52 : memref<10240x128xf32, #tpu.memory_space<hbm>>) dst(%arg8 : memref<128x128xf32, #tpu.memory_space<vmem>>)
        tpu.yield
      }) : () -> ()
      "tpu.region"() ({
        %run_scoped3A = tpu.sem_alloc : memref<!tpu.dma_semaphore, #tpu.memory_space<semaphore_mem>>
        %dma_start3A = arith.constant 0 : i32
        %dma_start3A_41 = arith.constant 0 : i32
        %dma_start3A_42 = tpu.memref_slice %arg9[%dma_start3A, %dma_start3A_41] : memref<10240x128xf32, #tpu.memory_space<vmem_shared>> -> memref<10240x128xf32, #tpu.memory_space<vmem_shared>>
        tpu.enqueue_indirect_dma source(%arg8 : memref<128x128xf32, #tpu.memory_space<vmem>>) target(%dma_start3A_42 : memref<10240x128xf32, #tpu.memory_space<vmem_shared>>) offsets(%arg7 : memref<128xi32, #tpu.memory_space<vmem>>) semaphore(%run_scoped3A : memref<!tpu.dma_semaphore, #tpu.memory_space<semaphore_mem>>) {add = true}
        %dma_wait3A = arith.constant 0 : i32
        %dma_wait3A_43 = arith.constant 0 : i32
        %dma_wait3A_44 = tpu.memref_slice %arg9[%dma_wait3A, %dma_wait3A_43] : memref<10240x128xf32, #tpu.memory_space<vmem_shared>> -> memref<10240x128xf32, #tpu.memory_space<vmem_shared>>
        tpu.wait_indirect_dma semaphore(%run_scoped3A : memref<!tpu.dma_semaphore, #tpu.memory_space<semaphore_mem>>) src(%arg8 : memref<128x128xf32, #tpu.memory_space<vmem>>) dst(%dma_wait3A_44 : memref<10240x128xf32, #tpu.memory_space<vmem_shared>>)
        tpu.yield
      }) : () -> ()
    }
    %scan3A_31 = arith.constant 79 : i32
    %barrier3A_32 = arith.constant 0 : index
    tpu.barrier barrier_id(%barrier3A_32)
    %mul3A_33 = arith.constant 640 : i32
    %mul3A_34 = arith.muli %arg1, %mul3A_33 : i32
    %mul3A_35 = arith.constant 640 : i32
    %mul3A_36 = arith.muli %arg1, %mul3A_35 : i32
    "tpu.region"() ({
      %run_scoped3A = tpu.sem_alloc : memref<!tpu.dma_semaphore, #tpu.memory_space<semaphore_mem>>
      %dma_start3A = arith.constant 0 : i32
      %dma_start3A_38 = tpu.memref_slice %arg5[%add3A_20, %mul3A_36, %dma_start3A] : memref<4x10240x128xf32, #tpu.memory_space<hbm>> -> memref<1x640x128xf32, #tpu.memory_space<hbm>>
      %dma_start3A_39 = tpu.memref_squeeze %dma_start3A_38 : memref<1x640x128xf32, #tpu.memory_space<hbm>> -> memref<640x128xf32, #tpu.memory_space<hbm>>
      %dma_start3A_40 = arith.constant 0 : i32
      %dma_start3A_41 = tpu.memref_slice %arg9[%mul3A_34, %dma_start3A_40] : memref<10240x128xf32, #tpu.memory_space<vmem_shared>> -> memref<640x128xf32, #tpu.memory_space<vmem_shared>>
      tpu.enqueue_dma source(%dma_start3A_41 : memref<640x128xf32, #tpu.memory_space<vmem_shared>>) target(%dma_start3A_39 : memref<640x128xf32, #tpu.memory_space<hbm>>) target_semaphore(%run_scoped3A : memref<!tpu.dma_semaphore, #tpu.memory_space<semaphore_mem>>)
      %dma_wait3A = arith.constant 0 : i32
      %dma_wait3A_42 = tpu.memref_slice %arg5[%add3A_20, %mul3A_36, %dma_wait3A] : memref<4x10240x128xf32, #tpu.memory_space<hbm>> -> memref<1x640x128xf32, #tpu.memory_space<hbm>>
      %dma_wait3A_43 = tpu.memref_squeeze %dma_wait3A_42 : memref<1x640x128xf32, #tpu.memory_space<hbm>> -> memref<640x128xf32, #tpu.memory_space<hbm>>
      %dma_wait3A_44 = arith.constant 0 : i32
      %dma_wait3A_45 = tpu.memref_slice %arg9[%mul3A_34, %dma_wait3A_44] : memref<10240x128xf32, #tpu.memory_space<vmem_shared>> -> memref<640x128xf32, #tpu.memory_space<vmem_shared>>
      tpu.wait_dma2 semaphore(%run_scoped3A : memref<!tpu.dma_semaphore, #tpu.memory_space<semaphore_mem>>) src(%dma_wait3A_45 : memref<640x128xf32, #tpu.memory_space<vmem_shared>>) dst(%dma_wait3A_43 : memref<640x128xf32, #tpu.memory_space<hbm>>)
      tpu.yield
    }) : () -> ()
    %barrier3A_37 = arith.constant 0 : index
    tpu.barrier barrier_id(%barrier3A_37)
    return
  }
}

module attributes {stable_mosaic.version = 14 : i64} {
  func.func @_encode_body(%arg0: i32, %arg1: memref<2560x24xf32, #tpu.memory_space<vmem>>, %arg2: memref<4x16xf32, #tpu.memory_space<vmem>>, %arg3: memref<9x16xf32, #tpu.memory_space<vmem>>, %arg4: memref<24x512xf32, #tpu.memory_space<vmem>>, %arg5: memref<16x512xf32, #tpu.memory_space<vmem>>, %arg6: memref<16x512xf32, #tpu.memory_space<vmem>>, %arg7: memref<1x512xf32, #tpu.memory_space<vmem>>, %arg8: memref<2560x512xf32, #tpu.memory_space<vmem>>) attributes {dimension_semantics = [#tpu.dimension_semantics<arbitrary>], iteration_bounds = array<i64: 4>, scalar_prefetch = 0 : i64, scratch_operands = 0 : i64, tpu.core_type = #tpu.core_type<tc>, window_params = [{transform_indices = @transform_0, window_bounds = array<i64: 2560, 24>}, {pipeline_mode = #tpu.pipeline_mode<synchronous>, transform_indices = @transform_1, window_bounds = array<i64: 4, 16>}, {pipeline_mode = #tpu.pipeline_mode<synchronous>, transform_indices = @transform_2, window_bounds = array<i64: 9, 16>}, {pipeline_mode = #tpu.pipeline_mode<synchronous>, transform_indices = @transform_3, window_bounds = array<i64: 24, 512>}, {pipeline_mode = #tpu.pipeline_mode<synchronous>, transform_indices = @transform_4, window_bounds = array<i64: 16, 512>}, {pipeline_mode = #tpu.pipeline_mode<synchronous>, transform_indices = @transform_5, window_bounds = array<i64: 16, 512>}, {pipeline_mode = #tpu.pipeline_mode<synchronous>, transform_indices = @transform_6, window_bounds = array<i64: 1, 512>}, {transform_indices = @transform_7, window_bounds = array<i64: 2560, 512>}]} {
    %get3A = arith.constant 0 : index
    %get3A_0 = arith.constant 0 : index
    %get3A_1 = vector.load %arg1[%get3A, %get3A_0] : memref<2560x24xf32, #tpu.memory_space<vmem>>, vector<2560x24xf32>
    %get3A_2 = arith.constant 0 : index
    %get3A_3 = arith.constant 0 : index
    %get3A_4 = vector.load %arg2[%get3A_2, %get3A_3] : memref<4x16xf32, #tpu.memory_space<vmem>>, vector<4x16xf32>
    %get3A_5 = arith.constant 0 : index
    %get3A_6 = arith.constant 0 : index
    %get3A_7 = vector.load %arg5[%get3A_5, %get3A_6] : memref<16x512xf32, #tpu.memory_space<vmem>>, vector<16x512xf32>
    %dot_general3A = arith.constant dense<0.000000e+00> : vector<4x512xf32>
    %dot_general3A_8 = tpu.matmul %get3A_4, %get3A_7, %dot_general3A {dimension_numbers = #tpu.dot_dimension_numbers<[1], [0], [0], [1], [0, 0, 1, 1], [], []>, transpose_lhs_hint = false} : vector<4x16xf32>, vector<16x512xf32>, vector<4x512xf32> -> vector<4x512xf32>
    %get3A_9 = arith.constant 0 : index
    %get3A_10 = arith.constant 0 : index
    %get3A_11 = vector.load %arg3[%get3A_9, %get3A_10] : memref<9x16xf32, #tpu.memory_space<vmem>>, vector<9x16xf32>
    %get3A_12 = arith.constant 0 : index
    %get3A_13 = arith.constant 0 : index
    %get3A_14 = vector.load %arg6[%get3A_12, %get3A_13] : memref<16x512xf32, #tpu.memory_space<vmem>>, vector<16x512xf32>
    %dot_general3A_15 = arith.constant dense<0.000000e+00> : vector<9x512xf32>
    %dot_general3A_16 = tpu.matmul %get3A_11, %get3A_14, %dot_general3A_15 {dimension_numbers = #tpu.dot_dimension_numbers<[1], [0], [0], [1], [0, 0, 1, 1], [], []>, transpose_lhs_hint = false} : vector<9x16xf32>, vector<16x512xf32>, vector<9x512xf32> -> vector<9x512xf32>
    %get3A_17 = arith.constant 0 : index
    %get3A_18 = arith.constant 0 : index
    %get3A_19 = vector.load %arg4[%get3A_17, %get3A_18] : memref<24x512xf32, #tpu.memory_space<vmem>>, vector<24x512xf32>
    %dot_general3A_20 = arith.constant dense<0.000000e+00> : vector<2560x512xf32>
    %dot_general3A_21 = tpu.matmul %get3A_1, %get3A_19, %dot_general3A_20 {dimension_numbers = #tpu.dot_dimension_numbers<[1], [0], [0], [1], [0, 0, 1, 1], [], []>, transpose_lhs_hint = false} : vector<2560x24xf32>, vector<24x512xf32>, vector<2560x512xf32> -> vector<2560x512xf32>
    %get3A_22 = arith.constant 0 : index
    %get3A_23 = arith.constant 0 : index
    %get3A_24 = vector.load %arg7[%get3A_22, %get3A_23] : memref<1x512xf32, #tpu.memory_space<vmem>>, vector<1x512xf32>
    %add3A = vector.broadcast %get3A_24 : vector<1x512xf32> to vector<2560x512xf32>
    %add3A_25 = arith.addf %dot_general3A_21, %add3A : vector<2560x512xf32>
    %slice3A = vector.extract_strided_slice %get3A_1 {offsets = [0, 0], sizes = [2560, 4], strides = [1, 1]} : vector<2560x24xf32> to vector<2560x4xf32>
    %reduce_max3A = arith.constant dense<0xFF800000> : vector<2560xf32>
    %reduce_max3A_26 = vector.multi_reduction <maximumf>, %slice3A, %reduce_max3A [1] : vector<2560x4xf32> to vector<2560xf32>
    %broadcast_in_dim3A = vector.shape_cast %reduce_max3A_26 : vector<2560xf32> to vector<2560x1xf32>
    %slice3A_27 = vector.extract_strided_slice %slice3A {offsets = [0, 0], sizes = [2560, 1], strides = [1, 1]} : vector<2560x4xf32> to vector<2560x1xf32>
    %eq3A = arith.cmpf oeq, %slice3A_27, %broadcast_in_dim3A : vector<2560x1xf32>
    %convert_element_type3A = arith.extui %eq3A : vector<2560x1xi1> to vector<2560x1xi32>
    %convert_element_type3A_28 = arith.sitofp %convert_element_type3A : vector<2560x1xi32> to vector<2560x1xf32>
    %slice3A_29 = vector.extract_strided_slice %slice3A {offsets = [0, 1], sizes = [2560, 1], strides = [1, 1]} : vector<2560x4xf32> to vector<2560x1xf32>
    %eq3A_30 = arith.cmpf oeq, %slice3A_29, %broadcast_in_dim3A : vector<2560x1xf32>
    %not3A = arith.constant dense<true> : vector<2560x1xi1>
    %not3A_31 = arith.xori %eq3A, %not3A : vector<2560x1xi1>
    %and3A = arith.andi %eq3A_30, %not3A_31 : vector<2560x1xi1>
    %or3A = arith.ori %eq3A, %eq3A_30 : vector<2560x1xi1>
    %convert_element_type3A_32 = arith.extui %and3A : vector<2560x1xi1> to vector<2560x1xi32>
    %convert_element_type3A_33 = arith.sitofp %convert_element_type3A_32 : vector<2560x1xi32> to vector<2560x1xf32>
    %slice3A_34 = vector.extract_strided_slice %slice3A {offsets = [0, 2], sizes = [2560, 1], strides = [1, 1]} : vector<2560x4xf32> to vector<2560x1xf32>
    %eq3A_35 = arith.cmpf oeq, %slice3A_34, %broadcast_in_dim3A : vector<2560x1xf32>
    %not3A_36 = arith.constant dense<true> : vector<2560x1xi1>
    %not3A_37 = arith.xori %or3A, %not3A_36 : vector<2560x1xi1>
    %and3A_38 = arith.andi %eq3A_35, %not3A_37 : vector<2560x1xi1>
    %or3A_39 = arith.ori %or3A, %eq3A_35 : vector<2560x1xi1>
    %convert_element_type3A_40 = arith.extui %and3A_38 : vector<2560x1xi1> to vector<2560x1xi32>
    %convert_element_type3A_41 = arith.sitofp %convert_element_type3A_40 : vector<2560x1xi32> to vector<2560x1xf32>
    %slice3A_42 = vector.extract_strided_slice %slice3A {offsets = [0, 3], sizes = [2560, 1], strides = [1, 1]} : vector<2560x4xf32> to vector<2560x1xf32>
    %eq3A_43 = arith.cmpf oeq, %slice3A_42, %broadcast_in_dim3A : vector<2560x1xf32>
    %not3A_44 = arith.constant dense<true> : vector<2560x1xi1>
    %not3A_45 = arith.xori %or3A_39, %not3A_44 : vector<2560x1xi1>
    %and3A_46 = arith.andi %eq3A_43, %not3A_45 : vector<2560x1xi1>
    %convert_element_type3A_47 = arith.extui %and3A_46 : vector<2560x1xi1> to vector<2560x1xi32>
    %convert_element_type3A_48 = arith.sitofp %convert_element_type3A_47 : vector<2560x1xi32> to vector<2560x1xf32>
    %slice3A_49 = vector.extract_strided_slice %dot_general3A_8 {offsets = [0, 0], sizes = [1, 512], strides = [1, 1]} : vector<4x512xf32> to vector<1x512xf32>
    %mul3A = vector.broadcast %convert_element_type3A_28 : vector<2560x1xf32> to vector<2560x512xf32>
    %mul3A_50 = vector.broadcast %slice3A_49 : vector<1x512xf32> to vector<2560x512xf32>
    %mul3A_51 = arith.mulf %mul3A, %mul3A_50 : vector<2560x512xf32>
    %add3A_52 = arith.addf %add3A_25, %mul3A_51 : vector<2560x512xf32>
    %slice3A_53 = vector.extract_strided_slice %dot_general3A_8 {offsets = [1, 0], sizes = [1, 512], strides = [1, 1]} : vector<4x512xf32> to vector<1x512xf32>
    %mul3A_54 = vector.broadcast %convert_element_type3A_33 : vector<2560x1xf32> to vector<2560x512xf32>
    %mul3A_55 = vector.broadcast %slice3A_53 : vector<1x512xf32> to vector<2560x512xf32>
    %mul3A_56 = arith.mulf %mul3A_54, %mul3A_55 : vector<2560x512xf32>
    %add3A_57 = arith.addf %add3A_52, %mul3A_56 : vector<2560x512xf32>
    %slice3A_58 = vector.extract_strided_slice %dot_general3A_8 {offsets = [2, 0], sizes = [1, 512], strides = [1, 1]} : vector<4x512xf32> to vector<1x512xf32>
    %mul3A_59 = vector.broadcast %convert_element_type3A_41 : vector<2560x1xf32> to vector<2560x512xf32>
    %mul3A_60 = vector.broadcast %slice3A_58 : vector<1x512xf32> to vector<2560x512xf32>
    %mul3A_61 = arith.mulf %mul3A_59, %mul3A_60 : vector<2560x512xf32>
    %add3A_62 = arith.addf %add3A_57, %mul3A_61 : vector<2560x512xf32>
    %slice3A_63 = vector.extract_strided_slice %dot_general3A_8 {offsets = [3, 0], sizes = [1, 512], strides = [1, 1]} : vector<4x512xf32> to vector<1x512xf32>
    %mul3A_64 = vector.broadcast %convert_element_type3A_48 : vector<2560x1xf32> to vector<2560x512xf32>
    %mul3A_65 = vector.broadcast %slice3A_63 : vector<1x512xf32> to vector<2560x512xf32>
    %mul3A_66 = arith.mulf %mul3A_64, %mul3A_65 : vector<2560x512xf32>
    %add3A_67 = arith.addf %add3A_62, %mul3A_66 : vector<2560x512xf32>
    %slice3A_68 = vector.extract_strided_slice %get3A_1 {offsets = [0, 4], sizes = [2560, 8], strides = [1, 1]} : vector<2560x24xf32> to vector<2560x8xf32>
    %reduce_max3A_69 = arith.constant dense<0xFF800000> : vector<2560xf32>
    %reduce_max3A_70 = vector.multi_reduction <maximumf>, %slice3A_68, %reduce_max3A_69 [1] : vector<2560x8xf32> to vector<2560xf32>
    %broadcast_in_dim3A_71 = vector.shape_cast %reduce_max3A_70 : vector<2560xf32> to vector<2560x1xf32>
    %slice3A_72 = vector.extract_strided_slice %slice3A_68 {offsets = [0, 0], sizes = [2560, 1], strides = [1, 1]} : vector<2560x8xf32> to vector<2560x1xf32>
    %eq3A_73 = arith.cmpf oeq, %slice3A_72, %broadcast_in_dim3A_71 : vector<2560x1xf32>
    %convert_element_type3A_74 = arith.extui %eq3A_73 : vector<2560x1xi1> to vector<2560x1xi32>
    %convert_element_type3A_75 = arith.sitofp %convert_element_type3A_74 : vector<2560x1xi32> to vector<2560x1xf32>
    %slice3A_76 = vector.extract_strided_slice %slice3A_68 {offsets = [0, 1], sizes = [2560, 1], strides = [1, 1]} : vector<2560x8xf32> to vector<2560x1xf32>
    %eq3A_77 = arith.cmpf oeq, %slice3A_76, %broadcast_in_dim3A_71 : vector<2560x1xf32>
    %not3A_78 = arith.constant dense<true> : vector<2560x1xi1>
    %not3A_79 = arith.xori %eq3A_73, %not3A_78 : vector<2560x1xi1>
    %and3A_80 = arith.andi %eq3A_77, %not3A_79 : vector<2560x1xi1>
    %or3A_81 = arith.ori %eq3A_73, %eq3A_77 : vector<2560x1xi1>
    %convert_element_type3A_82 = arith.extui %and3A_80 : vector<2560x1xi1> to vector<2560x1xi32>
    %convert_element_type3A_83 = arith.sitofp %convert_element_type3A_82 : vector<2560x1xi32> to vector<2560x1xf32>
    %slice3A_84 = vector.extract_strided_slice %slice3A_68 {offsets = [0, 2], sizes = [2560, 1], strides = [1, 1]} : vector<2560x8xf32> to vector<2560x1xf32>
    %eq3A_85 = arith.cmpf oeq, %slice3A_84, %broadcast_in_dim3A_71 : vector<2560x1xf32>
    %not3A_86 = arith.constant dense<true> : vector<2560x1xi1>
    %not3A_87 = arith.xori %or3A_81, %not3A_86 : vector<2560x1xi1>
    %and3A_88 = arith.andi %eq3A_85, %not3A_87 : vector<2560x1xi1>
    %or3A_89 = arith.ori %or3A_81, %eq3A_85 : vector<2560x1xi1>
    %convert_element_type3A_90 = arith.extui %and3A_88 : vector<2560x1xi1> to vector<2560x1xi32>
    %convert_element_type3A_91 = arith.sitofp %convert_element_type3A_90 : vector<2560x1xi32> to vector<2560x1xf32>
    %slice3A_92 = vector.extract_strided_slice %slice3A_68 {offsets = [0, 3], sizes = [2560, 1], strides = [1, 1]} : vector<2560x8xf32> to vector<2560x1xf32>
    %eq3A_93 = arith.cmpf oeq, %slice3A_92, %broadcast_in_dim3A_71 : vector<2560x1xf32>
    %not3A_94 = arith.constant dense<true> : vector<2560x1xi1>
    %not3A_95 = arith.xori %or3A_89, %not3A_94 : vector<2560x1xi1>
    %and3A_96 = arith.andi %eq3A_93, %not3A_95 : vector<2560x1xi1>
    %or3A_97 = arith.ori %or3A_89, %eq3A_93 : vector<2560x1xi1>
    %convert_element_type3A_98 = arith.extui %and3A_96 : vector<2560x1xi1> to vector<2560x1xi32>
    %convert_element_type3A_99 = arith.sitofp %convert_element_type3A_98 : vector<2560x1xi32> to vector<2560x1xf32>
    %slice3A_100 = vector.extract_strided_slice %slice3A_68 {offsets = [0, 4], sizes = [2560, 1], strides = [1, 1]} : vector<2560x8xf32> to vector<2560x1xf32>
    %eq3A_101 = arith.cmpf oeq, %slice3A_100, %broadcast_in_dim3A_71 : vector<2560x1xf32>
    %not3A_102 = arith.constant dense<true> : vector<2560x1xi1>
    %not3A_103 = arith.xori %or3A_97, %not3A_102 : vector<2560x1xi1>
    %and3A_104 = arith.andi %eq3A_101, %not3A_103 : vector<2560x1xi1>
    %or3A_105 = arith.ori %or3A_97, %eq3A_101 : vector<2560x1xi1>
    %convert_element_type3A_106 = arith.extui %and3A_104 : vector<2560x1xi1> to vector<2560x1xi32>
    %convert_element_type3A_107 = arith.sitofp %convert_element_type3A_106 : vector<2560x1xi32> to vector<2560x1xf32>
    %slice3A_108 = vector.extract_strided_slice %slice3A_68 {offsets = [0, 5], sizes = [2560, 1], strides = [1, 1]} : vector<2560x8xf32> to vector<2560x1xf32>
    %eq3A_109 = arith.cmpf oeq, %slice3A_108, %broadcast_in_dim3A_71 : vector<2560x1xf32>
    %not3A_110 = arith.constant dense<true> : vector<2560x1xi1>
    %not3A_111 = arith.xori %or3A_105, %not3A_110 : vector<2560x1xi1>
    %and3A_112 = arith.andi %eq3A_109, %not3A_111 : vector<2560x1xi1>
    %or3A_113 = arith.ori %or3A_105, %eq3A_109 : vector<2560x1xi1>
    %convert_element_type3A_114 = arith.extui %and3A_112 : vector<2560x1xi1> to vector<2560x1xi32>
    %convert_element_type3A_115 = arith.sitofp %convert_element_type3A_114 : vector<2560x1xi32> to vector<2560x1xf32>
    %slice3A_116 = vector.extract_strided_slice %slice3A_68 {offsets = [0, 6], sizes = [2560, 1], strides = [1, 1]} : vector<2560x8xf32> to vector<2560x1xf32>
    %eq3A_117 = arith.cmpf oeq, %slice3A_116, %broadcast_in_dim3A_71 : vector<2560x1xf32>
    %not3A_118 = arith.constant dense<true> : vector<2560x1xi1>
    %not3A_119 = arith.xori %or3A_113, %not3A_118 : vector<2560x1xi1>
    %and3A_120 = arith.andi %eq3A_117, %not3A_119 : vector<2560x1xi1>
    %or3A_121 = arith.ori %or3A_113, %eq3A_117 : vector<2560x1xi1>
    %convert_element_type3A_122 = arith.extui %and3A_120 : vector<2560x1xi1> to vector<2560x1xi32>
    %convert_element_type3A_123 = arith.sitofp %convert_element_type3A_122 : vector<2560x1xi32> to vector<2560x1xf32>
    %slice3A_124 = vector.extract_strided_slice %slice3A_68 {offsets = [0, 7], sizes = [2560, 1], strides = [1, 1]} : vector<2560x8xf32> to vector<2560x1xf32>
    %eq3A_125 = arith.cmpf oeq, %slice3A_124, %broadcast_in_dim3A_71 : vector<2560x1xf32>
    %not3A_126 = arith.constant dense<true> : vector<2560x1xi1>
    %not3A_127 = arith.xori %or3A_121, %not3A_126 : vector<2560x1xi1>
    %and3A_128 = arith.andi %eq3A_125, %not3A_127 : vector<2560x1xi1>
    %convert_element_type3A_129 = arith.extui %and3A_128 : vector<2560x1xi1> to vector<2560x1xi32>
    %convert_element_type3A_130 = arith.sitofp %convert_element_type3A_129 : vector<2560x1xi32> to vector<2560x1xf32>
    %slice3A_131 = vector.extract_strided_slice %dot_general3A_16 {offsets = [0, 0], sizes = [1, 512], strides = [1, 1]} : vector<9x512xf32> to vector<1x512xf32>
    %mul3A_132 = vector.broadcast %convert_element_type3A_75 : vector<2560x1xf32> to vector<2560x512xf32>
    %mul3A_133 = vector.broadcast %slice3A_131 : vector<1x512xf32> to vector<2560x512xf32>
    %mul3A_134 = arith.mulf %mul3A_132, %mul3A_133 : vector<2560x512xf32>
    %add3A_135 = arith.addf %add3A_67, %mul3A_134 : vector<2560x512xf32>
    %slice3A_136 = vector.extract_strided_slice %dot_general3A_16 {offsets = [1, 0], sizes = [1, 512], strides = [1, 1]} : vector<9x512xf32> to vector<1x512xf32>
    %mul3A_137 = vector.broadcast %convert_element_type3A_83 : vector<2560x1xf32> to vector<2560x512xf32>
    %mul3A_138 = vector.broadcast %slice3A_136 : vector<1x512xf32> to vector<2560x512xf32>
    %mul3A_139 = arith.mulf %mul3A_137, %mul3A_138 : vector<2560x512xf32>
    %add3A_140 = arith.addf %add3A_135, %mul3A_139 : vector<2560x512xf32>
    %slice3A_141 = vector.extract_strided_slice %dot_general3A_16 {offsets = [2, 0], sizes = [1, 512], strides = [1, 1]} : vector<9x512xf32> to vector<1x512xf32>
    %mul3A_142 = vector.broadcast %convert_element_type3A_91 : vector<2560x1xf32> to vector<2560x512xf32>
    %mul3A_143 = vector.broadcast %slice3A_141 : vector<1x512xf32> to vector<2560x512xf32>
    %mul3A_144 = arith.mulf %mul3A_142, %mul3A_143 : vector<2560x512xf32>
    %add3A_145 = arith.addf %add3A_140, %mul3A_144 : vector<2560x512xf32>
    %slice3A_146 = vector.extract_strided_slice %dot_general3A_16 {offsets = [3, 0], sizes = [1, 512], strides = [1, 1]} : vector<9x512xf32> to vector<1x512xf32>
    %mul3A_147 = vector.broadcast %convert_element_type3A_99 : vector<2560x1xf32> to vector<2560x512xf32>
    %mul3A_148 = vector.broadcast %slice3A_146 : vector<1x512xf32> to vector<2560x512xf32>
    %mul3A_149 = arith.mulf %mul3A_147, %mul3A_148 : vector<2560x512xf32>
    %add3A_150 = arith.addf %add3A_145, %mul3A_149 : vector<2560x512xf32>
    %slice3A_151 = vector.extract_strided_slice %dot_general3A_16 {offsets = [4, 0], sizes = [1, 512], strides = [1, 1]} : vector<9x512xf32> to vector<1x512xf32>
    %mul3A_152 = vector.broadcast %convert_element_type3A_107 : vector<2560x1xf32> to vector<2560x512xf32>
    %mul3A_153 = vector.broadcast %slice3A_151 : vector<1x512xf32> to vector<2560x512xf32>
    %mul3A_154 = arith.mulf %mul3A_152, %mul3A_153 : vector<2560x512xf32>
    %add3A_155 = arith.addf %add3A_150, %mul3A_154 : vector<2560x512xf32>
    %slice3A_156 = vector.extract_strided_slice %dot_general3A_16 {offsets = [5, 0], sizes = [1, 512], strides = [1, 1]} : vector<9x512xf32> to vector<1x512xf32>
    %mul3A_157 = vector.broadcast %convert_element_type3A_115 : vector<2560x1xf32> to vector<2560x512xf32>
    %mul3A_158 = vector.broadcast %slice3A_156 : vector<1x512xf32> to vector<2560x512xf32>
    %mul3A_159 = arith.mulf %mul3A_157, %mul3A_158 : vector<2560x512xf32>
    %add3A_160 = arith.addf %add3A_155, %mul3A_159 : vector<2560x512xf32>
    %slice3A_161 = vector.extract_strided_slice %dot_general3A_16 {offsets = [6, 0], sizes = [1, 512], strides = [1, 1]} : vector<9x512xf32> to vector<1x512xf32>
    %mul3A_162 = vector.broadcast %convert_element_type3A_123 : vector<2560x1xf32> to vector<2560x512xf32>
    %mul3A_163 = vector.broadcast %slice3A_161 : vector<1x512xf32> to vector<2560x512xf32>
    %mul3A_164 = arith.mulf %mul3A_162, %mul3A_163 : vector<2560x512xf32>
    %add3A_165 = arith.addf %add3A_160, %mul3A_164 : vector<2560x512xf32>
    %slice3A_166 = vector.extract_strided_slice %dot_general3A_16 {offsets = [7, 0], sizes = [1, 512], strides = [1, 1]} : vector<9x512xf32> to vector<1x512xf32>
    %mul3A_167 = vector.broadcast %convert_element_type3A_130 : vector<2560x1xf32> to vector<2560x512xf32>
    %mul3A_168 = vector.broadcast %slice3A_166 : vector<1x512xf32> to vector<2560x512xf32>
    %mul3A_169 = arith.mulf %mul3A_167, %mul3A_168 : vector<2560x512xf32>
    %add3A_170 = arith.addf %add3A_165, %mul3A_169 : vector<2560x512xf32>
    %max3A = arith.constant 0.000000e+00 : f32
    %max3A_171 = vector.broadcast %max3A : f32 to vector<2560x512xf32>
    %max3A_172 = arith.maximumf %add3A_170, %max3A_171 : vector<2560x512xf32>
    %swap3A = arith.constant 0 : index
    %swap3A_173 = arith.constant 0 : index
    %swap3A_174 = vector.load %arg8[%swap3A, %swap3A_173] : memref<2560x512xf32, #tpu.memory_space<vmem>>, vector<2560x512xf32>
    tpu.vector_store %arg8[%swap3A, %swap3A_173], %max3A_172 {strides = array<i32>} : memref<2560x512xf32, #tpu.memory_space<vmem>>, vector<2560x512xf32>,
    return
  }
  func.func @transform_0(%arg0: i32) -> (i32, i32) {
    %c0_i32 = arith.constant 0 : i32
    %c0_i32_0 = arith.constant 0 : i32
    return %arg0, %c0_i32 : i32, i32
  }
  func.func @transform_1(%arg0: i32) -> (i32, i32) {
    %c0_i32 = arith.constant 0 : i32
    %c0_i32_0 = arith.constant 0 : i32
    %c0_i32_1 = arith.constant 0 : i32
    return %c0_i32, %c0_i32_0 : i32, i32
  }
  func.func @transform_2(%arg0: i32) -> (i32, i32) {
    %c0_i32 = arith.constant 0 : i32
    %c0_i32_0 = arith.constant 0 : i32
    %c0_i32_1 = arith.constant 0 : i32
    return %c0_i32, %c0_i32_0 : i32, i32
  }
  func.func @transform_3(%arg0: i32) -> (i32, i32) {
    %c0_i32 = arith.constant 0 : i32
    %c0_i32_0 = arith.constant 0 : i32
    %c0_i32_1 = arith.constant 0 : i32
    return %c0_i32, %c0_i32_0 : i32, i32
  }
  func.func @transform_4(%arg0: i32) -> (i32, i32) {
    %c0_i32 = arith.constant 0 : i32
    %c0_i32_0 = arith.constant 0 : i32
    %c0_i32_1 = arith.constant 0 : i32
    return %c0_i32, %c0_i32_0 : i32, i32
  }
  func.func @transform_5(%arg0: i32) -> (i32, i32) {
    %c0_i32 = arith.constant 0 : i32
    %c0_i32_0 = arith.constant 0 : i32
    %c0_i32_1 = arith.constant 0 : i32
    return %c0_i32, %c0_i32_0 : i32, i32
  }
  func.func @transform_6(%arg0: i32) -> (i32, i32) {
    %c0_i32 = arith.constant 0 : i32
    %c0_i32_0 = arith.constant 0 : i32
    %c0_i32_1 = arith.constant 0 : i32
    return %c0_i32, %c0_i32_0 : i32, i32
  }
  func.func @transform_7(%arg0: i32) -> (i32, i32) {
    %c0_i32 = arith.constant 0 : i32
    %c0_i32_0 = arith.constant 0 : i32
    return %arg0, %c0_i32 : i32, i32
  }
}

module attributes {stable_mosaic.version = 14 : i64} {
  func.func @_dinv_body(%arg0: i32, %arg1: memref<32x2560xf32, #tpu.memory_space<vmem>>, %arg2: memref<2560x1xf32, #tpu.memory_space<vmem>>) attributes {dimension_semantics = [#tpu.dimension_semantics<arbitrary>], iteration_bounds = array<i64: 4>, scalar_prefetch = 0 : i64, scratch_operands = 0 : i64, tpu.core_type = #tpu.core_type<tc>, window_params = [{transform_indices = @transform_0, window_bounds = array<i64: 32, 2560>}, {transform_indices = @transform_1, window_bounds = array<i64: 2560, 1>}]} {
    %get3A = arith.constant 0 : index
    %get3A_0 = arith.constant 0 : index
    %get3A_1 = vector.load %arg1[%get3A, %get3A_0] : memref<32x2560xf32, #tpu.memory_space<vmem>>, vector<32x2560xf32>
    %reduce_sum3A = arith.constant dense<0.000000e+00> : vector<2560xf32>
    %reduce_sum3A_2 = vector.multi_reduction <add>, %get3A_1, %reduce_sum3A [0] : vector<32x2560xf32> to vector<2560xf32>
    %add3A = arith.constant 1.000000e+00 : f32
    %add3A_3 = vector.broadcast %add3A : f32 to vector<2560xf32>
    %add3A_4 = arith.addf %add3A_3, %reduce_sum3A_2 : vector<2560xf32>
    %rsqrt3A = math.rsqrt %add3A_4 : vector<2560xf32>
    %broadcast_in_dim3A = vector.shape_cast %rsqrt3A : vector<2560xf32> to vector<2560x1xf32>
    %iota3A = tpu.iota {dimensions = array<i32: 0>} : vector<2560x1xi32>
    %mul3A = arith.constant 2560 : i32
    %mul3A_5 = arith.muli %arg0, %mul3A : i32
    %add3A_6 = vector.broadcast %mul3A_5 : i32 to vector<2560x1xi32>
    %add3A_7 = arith.addi %iota3A, %add3A_6 : vector<2560x1xi32>
    %lt3A = arith.constant 10000 : i32
    %lt3A_8 = vector.broadcast %lt3A : i32 to vector<2560x1xi32>
    %lt3A_9 = arith.cmpi slt, %add3A_7, %lt3A_8 : vector<2560x1xi32>
    %jit3A = arith.constant 0.000000e+00 : f32
    %broadcast_in_dim3A_10 = vector.broadcast %jit3A : f32 to vector<2560x1xf32>
    %select_n3A = arith.select %lt3A_9, %broadcast_in_dim3A, %broadcast_in_dim3A_10 : vector<2560x1xi1>, vector<2560x1xf32>
    %swap3A = arith.constant 0 : index
    %swap3A_11 = arith.constant 0 : index
    %swap3A_12 = vector.load %arg2[%swap3A, %swap3A_11] : memref<2560x1xf32, #tpu.memory_space<vmem>>, vector<2560x1xf32>
    tpu.vector_store %arg2[%swap3A, %swap3A_11], %select_n3A {strides = array<i32>} : memref<2560x1xf32, #tpu.memory_space<vmem>>, vector<2560x1xf32>,
    return
  }
  func.func @transform_0(%arg0: i32) -> (i32, i32) {
    %c0_i32 = arith.constant 0 : i32
    %c0_i32_0 = arith.constant 0 : i32
    return %c0_i32, %arg0 : i32, i32
  }
  func.func @transform_1(%arg0: i32) -> (i32, i32) {
    %c0_i32 = arith.constant 0 : i32
    %c0_i32_0 = arith.constant 0 : i32
    return %arg0, %c0_i32 : i32, i32
  }
}

module attributes {stable_mosaic.version = 14 : i64} {
  func.func @_mm0_body(%arg0: i32, %arg1: i32, %arg2: memref<2560x512xf32, #tpu.memory_space<vmem>>, %arg3: memref<2560x1xf32, #tpu.memory_space<vmem>>, %arg4: memref<512x128xf32, #tpu.memory_space<vmem>>, %arg5: memref<1x2560x128xf32, #tpu.memory_space<vmem>>) attributes {dimension_semantics = [#tpu.dimension_semantics<arbitrary>, #tpu.dimension_semantics<arbitrary>], iteration_bounds = array<i64: 4, 4>, scalar_prefetch = 0 : i64, scratch_operands = 0 : i64, tpu.core_type = #tpu.core_type<tc>, window_params = [{transform_indices = @transform_0, window_bounds = array<i64: 2560, 512>}, {transform_indices = @transform_1, window_bounds = array<i64: 2560, 1>}, {transform_indices = @transform_2, window_bounds = array<i64: 512, 128>}, {transform_indices = @transform_3, window_bounds = array<i64: 1, 2560, 128>}]} {
    %get3A = arith.constant 0 : index
    %get3A_0 = arith.constant 0 : index
    %get3A_1 = vector.load %arg2[%get3A, %get3A_0] : memref<2560x512xf32, #tpu.memory_space<vmem>>, vector<2560x512xf32>
    %get3A_2 = arith.constant 0 : index
    %get3A_3 = arith.constant 0 : index
    %get3A_4 = vector.load %arg4[%get3A_2, %get3A_3] : memref<512x128xf32, #tpu.memory_space<vmem>>, vector<512x128xf32>
    %dot_general3A = arith.constant dense<0.000000e+00> : vector<2560x128xf32>
    %dot_general3A_5 = tpu.matmul %get3A_1, %get3A_4, %dot_general3A {dimension_numbers = #tpu.dot_dimension_numbers<[1], [0], [0], [1], [0, 0, 1, 1], [], []>, transpose_lhs_hint = false} : vector<2560x512xf32>, vector<512x128xf32>, vector<2560x128xf32> -> vector<2560x128xf32>
    %get3A_6 = arith.constant 0 : index
    %get3A_7 = arith.constant 0 : index
    %get3A_8 = vector.load %arg3[%get3A_6, %get3A_7] : memref<2560x1xf32, #tpu.memory_space<vmem>>, vector<2560x1xf32>
    %mul3A = vector.broadcast %get3A_8 : vector<2560x1xf32> to vector<2560x128xf32>
    %mul3A_9 = arith.mulf %dot_general3A_5, %mul3A : vector<2560x128xf32>
    %swap3A = arith.constant 0 : index
    %swap3A_10 = arith.constant 0 : index
    %swap3A_11 = arith.constant 0 : index
    %swap3A_12 = vector.load %arg5[%swap3A, %swap3A_10, %swap3A_11] : memref<1x2560x128xf32, #tpu.memory_space<vmem>>, vector<1x2560x128xf32>
    %swap3A_13 = vector.shape_cast %swap3A_12 : vector<1x2560x128xf32> to vector<2560x128xf32>
    %swap3A_14 = vector.shape_cast %mul3A_9 : vector<2560x128xf32> to vector<1x2560x128xf32>
    tpu.vector_store %arg5[%swap3A, %swap3A_10, %swap3A_11], %swap3A_14 {strides = array<i32>} : memref<1x2560x128xf32, #tpu.memory_space<vmem>>, vector<1x2560x128xf32>,
    return
  }
  func.func @transform_0(%arg0: i32, %arg1: i32) -> (i32, i32) {
    %c0_i32 = arith.constant 0 : i32
    %c0_i32_0 = arith.constant 0 : i32
    return %arg0, %c0_i32 : i32, i32
  }
  func.func @transform_1(%arg0: i32, %arg1: i32) -> (i32, i32) {
    %c0_i32 = arith.constant 0 : i32
    %c0_i32_0 = arith.constant 0 : i32
    return %arg0, %c0_i32 : i32, i32
  }
  func.func @transform_2(%arg0: i32, %arg1: i32) -> (i32, i32) {
    %c0_i32 = arith.constant 0 : i32
    %c0_i32_0 = arith.constant 0 : i32
    return %c0_i32, %arg1 : i32, i32
  }
  func.func @transform_3(%arg0: i32, %arg1: i32) -> (i32, i32, i32) {
    %c0_i32 = arith.constant 0 : i32
    %c0_i32_0 = arith.constant 0 : i32
    return %arg1, %arg0, %c0_i32 : i32, i32, i32
  }
}

module attributes {stable_mosaic.version = 14 : i64} {
  func.func @_mmi_body(%arg0: i32, %arg1: i32, %arg2: memref<4x2560x128xf32, #tpu.memory_space<vmem>>, %arg3: memref<2560x1xf32, #tpu.memory_space<vmem>>, %arg4: memref<1x512xf32, #tpu.memory_space<vmem>>, %arg5: memref<1x512xf32, #tpu.memory_space<vmem>>, %arg6: memref<1x512xf32, #tpu.memory_space<vmem>>, %arg7: memref<1x512xf32, #tpu.memory_space<vmem>>, %arg8: memref<1x512xf32, #tpu.memory_space<vmem>>, %arg9: memref<512x128xf32, #tpu.memory_space<vmem>>, %arg10: memref<1x2560x128xf32, #tpu.memory_space<vmem>>) attributes {dimension_semantics = [#tpu.dimension_semantics<arbitrary>, #tpu.dimension_semantics<arbitrary>], iteration_bounds = array<i64: 4, 4>, scalar_prefetch = 0 : i64, scratch_operands = 0 : i64, tpu.core_type = #tpu.core_type<tc>, window_params = [{transform_indices = @transform_0, window_bounds = array<i64: 4, 2560, 128>}, {transform_indices = @transform_1, window_bounds = array<i64: 2560, 1>}, {pipeline_mode = #tpu.pipeline_mode<synchronous>, transform_indices = @transform_2, window_bounds = array<i64: 1, 512>}, {pipeline_mode = #tpu.pipeline_mode<synchronous>, transform_indices = @transform_3, window_bounds = array<i64: 1, 512>}, {pipeline_mode = #tpu.pipeline_mode<synchronous>, transform_indices = @transform_4, window_bounds = array<i64: 1, 512>}, {pipeline_mode = #tpu.pipeline_mode<synchronous>, transform_indices = @transform_5, window_bounds = array<i64: 1, 512>}, {pipeline_mode = #tpu.pipeline_mode<synchronous>, transform_indices = @transform_6, window_bounds = array<i64: 1, 512>}, {transform_indices = @transform_7, window_bounds = array<i64: 512, 128>}, {transform_indices = @transform_8, window_bounds = array<i64: 1, 2560, 128>}]} {
    %get3A = arith.constant 0 : index
    %get3A_0 = arith.constant 0 : index
    %get3A_1 = arith.constant 0 : index
    %get3A_2 = vector.load %arg2[%get3A, %get3A_0, %get3A_1] : memref<4x2560x128xf32, #tpu.memory_space<vmem>>, vector<4x2560x128xf32>
    %get3A_3 = arith.constant 0 : index
    %get3A_4 = arith.constant 0 : index
    %get3A_5 = vector.load %arg3[%get3A_3, %get3A_4] : memref<2560x1xf32, #tpu.memory_space<vmem>>, vector<2560x1xf32>
    %get3A_6 = arith.constant 0 : index
    %get3A_7 = arith.constant 0 : index
    %get3A_8 = vector.load %arg4[%get3A_6, %get3A_7] : memref<1x512xf32, #tpu.memory_space<vmem>>, vector<1x512xf32>
    %get3A_9 = arith.constant 0 : index
    %get3A_10 = arith.constant 0 : index
    %get3A_11 = vector.load %arg5[%get3A_9, %get3A_10] : memref<1x512xf32, #tpu.memory_space<vmem>>, vector<1x512xf32>
    %get3A_12 = arith.constant 0 : index
    %get3A_13 = arith.constant 0 : index
    %get3A_14 = vector.load %arg6[%get3A_12, %get3A_13] : memref<1x512xf32, #tpu.memory_space<vmem>>, vector<1x512xf32>
    %get3A_15 = arith.constant 0 : index
    %get3A_16 = arith.constant 0 : index
    %get3A_17 = vector.load %arg7[%get3A_15, %get3A_16] : memref<1x512xf32, #tpu.memory_space<vmem>>, vector<1x512xf32>
    %get3A_18 = arith.constant 0 : index
    %get3A_19 = arith.constant 0 : index
    %get3A_20 = vector.load %arg8[%get3A_18, %get3A_19] : memref<1x512xf32, #tpu.memory_space<vmem>>, vector<1x512xf32>
    %slice3A = vector.extract_strided_slice %get3A_2 {offsets = [0, 0, 0], sizes = [1, 2560, 128], strides = [1, 1, 1]} : vector<4x2560x128xf32> to vector<1x2560x128xf32>
    %squeeze3A = vector.shape_cast %slice3A : vector<1x2560x128xf32> to vector<2560x128xf32>
    %slice3A_21 = vector.extract_strided_slice %get3A_2 {offsets = [1, 0, 0], sizes = [1, 2560, 128], strides = [1, 1, 1]} : vector<4x2560x128xf32> to vector<1x2560x128xf32>
    %squeeze3A_22 = vector.shape_cast %slice3A_21 : vector<1x2560x128xf32> to vector<2560x128xf32>
    %slice3A_23 = vector.extract_strided_slice %get3A_2 {offsets = [2, 0, 0], sizes = [1, 2560, 128], strides = [1, 1, 1]} : vector<4x2560x128xf32> to vector<1x2560x128xf32>
    %squeeze3A_24 = vector.shape_cast %slice3A_23 : vector<1x2560x128xf32> to vector<2560x128xf32>
    %slice3A_25 = vector.extract_strided_slice %get3A_2 {offsets = [3, 0, 0], sizes = [1, 2560, 128], strides = [1, 1, 1]} : vector<4x2560x128xf32> to vector<1x2560x128xf32>
    %squeeze3A_26 = vector.shape_cast %slice3A_25 : vector<1x2560x128xf32> to vector<2560x128xf32>
    %concatenate3A = tpu.concatenate %squeeze3A, %squeeze3A_22, %squeeze3A_24, %squeeze3A_26 in 1 : vector<2560x128xf32>, vector<2560x128xf32>, vector<2560x128xf32>, vector<2560x128xf32> -> vector<2560x512xf32>
    %mul3A = vector.broadcast %get3A_5 : vector<2560x1xf32> to vector<2560x512xf32>
    %mul3A_27 = arith.mulf %concatenate3A, %mul3A : vector<2560x512xf32>
    %add3A = vector.broadcast %get3A_8 : vector<1x512xf32> to vector<2560x512xf32>
    %add3A_28 = arith.addf %mul3A_27, %add3A : vector<2560x512xf32>
    %add3A_29 = arith.constant 9.99999974E-6 : f32
    %add3A_30 = vector.broadcast %add3A_29 : f32 to vector<1x512xf32>
    %add3A_31 = arith.addf %get3A_20, %add3A_30 : vector<1x512xf32>
    %rsqrt3A = math.rsqrt %add3A_31 : vector<1x512xf32>
    %mul3A_32 = arith.mulf %get3A_11, %rsqrt3A : vector<1x512xf32>
    %sub3A = vector.broadcast %get3A_17 : vector<1x512xf32> to vector<2560x512xf32>
    %sub3A_33 = arith.subf %add3A_28, %sub3A : vector<2560x512xf32>
    %mul3A_34 = vector.broadcast %mul3A_32 : vector<1x512xf32> to vector<2560x512xf32>
    %mul3A_35 = arith.mulf %sub3A_33, %mul3A_34 : vector<2560x512xf32>
    %add3A_36 = vector.broadcast %get3A_14 : vector<1x512xf32> to vector<2560x512xf32>
    %add3A_37 = arith.addf %mul3A_35, %add3A_36 : vector<2560x512xf32>
    %max3A = arith.constant 0.000000e+00 : f32
    %max3A_38 = vector.broadcast %max3A : f32 to vector<2560x512xf32>
    %max3A_39 = arith.maximumf %add3A_37, %max3A_38 : vector<2560x512xf32>
    %get3A_40 = arith.constant 0 : index
    %get3A_41 = arith.constant 0 : index
    %get3A_42 = vector.load %arg9[%get3A_40, %get3A_41] : memref<512x128xf32, #tpu.memory_space<vmem>>, vector<512x128xf32>
    %dot_general3A = arith.constant dense<0.000000e+00> : vector<2560x128xf32>
    %dot_general3A_43 = tpu.matmul %max3A_39, %get3A_42, %dot_general3A {dimension_numbers = #tpu.dot_dimension_numbers<[1], [0], [0], [1], [0, 0, 1, 1], [], []>, transpose_lhs_hint = false} : vector<2560x512xf32>, vector<512x128xf32>, vector<2560x128xf32> -> vector<2560x128xf32>
    %get3A_44 = arith.constant 0 : index
    %get3A_45 = arith.constant 0 : index
    %get3A_46 = vector.load %arg3[%get3A_44, %get3A_45] : memref<2560x1xf32, #tpu.memory_space<vmem>>, vector<2560x1xf32>
    %mul3A_47 = vector.broadcast %get3A_46 : vector<2560x1xf32> to vector<2560x128xf32>
    %mul3A_48 = arith.mulf %dot_general3A_43, %mul3A_47 : vector<2560x128xf32>
    %swap3A = arith.constant 0 : index
    %swap3A_49 = arith.constant 0 : index
    %swap3A_50 = arith.constant 0 : index
    %swap3A_51 = vector.load %arg10[%swap3A, %swap3A_49, %swap3A_50] : memref<1x2560x128xf32, #tpu.memory_space<vmem>>, vector<1x2560x128xf32>
    %swap3A_52 = vector.shape_cast %swap3A_51 : vector<1x2560x128xf32> to vector<2560x128xf32>
    %swap3A_53 = vector.shape_cast %mul3A_48 : vector<2560x128xf32> to vector<1x2560x128xf32>
    tpu.vector_store %arg10[%swap3A, %swap3A_49, %swap3A_50], %swap3A_53 {strides = array<i32>} : memref<1x2560x128xf32, #tpu.memory_space<vmem>>, vector<1x2560x128xf32>,
    return
  }
  func.func @transform_0(%arg0: i32, %arg1: i32) -> (i32, i32, i32) {
    %c0_i32 = arith.constant 0 : i32
    %c0_i32_0 = arith.constant 0 : i32
    %c0_i32_1 = arith.constant 0 : i32
    return %c0_i32, %arg0, %c0_i32_0 : i32, i32, i32
  }
  func.func @transform_1(%arg0: i32, %arg1: i32) -> (i32, i32) {
    %c0_i32 = arith.constant 0 : i32
    %c0_i32_0 = arith.constant 0 : i32
    return %arg0, %c0_i32 : i32, i32
  }
  func.func @transform_2(%arg0: i32, %arg1: i32) -> (i32, i32) {
    %c0_i32 = arith.constant 0 : i32
    %c0_i32_0 = arith.constant 0 : i32
    %c0_i32_1 = arith.constant 0 : i32
    return %c0_i32, %c0_i32_0 : i32, i32
  }
  func.func @transform_3(%arg0: i32, %arg1: i32) -> (i32, i32) {
    %c0_i32 = arith.constant 0 : i32
    %c0_i32_0 = arith.constant 0 : i32
    %c0_i32_1 = arith.constant 0 : i32
    return %c0_i32, %c0_i32_0 : i32, i32
  }
  func.func @transform_4(%arg0: i32, %arg1: i32) -> (i32, i32) {
    %c0_i32 = arith.constant 0 : i32
    %c0_i32_0 = arith.constant 0 : i32
    %c0_i32_1 = arith.constant 0 : i32
    return %c0_i32, %c0_i32_0 : i32, i32
  }
  func.func @transform_5(%arg0: i32, %arg1: i32) -> (i32, i32) {
    %c0_i32 = arith.constant 0 : i32
    %c0_i32_0 = arith.constant 0 : i32
    %c0_i32_1 = arith.constant 0 : i32
    return %c0_i32, %c0_i32_0 : i32, i32
  }
  func.func @transform_6(%arg0: i32, %arg1: i32) -> (i32, i32) {
    %c0_i32 = arith.constant 0 : i32
    %c0_i32_0 = arith.constant 0 : i32
    %c0_i32_1 = arith.constant 0 : i32
    return %c0_i32, %c0_i32_0 : i32, i32
  }
  func.func @transform_7(%arg0: i32, %arg1: i32) -> (i32, i32) {
    %c0_i32 = arith.constant 0 : i32
    %c0_i32_0 = arith.constant 0 : i32
    return %c0_i32, %arg1 : i32, i32
  }
  func.func @transform_8(%arg0: i32, %arg1: i32) -> (i32, i32, i32) {
    %c0_i32 = arith.constant 0 : i32
    %c0_i32_0 = arith.constant 0 : i32
    return %arg1, %arg0, %c0_i32 : i32, i32, i32
  }
}

module attributes {stable_mosaic.version = 14 : i64} {
  func.func @_pool_head_body(%arg0: i32, %arg1: memref<4x2560x128xf32, #tpu.memory_space<vmem>>, %arg2: memref<2560x1xf32, #tpu.memory_space<vmem>>, %arg3: memref<1x512xf32, #tpu.memory_space<vmem>>, %arg4: memref<1x512xf32, #tpu.memory_space<vmem>>, %arg5: memref<1x512xf32, #tpu.memory_space<vmem>>, %arg6: memref<1x512xf32, #tpu.memory_space<vmem>>, %arg7: memref<1x512xf32, #tpu.memory_space<vmem>>, %arg8: memref<512x256xf32, #tpu.memory_space<vmem>>, %arg9: memref<1x256xf32, #tpu.memory_space<vmem>>, %arg10: memref<256x1xf32, #tpu.memory_space<vmem>>, %arg11: memref<1x1xf32, #tpu.memory_space<vmem>>, %arg12: memref<512x512xf32, #tpu.memory_space<vmem>>, %arg13: memref<1x512xf32, #tpu.memory_space<vmem>>, %arg14: memref<512x512xf32, #tpu.memory_space<vmem>>, %arg15: memref<1x512xf32, #tpu.memory_space<vmem>>, %arg16: memref<512x256xf32, #tpu.memory_space<vmem>>, %arg17: memref<1x256xf32, #tpu.memory_space<vmem>>, %arg18: memref<256x3xf32, #tpu.memory_space<vmem>>, %arg19: memref<1x3xf32, #tpu.memory_space<vmem>>, %arg20: memref<512x256xf32, #tpu.memory_space<vmem>>, %arg21: memref<1x256xf32, #tpu.memory_space<vmem>>, %arg22: memref<256x1xf32, #tpu.memory_space<vmem>>, %arg23: memref<1x1xf32, #tpu.memory_space<vmem>>, %arg24: memref<512x256xf32, #tpu.memory_space<vmem>>, %arg25: memref<1x256xf32, #tpu.memory_space<vmem>>, %arg26: memref<256x1xf32, #tpu.memory_space<vmem>>, %arg27: memref<1x1xf32, #tpu.memory_space<vmem>>, %arg28: memref<1x512xf32, #tpu.memory_space<vmem>>, %arg29: memref<1x3xf32, #tpu.memory_space<vmem>>, %arg30: memref<1x1xf32, #tpu.memory_space<vmem>>, %arg31: memref<1x1xf32, #tpu.memory_space<vmem>>, %arg32: memref<1x512xf32, #tpu.memory_space<vmem>>, %arg33: memref<1xf32, #tpu.memory_space<smem>>) attributes {dimension_semantics = [#tpu.dimension_semantics<arbitrary>], iteration_bounds = array<i64: 4>, scalar_prefetch = 0 : i64, scratch_operands = 2 : i64, tpu.core_type = #tpu.core_type<tc>, window_params = [{transform_indices = @transform_0, window_bounds = array<i64: 4, 2560, 128>}, {transform_indices = @transform_1, window_bounds = array<i64: 2560, 1>}, {pipeline_mode = #tpu.pipeline_mode<synchronous>, transform_indices = @transform_2, window_bounds = array<i64: 1, 512>}, {pipeline_mode = #tpu.pipeline_mode<synchronous>, transform_indices = @transform_3, window_bounds = array<i64: 1, 512>}, {pipeline_mode = #tpu.pipeline_mode<synchronous>, transform_indices = @transform_4, window_bounds = array<i64: 1, 512>}, {pipeline_mode = #tpu.pipeline_mode<synchronous>, transform_indices = @transform_5, window_bounds = array<i64: 1, 512>}, {pipeline_mode = #tpu.pipeline_mode<synchronous>, transform_indices = @transform_6, window_bounds = array<i64: 1, 512>}, {pipeline_mode = #tpu.pipeline_mode<synchronous>, transform_indices = @transform_7, window_bounds = array<i64: 512, 256>}, {pipeline_mode = #tpu.pipeline_mode<synchronous>, transform_indices = @transform_8, window_bounds = array<i64: 1, 256>}, {pipeline_mode = #tpu.pipeline_mode<synchronous>, transform_indices = @transform_9, window_bounds = array<i64: 256, 1>}, {pipeline_mode = #tpu.pipeline_mode<synchronous>, transform_indices = @transform_10, window_bounds = array<i64: 1, 1>}, {pipeline_mode = #tpu.pipeline_mode<synchronous>, transform_indices = @transform_11, window_bounds = array<i64: 512, 512>}, {pipeline_mode = #tpu.pipeline_mode<synchronous>, transform_indices = @transform_12, window_bounds = array<i64: 1, 512>}, {pipeline_mode = #tpu.pipeline_mode<synchronous>, transform_indices = @transform_13, window_bounds = array<i64: 512, 512>}, {pipeline_mode = #tpu.pipeline_mode<synchronous>, transform_indices = @transform_14, window_bounds = array<i64: 1, 512>}, {pipeline_mode = #tpu.pipeline_mode<synchronous>, transform_indices = @transform_15, window_bounds = array<i64: 512, 256>}, {pipeline_mode = #tpu.pipeline_mode<synchronous>, transform_indices = @transform_16, window_bounds = array<i64: 1, 256>}, {pipeline_mode = #tpu.pipeline_mode<synchronous>, transform_indices = @transform_17, window_bounds = array<i64: 256, 3>}, {pipeline_mode = #tpu.pipeline_mode<synchronous>, transform_indices = @transform_18, window_bounds = array<i64: 1, 3>}, {pipeline_mode = #tpu.pipeline_mode<synchronous>, transform_indices = @transform_19, window_bounds = array<i64: 512, 256>}, {pipeline_mode = #tpu.pipeline_mode<synchronous>, transform_indices = @transform_20, window_bounds = array<i64: 1, 256>}, {pipeline_mode = #tpu.pipeline_mode<synchronous>, transform_indices = @transform_21, window_bounds = array<i64: 256, 1>}, {pipeline_mode = #tpu.pipeline_mode<synchronous>, transform_indices = @transform_22, window_bounds = array<i64: 1, 1>}, {pipeline_mode = #tpu.pipeline_mode<synchronous>, transform_indices = @transform_23, window_bounds = array<i64: 512, 256>}, {pipeline_mode = #tpu.pipeline_mode<synchronous>, transform_indices = @transform_24, window_bounds = array<i64: 1, 256>}, {pipeline_mode = #tpu.pipeline_mode<synchronous>, transform_indices = @transform_25, window_bounds = array<i64: 256, 1>}, {pipeline_mode = #tpu.pipeline_mode<synchronous>, transform_indices = @transform_26, window_bounds = array<i64: 1, 1>}, {pipeline_mode = #tpu.pipeline_mode<synchronous>, transform_indices = @transform_27, window_bounds = array<i64: 1, 512>}, {pipeline_mode = #tpu.pipeline_mode<synchronous>, transform_indices = @transform_28, window_bounds = array<i64: 1, 3>}, {pipeline_mode = #tpu.pipeline_mode<synchronous>, transform_indices = @transform_29, window_bounds = array<i64: 1, 1>}, {pipeline_mode = #tpu.pipeline_mode<synchronous>, transform_indices = @transform_30, window_bounds = array<i64: 1, 1>}]} {
    %get3A = arith.constant 0 : index
    %get3A_0 = arith.constant 0 : index
    %get3A_1 = arith.constant 0 : index
    %get3A_2 = vector.load %arg1[%get3A, %get3A_0, %get3A_1] : memref<4x2560x128xf32, #tpu.memory_space<vmem>>, vector<4x2560x128xf32>
    %get3A_3 = arith.constant 0 : index
    %get3A_4 = arith.constant 0 : index
    %get3A_5 = vector.load %arg2[%get3A_3, %get3A_4] : memref<2560x1xf32, #tpu.memory_space<vmem>>, vector<2560x1xf32>
    %get3A_6 = arith.constant 0 : index
    %get3A_7 = arith.constant 0 : index
    %get3A_8 = vector.load %arg3[%get3A_6, %get3A_7] : memref<1x512xf32, #tpu.memory_space<vmem>>, vector<1x512xf32>
    %get3A_9 = arith.constant 0 : index
    %get3A_10 = arith.constant 0 : index
    %get3A_11 = vector.load %arg4[%get3A_9, %get3A_10] : memref<1x512xf32, #tpu.memory_space<vmem>>, vector<1x512xf32>
    %get3A_12 = arith.constant 0 : index
    %get3A_13 = arith.constant 0 : index
    %get3A_14 = vector.load %arg5[%get3A_12, %get3A_13] : memref<1x512xf32, #tpu.memory_space<vmem>>, vector<1x512xf32>
    %get3A_15 = arith.constant 0 : index
    %get3A_16 = arith.constant 0 : index
    %get3A_17 = vector.load %arg6[%get3A_15, %get3A_16] : memref<1x512xf32, #tpu.memory_space<vmem>>, vector<1x512xf32>
    %get3A_18 = arith.constant 0 : index
    %get3A_19 = arith.constant 0 : index
    %get3A_20 = vector.load %arg7[%get3A_18, %get3A_19] : memref<1x512xf32, #tpu.memory_space<vmem>>, vector<1x512xf32>
    %slice3A = vector.extract_strided_slice %get3A_2 {offsets = [0, 0, 0], sizes = [1, 2560, 128], strides = [1, 1, 1]} : vector<4x2560x128xf32> to vector<1x2560x128xf32>
    %squeeze3A = vector.shape_cast %slice3A : vector<1x2560x128xf32> to vector<2560x128xf32>
    %slice3A_21 = vector.extract_strided_slice %get3A_2 {offsets = [1, 0, 0], sizes = [1, 2560, 128], strides = [1, 1, 1]} : vector<4x2560x128xf32> to vector<1x2560x128xf32>
    %squeeze3A_22 = vector.shape_cast %slice3A_21 : vector<1x2560x128xf32> to vector<2560x128xf32>
    %slice3A_23 = vector.extract_strided_slice %get3A_2 {offsets = [2, 0, 0], sizes = [1, 2560, 128], strides = [1, 1, 1]} : vector<4x2560x128xf32> to vector<1x2560x128xf32>
    %squeeze3A_24 = vector.shape_cast %slice3A_23 : vector<1x2560x128xf32> to vector<2560x128xf32>
    %slice3A_25 = vector.extract_strided_slice %get3A_2 {offsets = [3, 0, 0], sizes = [1, 2560, 128], strides = [1, 1, 1]} : vector<4x2560x128xf32> to vector<1x2560x128xf32>
    %squeeze3A_26 = vector.shape_cast %slice3A_25 : vector<1x2560x128xf32> to vector<2560x128xf32>
    %concatenate3A = tpu.concatenate %squeeze3A, %squeeze3A_22, %squeeze3A_24, %squeeze3A_26 in 1 : vector<2560x128xf32>, vector<2560x128xf32>, vector<2560x128xf32>, vector<2560x128xf32> -> vector<2560x512xf32>
    %mul3A = vector.broadcast %get3A_5 : vector<2560x1xf32> to vector<2560x512xf32>
    %mul3A_27 = arith.mulf %concatenate3A, %mul3A : vector<2560x512xf32>
    %add3A = vector.broadcast %get3A_8 : vector<1x512xf32> to vector<2560x512xf32>
    %add3A_28 = arith.addf %mul3A_27, %add3A : vector<2560x512xf32>
    %add3A_29 = arith.constant 9.99999974E-6 : f32
    %add3A_30 = vector.broadcast %add3A_29 : f32 to vector<1x512xf32>
    %add3A_31 = arith.addf %get3A_20, %add3A_30 : vector<1x512xf32>
    %rsqrt3A = math.rsqrt %add3A_31 : vector<1x512xf32>
    %mul3A_32 = arith.mulf %get3A_11, %rsqrt3A : vector<1x512xf32>
    %sub3A = vector.broadcast %get3A_17 : vector<1x512xf32> to vector<2560x512xf32>
    %sub3A_33 = arith.subf %add3A_28, %sub3A : vector<2560x512xf32>
    %mul3A_34 = vector.broadcast %mul3A_32 : vector<1x512xf32> to vector<2560x512xf32>
    %mul3A_35 = arith.mulf %sub3A_33, %mul3A_34 : vector<2560x512xf32>
    %add3A_36 = vector.broadcast %get3A_14 : vector<1x512xf32> to vector<2560x512xf32>
    %add3A_37 = arith.addf %mul3A_35, %add3A_36 : vector<2560x512xf32>
    %max3A = arith.constant 0.000000e+00 : f32
    %max3A_38 = vector.broadcast %max3A : f32 to vector<2560x512xf32>
    %max3A_39 = arith.maximumf %add3A_37, %max3A_38 : vector<2560x512xf32>
    %get3A_40 = arith.constant 0 : index
    %get3A_41 = arith.constant 0 : index
    %get3A_42 = vector.load %arg8[%get3A_40, %get3A_41] : memref<512x256xf32, #tpu.memory_space<vmem>>, vector<512x256xf32>
    %dot_general3A = arith.constant dense<0.000000e+00> : vector<2560x256xf32>
    %dot_general3A_43 = tpu.matmul %max3A_39, %get3A_42, %dot_general3A {dimension_numbers = #tpu.dot_dimension_numbers<[1], [0], [0], [1], [0, 0, 1, 1], [], []>, transpose_lhs_hint = false} : vector<2560x512xf32>, vector<512x256xf32>, vector<2560x256xf32> -> vector<2560x256xf32>
    %get3A_44 = arith.constant 0 : index
    %get3A_45 = arith.constant 0 : index
    %get3A_46 = vector.load %arg9[%get3A_44, %get3A_45] : memref<1x256xf32, #tpu.memory_space<vmem>>, vector<1x256xf32>
    %add3A_47 = vector.broadcast %get3A_46 : vector<1x256xf32> to vector<2560x256xf32>
    %add3A_48 = arith.addf %dot_general3A_43, %add3A_47 : vector<2560x256xf32>
    %max3A_49 = arith.constant 0.000000e+00 : f32
    %max3A_50 = vector.broadcast %max3A_49 : f32 to vector<2560x256xf32>
    %max3A_51 = arith.maximumf %add3A_48, %max3A_50 : vector<2560x256xf32>
    %get3A_52 = arith.constant 0 : index
    %get3A_53 = arith.constant 0 : index
    %get3A_54 = vector.load %arg10[%get3A_52, %get3A_53] : memref<256x1xf32, #tpu.memory_space<vmem>>, vector<256x1xf32>
    %dot_general3A_55 = arith.constant dense<0.000000e+00> : vector<2560x1xf32>
    %dot_general3A_56 = tpu.matmul %max3A_51, %get3A_54, %dot_general3A_55 {dimension_numbers = #tpu.dot_dimension_numbers<[1], [0], [0], [1], [0, 0, 1, 1], [], []>, transpose_lhs_hint = false} : vector<2560x256xf32>, vector<256x1xf32>, vector<2560x1xf32> -> vector<2560x1xf32>
    %get3A_57 = arith.constant 0 : index
    %get3A_58 = arith.constant 0 : index
    %get3A_59 = vector.load %arg11[%get3A_57, %get3A_58] : memref<1x1xf32, #tpu.memory_space<vmem>>, vector<1x1xf32>
    %add3A_60 = vector.broadcast %get3A_59 : vector<1x1xf32> to vector<2560x1xf32>
    %add3A_61 = arith.addf %dot_general3A_56, %add3A_60 : vector<2560x1xf32>
    %logistic3A = arith.negf %add3A_61 : vector<2560x1xf32>
    %logistic3A_62 = math.exp %logistic3A : vector<2560x1xf32>
    %logistic3A_63 = arith.constant 1.000000e+00 : f32
    %logistic3A_64 = vector.broadcast %logistic3A_63 : f32 to vector<2560x1xf32>
    %logistic3A_65 = arith.addf %logistic3A_64, %logistic3A_62 : vector<2560x1xf32>
    %logistic3A_66 = arith.divf %logistic3A_64, %logistic3A_65 : vector<2560x1xf32>
    %iota3A = tpu.iota {dimensions = array<i32: 0>} : vector<2560x1xi32>
    %mul3A_67 = arith.constant 2560 : i32
    %mul3A_68 = arith.muli %arg0, %mul3A_67 : i32
    %add3A_69 = vector.broadcast %mul3A_68 : i32 to vector<2560x1xi32>
    %add3A_70 = arith.addi %iota3A, %add3A_69 : vector<2560x1xi32>
    %lt3A = arith.constant 10000 : i32
    %lt3A_71 = vector.broadcast %lt3A : i32 to vector<2560x1xi32>
    %lt3A_72 = arith.cmpi slt, %add3A_70, %lt3A_71 : vector<2560x1xi32>
    %jit3A = arith.constant 0.000000e+00 : f32
    %broadcast_in_dim3A = vector.broadcast %jit3A : f32 to vector<2560x1xf32>
    %select_n3A = arith.select %lt3A_72, %logistic3A_66, %broadcast_in_dim3A : vector<2560x1xi1>, vector<2560x1xf32>
    %mul3A_73 = vector.broadcast %select_n3A : vector<2560x1xf32> to vector<2560x512xf32>
    %mul3A_74 = arith.mulf %max3A_39, %mul3A_73 : vector<2560x512xf32>
    %reduce_sum3A = arith.constant dense<0.000000e+00> : vector<512xf32>
    %reduce_sum3A_75 = vector.multi_reduction <add>, %mul3A_74, %reduce_sum3A [0] : vector<2560x512xf32> to vector<512xf32>
    %broadcast_in_dim3A_76 = vector.shape_cast %reduce_sum3A_75 : vector<512xf32> to vector<1x512xf32>
    %reduce_sum3A_77 = vector.shape_cast %select_n3A : vector<2560x1xf32> to vector<1x2560x1xf32>
    %reduce_sum3A_78 = arith.constant dense<0.000000e+00> : vector<1xf32>
    %reduce_sum3A_79 = vector.multi_reduction <add>, %reduce_sum3A_77, %reduce_sum3A_78 [1, 2] : vector<1x2560x1xf32> to vector<1xf32>
    %reduce_sum3A_80 = vector.shape_cast %reduce_sum3A_79 : vector<1xf32> to vector<1x1x1xf32>
    %reduce_sum3A_81 = vector.extract %reduce_sum3A_80[0, 0, 0] : f32 from vector<1x1x1xf32>
    %eq3A = arith.constant 0 : i32
    %eq3A_82 = arith.cmpi eq, %arg0, %eq3A : i32
    %convert_element_type3A = arith.extui %eq3A_82 : i1 to i32
    %cond3A = arith.constant 0 : i32
    %cond3A_83 = arith.cmpi ne, %convert_element_type3A, %cond3A : i32
    scf.if %cond3A_83 {
      %swap3A = arith.constant 0 : index
      %swap3A_93 = arith.constant 0 : index
      %swap3A_94 = vector.load %arg32[%swap3A, %swap3A_93] : memref<1x512xf32, #tpu.memory_space<vmem>>, vector<1x512xf32>
      tpu.vector_store %arg32[%swap3A, %swap3A_93], %broadcast_in_dim3A_76 {strides = array<i32>} : memref<1x512xf32, #tpu.memory_space<vmem>>, vector<1x512xf32>,
      %swap3A_95 = arith.constant 0 : index
      %swap3A_96 = memref.load %arg33[%swap3A_95] : memref<1xf32, #tpu.memory_space<smem>>
      memref.store %reduce_sum3A_81, %arg33[%swap3A_95] : memref<1xf32, #tpu.memory_space<smem>>
    } else {
    }
    %gt3A = arith.constant 0 : i32
    %gt3A_84 = arith.cmpi sgt, %arg0, %gt3A : i32
    %convert_element_type3A_85 = arith.extui %gt3A_84 : i1 to i32
    %cond3A_86 = arith.constant 0 : i32
    %cond3A_87 = arith.cmpi ne, %convert_element_type3A_85, %cond3A_86 : i32
    scf.if %cond3A_87 {
      %get3A_93 = arith.constant 0 : index
      %get3A_94 = arith.constant 0 : index
      %get3A_95 = vector.load %arg32[%get3A_93, %get3A_94] : memref<1x512xf32, #tpu.memory_space<vmem>>, vector<1x512xf32>
      %add3A_96 = arith.addf %get3A_95, %broadcast_in_dim3A_76 : vector<1x512xf32>
      %swap3A = arith.constant 0 : index
      %swap3A_97 = arith.constant 0 : index
      %swap3A_98 = vector.load %arg32[%swap3A, %swap3A_97] : memref<1x512xf32, #tpu.memory_space<vmem>>, vector<1x512xf32>
      tpu.vector_store %arg32[%swap3A, %swap3A_97], %add3A_96 {strides = array<i32>} : memref<1x512xf32, #tpu.memory_space<vmem>>, vector<1x512xf32>,
      %get3A_99 = arith.constant 0 : index
      %get3A_100 = memref.load %arg33[%get3A_99] : memref<1xf32, #tpu.memory_space<smem>>
      %add3A_101 = arith.addf %get3A_100, %reduce_sum3A_81 : f32
      %swap3A_102 = arith.constant 0 : index
      %swap3A_103 = memref.load %arg33[%swap3A_102] : memref<1xf32, #tpu.memory_space<smem>>
      memref.store %add3A_101, %arg33[%swap3A_102] : memref<1xf32, #tpu.memory_space<smem>>
    } else {
    }
    %eq3A_88 = arith.constant 3 : i32
    %eq3A_89 = arith.cmpi eq, %arg0, %eq3A_88 : i32
    %convert_element_type3A_90 = arith.extui %eq3A_89 : i1 to i32
    %cond3A_91 = arith.constant 0 : i32
    %cond3A_92 = arith.cmpi ne, %convert_element_type3A_90, %cond3A_91 : i32
    scf.if %cond3A_92 {
      %get3A_93 = arith.constant 0 : index
      %get3A_94 = arith.constant 0 : index
      %get3A_95 = vector.load %arg32[%get3A_93, %get3A_94] : memref<1x512xf32, #tpu.memory_space<vmem>>, vector<1x512xf32>
      %get3A_96 = arith.constant 0 : index
      %get3A_97 = memref.load %arg33[%get3A_96] : memref<1xf32, #tpu.memory_space<smem>>
      %div3A = vector.broadcast %get3A_97 : f32 to vector<1x512xf32>
      %div3A_98 = arith.divf %get3A_95, %div3A : vector<1x512xf32>
      %get3A_99 = arith.constant 0 : index
      %get3A_100 = arith.constant 0 : index
      %get3A_101 = vector.load %arg12[%get3A_99, %get3A_100] : memref<512x512xf32, #tpu.memory_space<vmem>>, vector<512x512xf32>
      %dot_general3A_102 = arith.constant dense<0.000000e+00> : vector<1x512xf32>
      %dot_general3A_103 = tpu.matmul %div3A_98, %get3A_101, %dot_general3A_102 {dimension_numbers = #tpu.dot_dimension_numbers<[1], [0], [0], [1], [0, 0, 1, 1], [], []>, transpose_lhs_hint = false} : vector<1x512xf32>, vector<512x512xf32>, vector<1x512xf32> -> vector<1x512xf32>
      %get3A_104 = arith.constant 0 : index
      %get3A_105 = arith.constant 0 : index
      %get3A_106 = vector.load %arg13[%get3A_104, %get3A_105] : memref<1x512xf32, #tpu.memory_space<vmem>>, vector<1x512xf32>
      %add3A_107 = arith.addf %dot_general3A_103, %get3A_106 : vector<1x512xf32>
      %max3A_108 = arith.constant 0.000000e+00 : f32
      %max3A_109 = vector.broadcast %max3A_108 : f32 to vector<1x512xf32>
      %max3A_110 = arith.maximumf %add3A_107, %max3A_109 : vector<1x512xf32>
      %get3A_111 = arith.constant 0 : index
      %get3A_112 = arith.constant 0 : index
      %get3A_113 = vector.load %arg14[%get3A_111, %get3A_112] : memref<512x512xf32, #tpu.memory_space<vmem>>, vector<512x512xf32>
      %dot_general3A_114 = arith.constant dense<0.000000e+00> : vector<1x512xf32>
      %dot_general3A_115 = tpu.matmul %max3A_110, %get3A_113, %dot_general3A_114 {dimension_numbers = #tpu.dot_dimension_numbers<[1], [0], [0], [1], [0, 0, 1, 1], [], []>, transpose_lhs_hint = false} : vector<1x512xf32>, vector<512x512xf32>, vector<1x512xf32> -> vector<1x512xf32>
      %get3A_116 = arith.constant 0 : index
      %get3A_117 = arith.constant 0 : index
      %get3A_118 = vector.load %arg15[%get3A_116, %get3A_117] : memref<1x512xf32, #tpu.memory_space<vmem>>, vector<1x512xf32>
      %add3A_119 = arith.addf %dot_general3A_115, %get3A_118 : vector<1x512xf32>
      %swap3A = arith.constant 0 : index
      %swap3A_120 = arith.constant 0 : index
      %swap3A_121 = vector.load %arg28[%swap3A, %swap3A_120] : memref<1x512xf32, #tpu.memory_space<vmem>>, vector<1x512xf32>
      tpu.vector_store %arg28[%swap3A, %swap3A_120], %add3A_119 {strides = array<i32>} : memref<1x512xf32, #tpu.memory_space<vmem>>, vector<1x512xf32>,
      %get3A_122 = arith.constant 0 : index
      %get3A_123 = arith.constant 0 : index
      %get3A_124 = vector.load %arg16[%get3A_122, %get3A_123] : memref<512x256xf32, #tpu.memory_space<vmem>>, vector<512x256xf32>
      %dot_general3A_125 = arith.constant dense<0.000000e+00> : vector<1x256xf32>
      %dot_general3A_126 = tpu.matmul %add3A_119, %get3A_124, %dot_general3A_125 {dimension_numbers = #tpu.dot_dimension_numbers<[1], [0], [0], [1], [0, 0, 1, 1], [], []>, transpose_lhs_hint = false} : vector<1x512xf32>, vector<512x256xf32>, vector<1x256xf32> -> vector<1x256xf32>
      %get3A_127 = arith.constant 0 : index
      %get3A_128 = arith.constant 0 : index
      %get3A_129 = vector.load %arg17[%get3A_127, %get3A_128] : memref<1x256xf32, #tpu.memory_space<vmem>>, vector<1x256xf32>
      %add3A_130 = arith.addf %dot_general3A_126, %get3A_129 : vector<1x256xf32>
      %max3A_131 = arith.constant 0.000000e+00 : f32
      %max3A_132 = vector.broadcast %max3A_131 : f32 to vector<1x256xf32>
      %max3A_133 = arith.maximumf %add3A_130, %max3A_132 : vector<1x256xf32>
      %get3A_134 = arith.constant 0 : index
      %get3A_135 = arith.constant 0 : index
      %get3A_136 = vector.load %arg18[%get3A_134, %get3A_135] : memref<256x3xf32, #tpu.memory_space<vmem>>, vector<256x3xf32>
      %dot_general3A_137 = arith.constant dense<0.000000e+00> : vector<1x3xf32>
      %dot_general3A_138 = tpu.matmul %max3A_133, %get3A_136, %dot_general3A_137 {dimension_numbers = #tpu.dot_dimension_numbers<[1], [0], [0], [1], [0, 0, 1, 1], [], []>, transpose_lhs_hint = false} : vector<1x256xf32>, vector<256x3xf32>, vector<1x3xf32> -> vector<1x3xf32>
      %get3A_139 = arith.constant 0 : index
      %get3A_140 = arith.constant 0 : index
      %get3A_141 = vector.load %arg19[%get3A_139, %get3A_140] : memref<1x3xf32, #tpu.memory_space<vmem>>, vector<1x3xf32>
      %add3A_142 = arith.addf %dot_general3A_138, %get3A_141 : vector<1x3xf32>
      %logistic3A_143 = arith.negf %add3A_142 : vector<1x3xf32>
      %logistic3A_144 = math.exp %logistic3A_143 : vector<1x3xf32>
      %logistic3A_145 = arith.constant 1.000000e+00 : f32
      %logistic3A_146 = vector.broadcast %logistic3A_145 : f32 to vector<1x3xf32>
      %logistic3A_147 = arith.addf %logistic3A_146, %logistic3A_144 : vector<1x3xf32>
      %logistic3A_148 = arith.divf %logistic3A_146, %logistic3A_147 : vector<1x3xf32>
      %swap3A_149 = arith.constant 0 : index
      %swap3A_150 = arith.constant 0 : index
      %swap3A_151 = vector.load %arg29[%swap3A_149, %swap3A_150] : memref<1x3xf32, #tpu.memory_space<vmem>>, vector<1x3xf32>
      tpu.vector_store %arg29[%swap3A_149, %swap3A_150], %logistic3A_148 {strides = array<i32>} : memref<1x3xf32, #tpu.memory_space<vmem>>, vector<1x3xf32>,
      %get3A_152 = arith.constant 0 : index
      %get3A_153 = arith.constant 0 : index
      %get3A_154 = vector.load %arg20[%get3A_152, %get3A_153] : memref<512x256xf32, #tpu.memory_space<vmem>>, vector<512x256xf32>
      %dot_general3A_155 = arith.constant dense<0.000000e+00> : vector<1x256xf32>
      %dot_general3A_156 = tpu.matmul %add3A_119, %get3A_154, %dot_general3A_155 {dimension_numbers = #tpu.dot_dimension_numbers<[1], [0], [0], [1], [0, 0, 1, 1], [], []>, transpose_lhs_hint = false} : vector<1x512xf32>, vector<512x256xf32>, vector<1x256xf32> -> vector<1x256xf32>
      %get3A_157 = arith.constant 0 : index
      %get3A_158 = arith.constant 0 : index
      %get3A_159 = vector.load %arg21[%get3A_157, %get3A_158] : memref<1x256xf32, #tpu.memory_space<vmem>>, vector<1x256xf32>
      %add3A_160 = arith.addf %dot_general3A_156, %get3A_159 : vector<1x256xf32>
      %max3A_161 = arith.constant 0.000000e+00 : f32
      %max3A_162 = vector.broadcast %max3A_161 : f32 to vector<1x256xf32>
      %max3A_163 = arith.maximumf %add3A_160, %max3A_162 : vector<1x256xf32>
      %get3A_164 = arith.constant 0 : index
      %get3A_165 = arith.constant 0 : index
      %get3A_166 = vector.load %arg22[%get3A_164, %get3A_165] : memref<256x1xf32, #tpu.memory_space<vmem>>, vector<256x1xf32>
      %dot_general3A_167 = arith.constant dense<0.000000e+00> : vector<1x1xf32>
      %dot_general3A_168 = tpu.matmul %max3A_163, %get3A_166, %dot_general3A_167 {dimension_numbers = #tpu.dot_dimension_numbers<[1], [0], [0], [1], [0, 0, 1, 1], [], []>, transpose_lhs_hint = false} : vector<1x256xf32>, vector<256x1xf32>, vector<1x1xf32> -> vector<1x1xf32>
      %get3A_169 = arith.constant 0 : index
      %get3A_170 = arith.constant 0 : index
      %get3A_171 = vector.load %arg23[%get3A_169, %get3A_170] : memref<1x1xf32, #tpu.memory_space<vmem>>, vector<1x1xf32>
      %add3A_172 = arith.addf %dot_general3A_168, %get3A_171 : vector<1x1xf32>
      %swap3A_173 = arith.constant 0 : index
      %swap3A_174 = arith.constant 0 : index
      %swap3A_175 = vector.load %arg30[%swap3A_173, %swap3A_174] : memref<1x1xf32, #tpu.memory_space<vmem>>, vector<1x1xf32>
      tpu.vector_store %arg30[%swap3A_173, %swap3A_174], %add3A_172 {strides = array<i32>} : memref<1x1xf32, #tpu.memory_space<vmem>>, vector<1x1xf32>,
      %get3A_176 = arith.constant 0 : index
      %get3A_177 = arith.constant 0 : index
      %get3A_178 = vector.load %arg24[%get3A_176, %get3A_177] : memref<512x256xf32, #tpu.memory_space<vmem>>, vector<512x256xf32>
      %dot_general3A_179 = arith.constant dense<0.000000e+00> : vector<1x256xf32>
      %dot_general3A_180 = tpu.matmul %add3A_119, %get3A_178, %dot_general3A_179 {dimension_numbers = #tpu.dot_dimension_numbers<[1], [0], [0], [1], [0, 0, 1, 1], [], []>, transpose_lhs_hint = false} : vector<1x512xf32>, vector<512x256xf32>, vector<1x256xf32> -> vector<1x256xf32>
      %get3A_181 = arith.constant 0 : index
      %get3A_182 = arith.constant 0 : index
      %get3A_183 = vector.load %arg25[%get3A_181, %get3A_182] : memref<1x256xf32, #tpu.memory_space<vmem>>, vector<1x256xf32>
      %add3A_184 = arith.addf %dot_general3A_180, %get3A_183 : vector<1x256xf32>
      %max3A_185 = arith.constant 0.000000e+00 : f32
      %max3A_186 = vector.broadcast %max3A_185 : f32 to vector<1x256xf32>
      %max3A_187 = arith.maximumf %add3A_184, %max3A_186 : vector<1x256xf32>
      %get3A_188 = arith.constant 0 : index
      %get3A_189 = arith.constant 0 : index
      %get3A_190 = vector.load %arg26[%get3A_188, %get3A_189] : memref<256x1xf32, #tpu.memory_space<vmem>>, vector<256x1xf32>
      %dot_general3A_191 = arith.constant dense<0.000000e+00> : vector<1x1xf32>
      %dot_general3A_192 = tpu.matmul %max3A_187, %get3A_190, %dot_general3A_191 {dimension_numbers = #tpu.dot_dimension_numbers<[1], [0], [0], [1], [0, 0, 1, 1], [], []>, transpose_lhs_hint = false} : vector<1x256xf32>, vector<256x1xf32>, vector<1x1xf32> -> vector<1x1xf32>
      %get3A_193 = arith.constant 0 : index
      %get3A_194 = arith.constant 0 : index
      %get3A_195 = vector.load %arg27[%get3A_193, %get3A_194] : memref<1x1xf32, #tpu.memory_space<vmem>>, vector<1x1xf32>
      %add3A_196 = arith.addf %dot_general3A_192, %get3A_195 : vector<1x1xf32>
      %logistic3A_197 = arith.negf %add3A_196 : vector<1x1xf32>
      %logistic3A_198 = math.exp %logistic3A_197 : vector<1x1xf32>
      %logistic3A_199 = arith.constant 1.000000e+00 : f32
      %logistic3A_200 = vector.broadcast %logistic3A_199 : f32 to vector<1x1xf32>
      %logistic3A_201 = arith.addf %logistic3A_200, %logistic3A_198 : vector<1x1xf32>
      %logistic3A_202 = arith.divf %logistic3A_200, %logistic3A_201 : vector<1x1xf32>
      %swap3A_203 = arith.constant 0 : index
      %swap3A_204 = arith.constant 0 : index
      %swap3A_205 = vector.load %arg31[%swap3A_203, %swap3A_204] : memref<1x1xf32, #tpu.memory_space<vmem>>, vector<1x1xf32>
      tpu.vector_store %arg31[%swap3A_203, %swap3A_204], %logistic3A_202 {strides = array<i32>} : memref<1x1xf32, #tpu.memory_space<vmem>>, vector<1x1xf32>,
    } else {
    }
    return
  }
  func.func @transform_0(%arg0: i32) -> (i32, i32, i32) {
    %c0_i32 = arith.constant 0 : i32
    %c0_i32_0 = arith.constant 0 : i32
    %c0_i32_1 = arith.constant 0 : i32
    return %c0_i32, %arg0, %c0_i32_0 : i32, i32, i32
  }
  func.func @transform_1(%arg0: i32) -> (i32, i32) {
    %c0_i32 = arith.constant 0 : i32
    %c0_i32_0 = arith.constant 0 : i32
    return %arg0, %c0_i32 : i32, i32
  }
  func.func @transform_2(%arg0: i32) -> (i32, i32) {
    %c0_i32 = arith.constant 0 : i32
    %c0_i32_0 = arith.constant 0 : i32
    %c0_i32_1 = arith.constant 0 : i32
    return %c0_i32, %c0_i32_0 : i32, i32
  }
  func.func @transform_3(%arg0: i32) -> (i32, i32) {
    %c0_i32 = arith.constant 0 : i32
    %c0_i32_0 = arith.constant 0 : i32
    %c0_i32_1 = arith.constant 0 : i32
    return %c0_i32, %c0_i32_0 : i32, i32
  }
  func.func @transform_4(%arg0: i32) -> (i32, i32) {
    %c0_i32 = arith.constant 0 : i32
    %c0_i32_0 = arith.constant 0 : i32
    %c0_i32_1 = arith.constant 0 : i32
    return %c0_i32, %c0_i32_0 : i32, i32
  }
  func.func @transform_5(%arg0: i32) -> (i32, i32) {
    %c0_i32 = arith.constant 0 : i32
    %c0_i32_0 = arith.constant 0 : i32
    %c0_i32_1 = arith.constant 0 : i32
    return %c0_i32, %c0_i32_0 : i32, i32
  }
  func.func @transform_6(%arg0: i32) -> (i32, i32) {
    %c0_i32 = arith.constant 0 : i32
    %c0_i32_0 = arith.constant 0 : i32
    %c0_i32_1 = arith.constant 0 : i32
    return %c0_i32, %c0_i32_0 : i32, i32
  }
  func.func @transform_7(%arg0: i32) -> (i32, i32) {
    %c0_i32 = arith.constant 0 : i32
    %c0_i32_0 = arith.constant 0 : i32
    %c0_i32_1 = arith.constant 0 : i32
    return %c0_i32, %c0_i32_0 : i32, i32
  }
  func.func @transform_8(%arg0: i32) -> (i32, i32) {
    %c0_i32 = arith.constant 0 : i32
    %c0_i32_0 = arith.constant 0 : i32
    %c0_i32_1 = arith.constant 0 : i32
    return %c0_i32, %c0_i32_0 : i32, i32
  }
  func.func @transform_9(%arg0: i32) -> (i32, i32) {
    %c0_i32 = arith.constant 0 : i32
    %c0_i32_0 = arith.constant 0 : i32
    %c0_i32_1 = arith.constant 0 : i32
    return %c0_i32, %c0_i32_0 : i32, i32
  }
  func.func @transform_10(%arg0: i32) -> (i32, i32) {
    %c0_i32 = arith.constant 0 : i32
    %c0_i32_0 = arith.constant 0 : i32
    %c0_i32_1 = arith.constant 0 : i32
    return %c0_i32, %c0_i32_0 : i32, i32
  }
  func.func @transform_11(%arg0: i32) -> (i32, i32) {
    %c0_i32 = arith.constant 0 : i32
    %c0_i32_0 = arith.constant 0 : i32
    %c0_i32_1 = arith.constant 0 : i32
    return %c0_i32, %c0_i32_0 : i32, i32
  }
  func.func @transform_12(%arg0: i32) -> (i32, i32) {
    %c0_i32 = arith.constant 0 : i32
    %c0_i32_0 = arith.constant 0 : i32
    %c0_i32_1 = arith.constant 0 : i32
    return %c0_i32, %c0_i32_0 : i32, i32
  }
  func.func @transform_13(%arg0: i32) -> (i32, i32) {
    %c0_i32 = arith.constant 0 : i32
    %c0_i32_0 = arith.constant 0 : i32
    %c0_i32_1 = arith.constant 0 : i32
    return %c0_i32, %c0_i32_0 : i32, i32
  }
  func.func @transform_14(%arg0: i32) -> (i32, i32) {
    %c0_i32 = arith.constant 0 : i32
    %c0_i32_0 = arith.constant 0 : i32
    %c0_i32_1 = arith.constant 0 : i32
    return %c0_i32, %c0_i32_0 : i32, i32
  }
  func.func @transform_15(%arg0: i32) -> (i32, i32) {
    %c0_i32 = arith.constant 0 : i32
    %c0_i32_0 = arith.constant 0 : i32
    %c0_i32_1 = arith.constant 0 : i32
    return %c0_i32, %c0_i32_0 : i32, i32
  }
  func.func @transform_16(%arg0: i32) -> (i32, i32) {
    %c0_i32 = arith.constant 0 : i32
    %c0_i32_0 = arith.constant 0 : i32
    %c0_i32_1 = arith.constant 0 : i32
    return %c0_i32, %c0_i32_0 : i32, i32
  }
  func.func @transform_17(%arg0: i32) -> (i32, i32) {
    %c0_i32 = arith.constant 0 : i32
    %c0_i32_0 = arith.constant 0 : i32
    %c0_i32_1 = arith.constant 0 : i32
    return %c0_i32, %c0_i32_0 : i32, i32
  }
  func.func @transform_18(%arg0: i32) -> (i32, i32) {
    %c0_i32 = arith.constant 0 : i32
    %c0_i32_0 = arith.constant 0 : i32
    %c0_i32_1 = arith.constant 0 : i32
    return %c0_i32, %c0_i32_0 : i32, i32
  }
  func.func @transform_19(%arg0: i32) -> (i32, i32) {
    %c0_i32 = arith.constant 0 : i32
    %c0_i32_0 = arith.constant 0 : i32
    %c0_i32_1 = arith.constant 0 : i32
    return %c0_i32, %c0_i32_0 : i32, i32
  }
  func.func @transform_20(%arg0: i32) -> (i32, i32) {
    %c0_i32 = arith.constant 0 : i32
    %c0_i32_0 = arith.constant 0 : i32
    %c0_i32_1 = arith.constant 0 : i32
    return %c0_i32, %c0_i32_0 : i32, i32
  }
  func.func @transform_21(%arg0: i32) -> (i32, i32) {
    %c0_i32 = arith.constant 0 : i32
    %c0_i32_0 = arith.constant 0 : i32
    %c0_i32_1 = arith.constant 0 : i32
    return %c0_i32, %c0_i32_0 : i32, i32
  }
  func.func @transform_22(%arg0: i32) -> (i32, i32) {
    %c0_i32 = arith.constant 0 : i32
    %c0_i32_0 = arith.constant 0 : i32
    %c0_i32_1 = arith.constant 0 : i32
    return %c0_i32, %c0_i32_0 : i32, i32
  }
  func.func @transform_23(%arg0: i32) -> (i32, i32) {
    %c0_i32 = arith.constant 0 : i32
    %c0_i32_0 = arith.constant 0 : i32
    %c0_i32_1 = arith.constant 0 : i32
    return %c0_i32, %c0_i32_0 : i32, i32
  }
  func.func @transform_24(%arg0: i32) -> (i32, i32) {
    %c0_i32 = arith.constant 0 : i32
    %c0_i32_0 = arith.constant 0 : i32
    %c0_i32_1 = arith.constant 0 : i32
    return %c0_i32, %c0_i32_0 : i32, i32
  }
  func.func @transform_25(%arg0: i32) -> (i32, i32) {
    %c0_i32 = arith.constant 0 : i32
    %c0_i32_0 = arith.constant 0 : i32
    %c0_i32_1 = arith.constant 0 : i32
    return %c0_i32, %c0_i32_0 : i32, i32
  }
  func.func @transform_26(%arg0: i32) -> (i32, i32) {
    %c0_i32 = arith.constant 0 : i32
    %c0_i32_0 = arith.constant 0 : i32
    %c0_i32_1 = arith.constant 0 : i32
    return %c0_i32, %c0_i32_0 : i32, i32
  }
  func.func @transform_27(%arg0: i32) -> (i32, i32) {
    %c0_i32 = arith.constant 0 : i32
    %c0_i32_0 = arith.constant 0 : i32
    %c0_i32_1 = arith.constant 0 : i32
    return %c0_i32, %c0_i32_0 : i32, i32
  }
  func.func @transform_28(%arg0: i32) -> (i32, i32) {
    %c0_i32 = arith.constant 0 : i32
    %c0_i32_0 = arith.constant 0 : i32
    %c0_i32_1 = arith.constant 0 : i32
    return %c0_i32, %c0_i32_0 : i32, i32
  }
  func.func @transform_29(%arg0: i32) -> (i32, i32) {
    %c0_i32 = arith.constant 0 : i32
    %c0_i32_0 = arith.constant 0 : i32
    %c0_i32_1 = arith.constant 0 : i32
    return %c0_i32, %c0_i32_0 : i32, i32
  }
  func.func @transform_30(%arg0: i32) -> (i32, i32) {
    %c0_i32 = arith.constant 0 : i32
    %c0_i32_0 = arith.constant 0 : i32
    %c0_i32_1 = arith.constant 0 : i32
    return %c0_i32, %c0_i32_0 : i32, i32
  }
}

</mosaic_0001>

<sc_bundles>
// kernel: kernel.14.cloned.1.call-start
scs
__scs_entry_jumppad:
0x0: {  	(pc) =	sbr.rel $0x88, $3  }
0x1: {  	(tag) =	ssettag $0x0;
	lr =	simm.s32 $0x1  }
0x2: {  	[smem:$0x3F81] =	sst lr;
	_ =	strace $0xD0000000  }
0x3: {  	_ = 	snop  }
0x4: {  	_ = 	snop  }
0x5: {  	_ = 	snop  }
0x6: {  	_ = 	snop  }
0x7: {  	_ = 	snop  }
__scs_overlays_trampoline_lowered:
0x8: {  	[smem:$0x3F90] =	sst s0  }
0x9: {  	[smem:$0x3F91] =	sst s1  }
0xa: {  	[smem:$0x3F92] =	sst s2  }
0xb: {  	[smem:$0x3F93] =	sst s3  }
0xc: {  	[smem:$0x3F94] =	sst s4  }
0xd: {  	[smem:$0x3F95] =	sst s5  }
0xe: {  	[smem:$0x3F96] =	sst s6  }
0xf: {  	[smem:$0x3F97] =	sst s7  }
0x10: {  	[smem:$0x3F98] =	sst s8  }
0x11: {  	[smem:$0x3F99] =	sst s9;
	s0 =	simm.s32 @!p0 $0x0  }
0x12: {  	s1 =	sld [smem:$0x3F7F];
	s0 =	simm.s32 @p0 $0x1  }
0x13: {  	[smem:$0x3F9A] =	sst s0;
	s0 =	simm.s32 @!p1 $0x0  }
0x14: {  	s2 =	sld [smem:$0x3F7E];
	s0 =	simm.s32 @p1 $0x1  }
0x15: {  	[smem:$0x3F9B] =	sst s0;
	s0 =	simm.s32 @!p2 $0x0  }
0x16: {  	s3 =	sld [smem:$0x3FDB];
	s0 =	simm.s32 @p2 $0x1  }
0x17: {  	s4 =	simm.s32 $0x1BF5;
	[smem:$0x3F9D] =	sst s0  }
0x18: {  	s0 =	sld [smem:$0x3F80];
	_ =	swait.ge [sflag:s4], $0x0  }
0x19: {  	s7 =	sld [smem:$0x3F81]  }
0x1a: {  	s8 =	sadd.s32 $0xFFFFE003, lr  }
0x1b: {  	s9 =	sadd.s32 $0xFFFFFEF7, lr;
	s5 =	simm.s32 $0xFFFFFFFF;
	p2 =	slt.u32 s8, $0xFFFFF086  }
0x1c: {  	p1 =	slt.u32 s9, $0xF7A;
	s5 =	simm.s32 @!p2 $0x0  }
0x1d: {  	s5 =	simm.s32 @p1 $0x1;
	p0 =	seq.s32 s7, s2  }
0x1e: {  	s7 =	smul.u32 @!p0 $0xF7A, s2;
	p2 =	seq.s32 @!p0 s5, $0x0  }
0x1f: {  	s9 =	smul.u32 $0xF7A, s1;
	s8 =	simm.s32 @!p0 $0x1BF5;
	p2 =	por !p2, p0  }
0x20: {  	[sflag:s8] =	ssyncset.s32 @!p0 $0xFFFFF086;
	s6 =	sadd.s32 @!p0 s3, s7;
	s7 =	simm.s32 @!p0 $0x108  }
0x21: {  	s3 =	sadd.s32 s3, s9;
	s6 =	sadd.s32 @!p0 $0x88, s6;
	s7 =	simm.s32 @p2 $0x1082  }
0x22: {  	[simem:s7], [sflag:s8] =	dma.local @!p0 [hbm:s6], $0xF7A  }
0x23: {  	s9 =	sor.u32 $0xD0000000, s2;
	s6 =	simm.s32 $0x108;
	_ =	swait.ge @!p0 [sflag:s8], $0x0  }
0x24: {  	s3 =	sadd.s32 $0x88, s3;
	s6 =	simm.s32 @!p1 $0x1082;
	[sflag:s4] =	ssyncset.s32 $0xFFFFF086  }
0x25: {  	[simem:s6], [sflag:s4] =	dma.local [hbm:s3], $0xF7A  }
0x26: {  	[smem:$0x3F81] =	sst s1;
	(tag) =	ssettag s2;
	_ =	strace s9  }
0x27: {  	s1 =	sld [smem:$0x3F91]  }
0x28: {  	s2 =	sld [smem:$0x3F92]  }
0x29: {  	s4 =	sld [smem:$0x3F94]  }
0x2a: {  	p0 =	seq.s32 s5, $0x0;
	s5 =	sld [smem:$0x3F95]  }
0x2b: {  	s6 =	sld [smem:$0x3F96]  }
0x2c: {  	s7 =	sld [smem:$0x3F97]  }
0x2d: {  	s3 =	simm.s32 $0x108;
	s8 =	sld [smem:$0x3F98]  }
0x2e: {  	s3 =	simm.s32 @!p0 $0x1082;
	s9 =	sld [smem:$0x3F99]  }
0x2f: {  	lr =	sadd.s32 s0, s3;
	s0 =	sld [smem:$0x3F90]  }
0x30: {  	s3 =	sld [smem:$0x3F93]  }
0x31: {  	[smem:$0x3F9C] =	sst s10  }
0x32: {  	s10 =	sld [smem:$0x3F9A];
	_ =	sdelay $0x3  }
0x33: {  	p0 =	seq.s32 s10, $0x1;
	s10 =	sld [smem:$0x3F9C];
	_ =	sdelay $0x3  }
0x34: {  	[smem:$0x3F9C] =	sst s10  }
0x35: {  	s10 =	sld [smem:$0x3F9B];
	_ =	sdelay $0x3  }
0x36: {  	p1 =	seq.s32 s10, $0x1;
	s10 =	sld [smem:$0x3F9C];
	_ =	sdelay $0x3  }
0x37: {  	[smem:$0x3F9C] =	sst s10  }
0x38: {  	s10 =	sld [smem:$0x3F9D]  }
0x39: {  	_ = 	snop;
	(pc) =	sbr.ind lr, $3  }
0x3a: {  	_ = 	snop  }
0x3b: {  	_ = 	snop  }
0x3c: {  	p2 =	seq.s32 s10, $0x1;
	s10 =	sld [smem:$0x3F9C]  }
0x3d: {  	_ =	shalt  }
0x3e: {  	_ =	shalt  }
0x3f: {  	_ =	shalt  }
0x40: {  	_ =	shalt  }
0x41: {  	_ =	shalt  }
0x42: {  	_ =	shalt  }
0x43: {  	_ =	shalt  }
0x44: {  	_ =	shalt  }
0x45: {  	_ =	shalt  }
0x46: {  	_ =	shalt  }
0x47: {  	_ =	shalt  }
0x48: {  	_ =	shalt  }
0x49: {  	_ =	shalt  }
0x4a: {  	_ =	shalt  }
0x4b: {  	_ =	shalt  }
0x4c: {  	_ =	shalt  }
0x4d: {  	_ =	shalt  }
0x4e: {  	_ =	shalt  }
0x4f: {  	_ =	shalt  }
0x50: {  	_ =	shalt  }
0x51: {  	_ =	shalt  }
0x52: {  	_ =	shalt  }
0x53: {  	_ =	shalt  }
0x54: {  	_ =	shalt  }
0x55: {  	_ =	shalt  }
0x56: {  	_ =	shalt  }
0x57: {  	_ =	shalt  }
0x58: {  	_ =	shalt  }
0x59: {  	_ =	shalt  }
0x5a: {  	_ =	shalt  }
0x5b: {  	_ =	shalt  }
0x5c: {  	_ =	shalt  }
0x5d: {  	_ =	shalt  }
0x5e: {  	_ =	shalt  }
0x5f: {  	_ =	shalt  }
0x60: {  	_ =	shalt  }
0x61: {  	_ =	shalt  }
0x62: {  	_ =	shalt  }
0x63: {  	_ =	shalt  }
0x64: {  	_ =	shalt  }
0x65: {  	_ =	shalt  }
0x66: {  	_ =	shalt  }
0x67: {  	_ =	shalt  }
0x68: {  	_ =	shalt  }
0x69: {  	_ =	shalt  }
0x6a: {  	_ =	shalt  }
0x6b: {  	_ =	shalt  }
0x6c: {  	_ =	shalt  }
0x6d: {  	_ =	shalt  }
0x6e: {  	_ =	shalt  }
0x6f: {  	_ =	shalt  }
0x70: {  	_ =	shalt  }
0x71: {  	_ =	shalt  }
0x72: {  	_ =	shalt  }
0x73: {  	_ =	shalt  }
0x74: {  	_ =	shalt  }
0x75: {  	_ =	shalt  }
0x76: {  	_ =	shalt  }
0x77: {  	_ =	shalt  }
0x78: {  	_ =	shalt  }
0x79: {  	_ =	shalt  }
0x7a: {  	_ =	shalt  }
0x7b: {  	_ =	shalt  }
0x7c: {  	_ =	shalt  }
0x7d: {  	_ =	shalt  }
0x7e: {  	_ =	shalt  }
0x7f: {  	_ =	shalt  }
0x80: {  	_ =	shalt  }
0x81: {  	_ =	shalt  }
0x82: {  	_ =	shalt  }
0x83: {  	_ =	shalt  }
0x84: {  	_ =	shalt  }
0x85: {  	_ =	shalt  }
0x86: {  	_ =	shalt  }
0x87: {  	_ =	shalt  }
.Lfunc_end0:
.L_simem_size_0:
called_computation_lowered:
.L_overlay_start_0:
0x88: {  	s2 =	sld [smem:$0x3FD9]  }
0x89: {  	s3 =	sld [smem:$0x3FFE];
	_ =	sdelay $0x1  }
0x8a: {  	s1 =	srdreg.scid  }
0x8b: {  	s0 =	sand.u32 $0x1, s1  }
0x8c: {  	s16 =	sshll.u32 s0, $0xA;
	s2 =	sadd.s32 s3, s2  }
0x8d: {  	s2 =	sadd.s32 s2, s16  }
0x8e: {  	[smem:$0x3FA8] =	sst s2  }
0x8f: {  	_ = 	snop  }
0x90: {  	(tm) =	ssettm $0x1  }
0x91: {  	s17 =	sld [smem:$0x3FFB];
	_ =	sdelay $0x3  }
0x92: {  	_ =	strace s17  }
0x93: {  	s2 =	sld [smem:$0x3FFC];
	_ =	sdelay $0x3  }
0x94: {  	_ =	strace s2  }
0x95: {  	s2 =	sld [smem:$0x3FFD];
	_ =	sdelay $0x3  }
0x96: {  	_ =	strace s2  }
0x97: {  	_ =	strace $0x8FFFFFFF  }
0x98: {  	s18 =	sld [smem:$0x3FDB];
	_ =	sdelay $0x1  }
0x99: {  	s19 =	simm.s32 $_scs_section_size  }
0x9a: {  	s4 =	simm.s32 $_size__tile_overlayer_lowered;
	s5 =	simm.s32 $_tile_overlayer_lowered  }
0x9b: {  	s22 =	simm.s32 $0x1BFF;
	s21 =	sshll.u32 s5, $0x1;
	s2 =	sadd.s32 s19, s18  }
0x9c: {  	s6 =	simm.s32 $0x0;
	s20 =	sshll.u32 s4, $0x1;
	s4 =	sadd.s32 s21, s2  }
0x9d: {  	[timem:s6], [sflag:s22] =	dma.local [hbm:s4], s20  }
0x9e: {  	_ =	swait.ge [sflag:s22], s20  }
0x9f: {  	s3 =	ssub.s32 $0x0, s20;
	[sflag:s22] =	ssyncset.done $0x0  }
0xa0: {  	[sflag:s22] =	ssyncadd.s32 s3;
	_ =	sdelay $0x1  }
0xa1: {  	s23 =	simm.s32 $0x1B8B  }
0xa2: {  	_ =	swait.ge [sflag:s23], $0x1  }
0xa3: {  	[sflag:s23] =	ssyncset.done $0x0  }
0xa4: {  	s25 =	simm.s32 $0x1B8E;
	s24 =	sld [smem:$0x3FFE];
	[sflag:s23] =	ssyncadd.s32 $0xFFFFFFFF  }
0xa5: {  	s26 =	simm.s32 $execute0_lowered;
	[smem:$0x3FD2] =	sst s25  }
0xa6: {  	s4 =	sshll.u32 s26, $0x1;
	_ =	strace $0x80000046;
	[dreg:$0x1] =	wrdreg $0xFFFFFFFF  }
0xa7: {  	s28 =	simm.s32 $_size_execute0_lowered;
	s2 =	sadd.s32 s2, s4;
	[dreg:$0x0] =	wrdreg $0x0  }
0xa8: {  	s4 =	sshll.u32 s28, $0x1;
	[dreg:$0x2] =	wrdreg s2  }
0xa9: {  	[dreg:$0x3] =	wrdreg s4  }
0xaa: {  	[dreg:$0x4] =	wrdreg $0xC0  }
0xab: {  	_ =	task [dreg:s6], $0x5FFFF  }
0xac: {  	[dreg:$0x1] =	wrdreg $0xFFFFFFFF  }
0xad: {  	[dreg:$0x0] =	wrdreg $0x60  }
0xae: {  	[dreg:$0x2] =	wrdreg s24  }
0xaf: {  	[dreg:$0x3] =	wrdreg $0x9  }
0xb0: {  	_ =	task.clear_ibuf [dreg:s6], $0x4FFFF;
	_ =	strace $0x90000046  }
0xb1: {  	s29 =	simm.s32 $0x9;
	_ =	strace $0x80000048  }
0xb2: {  	_ =	swait.ge [sflag:s29], $0x1  }
0xb3: {  	[sflag:s29] =	ssyncadd.s32 $0xFFFFFFFF  }
0xb4: {  	_ =	strace $0x90000048  }
0xb5: {  	_ =	sfence  }
0xb6: {  	s30 =	sld [smem:$0x0];
	_ =	sdelay $0x2  }
0xb7: {  	s31 =	sshll.u32 s1, $0xD;
	s1 =	sshrl.u32 s1, $0x2  }
0xb8: {  	s3 =	sand.u32 $0x4000, s31;
	s1 =	sadd.s32 s1, s30  }
0xb9: {  	s0 =	sor.u32 s3, s0;
	s1 =	sshll.u32 s1, $0x11  }
0xba: {  	s0 =	sor.u32 s1, s0  }
0xbb: {  	s0 =	sadd.s32 $0x8F2B, s0  }
0xbc: {  	[sflag:s0] =	ssyncadd.remote.s32 $0x1  }
0xbd: {  	_ =	sfence.sel $0xFFFF  }
0xbe: {  	[dreg:$0x0] =	wrdreg $0xFFFFFFFF;
	(pc) =	sbr.abs _section_cstart, $3  }
0xbf: {  	[dreg:$0x1] =	wrdreg $0xFFFFFFFF  }
0xc0: {  	_ =	task.clear_ibuf [dreg:s6], $0x2FFFF;
	_ =	strace $0x9FFFFFFF  }
0xc1: {  	(tm) =	ssettm $0x7FFFFFFF  }
tec
execute0_lowered:
.L_overlay_start_1:
0x0: {  	(tag) =	ssettag $0x1  }
0x1: {  	s4 =	rddreg [dreg:$0x0]  }
0x2: {  	s0 =	rddreg [dreg:$0x1];
	s2 =	srdreg.scid  }
0x3: {  	s1 =	stileid.u32;
	s9 =	simm.s32 $0x80;
	s10 =	simm.s32 $0x400  }
0x4: {  	s11 =	simm.s32 $0x0;
	s3 =	sand.u32 $0x1, s2;
	s5 =	sshrl.u32 s1, $0x2  }
0x5: {  	s28 =	sshll.u32 s1, $0x8;
	s2 =	simm.s32 $0x0;
	s8 =	smul.u32 $0xA000, s5  }
0x6: {  	s6 =	sshll.u32 s3, $0x7;
	s7 =	sand.u32 $0x300, s28;
	s5 =	smul.u32 $0x14000, s5  }
0x7: {  	[smem:$0x7FF] =	sst s2;
	s30 =	ssub.s32 $0x2, s3;
	s6 =	sor.u32 s6, s7  }
0x8: {  	s3 =	sadd.s32 $0xAA00, s4;
	_ =	strace $0x80000047;
	s7 =	sor.u32 s8, s6  }
0x9: {  	s31 =	sshrl.u32 s30, $0x1;
	s5 =	sor.u32 s5, s6;
	s7 =	sshrl.u32 s7, $0x3  }
0xa: {  	s8 =	simm.s32 $0x1;
	s5 =	sshrl.u32 s5, $0x3;
	s29 =	sadd.s32 s7, s4  }
0xb: {  	s5 =	sadd.s32 s5, s4;
	s7 =	ssub.s32 s30, s31;
	s4 =	sadd.s32 $0x5A00, s29  }
0xc: {  	v0 =	vimm.f32 $1.000000000e+00;
	s5 =	sadd.s32 $0xB000, s5;
	s6 =	smax.u32 s7, $0x1;
	s7 =	simm.s32 $0x1400  }
.LBB2_1:
0xd: {  	[tilespmem:s7], [sflag:$0x1] =	stream.linear.gather [hbm4b:s3+s2], $0x2800, $0x38;
	[tilespmem:$0x3C00] =	vst v63  }
0xe: {  	_ =	swait.ge [sflag:s8], $0x2800  }
0xf: {  	[sflag:s8] =	ssyncset.done $0x0  }
0x10: {  	[sflag:s8] =	ssyncadd.s32 $0xFFFFD800  }
0x11: {  	[tilespmem:s2], [sflag:$0x1] =	stream.strided.gather [hbm4b:s4+s9], $0x1400, s10, s9, $0x38;
	[tilespmem:$0x3C00] =	vst v63  }
0x12: {  	_ =	swait.ge [sflag:s8], $0x1400  }
0x13: {  	[sflag:s8] =	ssyncset.done $0x0  }
0x14: {  	s13 =	simm.s32 $0x0;
	s12 =	simm.s32 $0x40;
	[sflag:s8] =	ssyncadd.s32 $0xFFFFEC00  }
.LBB2_2:
0x15: {  	p0 =	sne.s32 s12, $0x4FC0;
	v1 =	vld [tilespmem:s13+$0x0];
	_ =	sdelay $0x3  }
.Ltmp0:
0x16: {  	(pc) =	sbr.rel @p0 .LBB2_2-.Ltmp0, $2  }
0x17: {  	_ =	sdelay $0x2  }
0x18: {  	s13 =	sshra.s32 s12, $0x2;
	s12 =	sadd.s32 $0x40, s12;
	[tilespmem:v1+s7+$0x0] =	vst.idx.add.f32.msk $0xffff, v0  }
0x19: {  	v1 =	vld [tilespmem:s13+$0x0];
	_ =	sdelay $0x5  }
0x1a: {  	s11 =	sadd.s32 $0x1, s11  }
0x1b: {  	p0 =	sne.s32 s11, s6  }
.Ltmp1:
0x1c: {  	[tilespmem:v1+s7+$0x0] =	vst.idx.add.f32.msk $0xffff, v0;
	(pc) =	sbr.rel @p0 .LBB2_1-.Ltmp1, $4  }
0x1d: {  	[hbm4b:s5+s9] =	stream.strided.scatter [tilespmem:s7], [sflag:$0x1], $0x2800, s10, s9, $0x38;
	[tilespmem:$0x3C00] =	vst v63  }
0x1e: {  	_ =	swait.ge [sflag:s8], $0x2800  }
0x1f: {  	[sflag:s8] =	ssyncset.done $0x0  }
0x20: {  	[sflag:s8] =	ssyncadd.s32 $0xFFFFD800  }
0x21: {  	_ =	sfence.sel $0x180000  }
0x22: {  	[bflag:$0x0] =	sbarrier.arrive $0xFFFF  }
0x23: {  	p0 =	sne.s32 s1, $0x0;
	_ =	strace $0x90000047  }
0x24: {  	s0 =	sadd.s32 @!p0 $0x100000, s0;
	[bflag:$0x2] =	sbarrier.arrive $0xFFFF  }
0x25: {  	[sflag:s0] =	ssyncadd.tile.s32 @!p0 $0x1;
	_ =	shalt  }
.Lfunc_end2:
_tile_overlayer_lowered:
.L_overlay_start_2:
0x26: {  	(tag) =	ssettag $0x2  }
0x27: {  	s0 =	rddreg [dreg:$0x0];
	s2 =	stileid.u32  }
0x28: {  	s1 =	rddreg [dreg:$0x1];
	p0 =	sne.s32 s2, $0x0  }
0x29: {  	s3 =	rddreg [dreg:$0x2];
	[bflag:$0x3] =	sbarrier.arrive $0xFFFF;
	s2 =	simm.s32 @!p0 $0x1C01  }
0x2a: {  	[timem:s3], [sflag:s2] =	dma.local @!p0 [hbm:s0], s1  }
0x2b: {  	s0 =	simm.s32 @!p0 $0x1  }
0x2c: {  	_ =	swait.ge @!p0 [sflag:s0], s1  }
0x2d: {  	s1 =	ssub.s32 @!p0 $0x0, s1;
	[sflag:s0] =	ssyncset.done @!p0 $0x0  }
0x2e: {  	[sflag:s0] =	ssyncadd.s32 @!p0 s1  }
0x2f: {  	[bflag:$0x3] =	sbarrier.arrive $0xFFFF  }
0x30: {  	_ =	shalt  }

// kernel: kernel.17.cloned.1.call-start
scs
__scs_entry_jumppad:
0x0: {  	(pc) =	sbr.rel $0x88, $3  }
0x1: {  	(tag) =	ssettag $0x0;
	lr =	simm.s32 $0x1  }
0x2: {  	[smem:$0x3F81] =	sst lr;
	_ =	strace $0xD0000000  }
0x3: {  	_ = 	snop  }
0x4: {  	_ = 	snop  }
0x5: {  	_ = 	snop  }
0x6: {  	_ = 	snop  }
0x7: {  	_ = 	snop  }
__scs_overlays_trampoline_lowered:
0x8: {  	[smem:$0x3F90] =	sst s0  }
0x9: {  	[smem:$0x3F91] =	sst s1  }
0xa: {  	[smem:$0x3F92] =	sst s2  }
0xb: {  	[smem:$0x3F93] =	sst s3  }
0xc: {  	[smem:$0x3F94] =	sst s4  }
0xd: {  	[smem:$0x3F95] =	sst s5  }
0xe: {  	[smem:$0x3F96] =	sst s6  }
0xf: {  	[smem:$0x3F97] =	sst s7  }
0x10: {  	[smem:$0x3F98] =	sst s8  }
0x11: {  	[smem:$0x3F99] =	sst s9;
	s0 =	simm.s32 @!p0 $0x0  }
0x12: {  	s1 =	sld [smem:$0x3F7F];
	s0 =	simm.s32 @p0 $0x1  }
0x13: {  	[smem:$0x3F9A] =	sst s0;
	s0 =	simm.s32 @!p1 $0x0  }
0x14: {  	s2 =	sld [smem:$0x3F7E];
	s0 =	simm.s32 @p1 $0x1  }
0x15: {  	[smem:$0x3F9B] =	sst s0;
	s0 =	simm.s32 @!p2 $0x0  }
0x16: {  	s3 =	sld [smem:$0x3FDB];
	s0 =	simm.s32 @p2 $0x1  }
0x17: {  	s4 =	simm.s32 $0x1BF5;
	[smem:$0x3F9D] =	sst s0  }
0x18: {  	s0 =	sld [smem:$0x3F80];
	_ =	swait.ge [sflag:s4], $0x0  }
0x19: {  	s7 =	sld [smem:$0x3F81]  }
0x1a: {  	s8 =	sadd.s32 $0xFFFFE003, lr  }
0x1b: {  	s9 =	sadd.s32 $0xFFFFFEF7, lr;
	s5 =	simm.s32 $0xFFFFFFFF;
	p2 =	slt.u32 s8, $0xFFFFF086  }
0x1c: {  	p1 =	slt.u32 s9, $0xF7A;
	s5 =	simm.s32 @!p2 $0x0  }
0x1d: {  	s5 =	simm.s32 @p1 $0x1;
	p0 =	seq.s32 s7, s2  }
0x1e: {  	s7 =	smul.u32 @!p0 $0xF7A, s2;
	p2 =	seq.s32 @!p0 s5, $0x0  }
0x1f: {  	s9 =	smul.u32 $0xF7A, s1;
	s8 =	simm.s32 @!p0 $0x1BF5;
	p2 =	por !p2, p0  }
0x20: {  	[sflag:s8] =	ssyncset.s32 @!p0 $0xFFFFF086;
	s6 =	sadd.s32 @!p0 s3, s7;
	s7 =	simm.s32 @!p0 $0x108  }
0x21: {  	s3 =	sadd.s32 s3, s9;
	s6 =	sadd.s32 @!p0 $0x88, s6;
	s7 =	simm.s32 @p2 $0x1082  }
0x22: {  	[simem:s7], [sflag:s8] =	dma.local @!p0 [hbm:s6], $0xF7A  }
0x23: {  	s9 =	sor.u32 $0xD0000000, s2;
	s6 =	simm.s32 $0x108;
	_ =	swait.ge @!p0 [sflag:s8], $0x0  }
0x24: {  	s3 =	sadd.s32 $0x88, s3;
	s6 =	simm.s32 @!p1 $0x1082;
	[sflag:s4] =	ssyncset.s32 $0xFFFFF086  }
0x25: {  	[simem:s6], [sflag:s4] =	dma.local [hbm:s3], $0xF7A  }
0x26: {  	[smem:$0x3F81] =	sst s1;
	(tag) =	ssettag s2;
	_ =	strace s9  }
0x27: {  	s1 =	sld [smem:$0x3F91]  }
0x28: {  	s2 =	sld [smem:$0x3F92]  }
0x29: {  	s4 =	sld [smem:$0x3F94]  }
0x2a: {  	p0 =	seq.s32 s5, $0x0;
	s5 =	sld [smem:$0x3F95]  }
0x2b: {  	s6 =	sld [smem:$0x3F96]  }
0x2c: {  	s7 =	sld [smem:$0x3F97]  }
0x2d: {  	s3 =	simm.s32 $0x108;
	s8 =	sld [smem:$0x3F98]  }
0x2e: {  	s3 =	simm.s32 @!p0 $0x1082;
	s9 =	sld [smem:$0x3F99]  }
0x2f: {  	lr =	sadd.s32 s0, s3;
	s0 =	sld [smem:$0x3F90]  }
0x30: {  	s3 =	sld [smem:$0x3F93]  }
0x31: {  	[smem:$0x3F9C] =	sst s10  }
0x32: {  	s10 =	sld [smem:$0x3F9A];
	_ =	sdelay $0x3  }
0x33: {  	p0 =	seq.s32 s10, $0x1;
	s10 =	sld [smem:$0x3F9C];
	_ =	sdelay $0x3  }
0x34: {  	[smem:$0x3F9C] =	sst s10  }
0x35: {  	s10 =	sld [smem:$0x3F9B];
	_ =	sdelay $0x3  }
0x36: {  	p1 =	seq.s32 s10, $0x1;
	s10 =	sld [smem:$0x3F9C];
	_ =	sdelay $0x3  }
0x37: {  	[smem:$0x3F9C] =	sst s10  }
0x38: {  	s10 =	sld [smem:$0x3F9D]  }
0x39: {  	_ = 	snop;
	(pc) =	sbr.ind lr, $3  }
0x3a: {  	_ = 	snop  }
0x3b: {  	_ = 	snop  }
0x3c: {  	p2 =	seq.s32 s10, $0x1;
	s10 =	sld [smem:$0x3F9C]  }
0x3d: {  	_ =	shalt  }
0x3e: {  	_ =	shalt  }
0x3f: {  	_ =	shalt  }
0x40: {  	_ =	shalt  }
0x41: {  	_ =	shalt  }
0x42: {  	_ =	shalt  }
0x43: {  	_ =	shalt  }
0x44: {  	_ =	shalt  }
0x45: {  	_ =	shalt  }
0x46: {  	_ =	shalt  }
0x47: {  	_ =	shalt  }
0x48: {  	_ =	shalt  }
0x49: {  	_ =	shalt  }
0x4a: {  	_ =	shalt  }
0x4b: {  	_ =	shalt  }
0x4c: {  	_ =	shalt  }
0x4d: {  	_ =	shalt  }
0x4e: {  	_ =	shalt  }
0x4f: {  	_ =	shalt  }
0x50: {  	_ =	shalt  }
0x51: {  	_ =	shalt  }
0x52: {  	_ =	shalt  }
0x53: {  	_ =	shalt  }
0x54: {  	_ =	shalt  }
0x55: {  	_ =	shalt  }
0x56: {  	_ =	shalt  }
0x57: {  	_ =	shalt  }
0x58: {  	_ =	shalt  }
0x59: {  	_ =	shalt  }
0x5a: {  	_ =	shalt  }
0x5b: {  	_ =	shalt  }
0x5c: {  	_ =	shalt  }
0x5d: {  	_ =	shalt  }
0x5e: {  	_ =	shalt  }
0x5f: {  	_ =	shalt  }
0x60: {  	_ =	shalt  }
0x61: {  	_ =	shalt  }
0x62: {  	_ =	shalt  }
0x63: {  	_ =	shalt  }
0x64: {  	_ =	shalt  }
0x65: {  	_ =	shalt  }
0x66: {  	_ =	shalt  }
0x67: {  	_ =	shalt  }
0x68: {  	_ =	shalt  }
0x69: {  	_ =	shalt  }
0x6a: {  	_ =	shalt  }
0x6b: {  	_ =	shalt  }
0x6c: {  	_ =	shalt  }
0x6d: {  	_ =	shalt  }
0x6e: {  	_ =	shalt  }
0x6f: {  	_ =	shalt  }
0x70: {  	_ =	shalt  }
0x71: {  	_ =	shalt  }
0x72: {  	_ =	shalt  }
0x73: {  	_ =	shalt  }
0x74: {  	_ =	shalt  }
0x75: {  	_ =	shalt  }
0x76: {  	_ =	shalt  }
0x77: {  	_ =	shalt  }
0x78: {  	_ =	shalt  }
0x79: {  	_ =	shalt  }
0x7a: {  	_ =	shalt  }
0x7b: {  	_ =	shalt  }
0x7c: {  	_ =	shalt  }
0x7d: {  	_ =	shalt  }
0x7e: {  	_ =	shalt  }
0x7f: {  	_ =	shalt  }
0x80: {  	_ =	shalt  }
0x81: {  	_ =	shalt  }
0x82: {  	_ =	shalt  }
0x83: {  	_ =	shalt  }
0x84: {  	_ =	shalt  }
0x85: {  	_ =	shalt  }
0x86: {  	_ =	shalt  }
0x87: {  	_ =	shalt  }
.Lfunc_end0:
.L_simem_size_0:
called_computation.1_lowered:
.L_overlay_start_0:
0x88: {  	s2 =	sld [smem:$0x3FD9]  }
0x89: {  	s3 =	sld [smem:$0x3FFE];
	_ =	sdelay $0x1  }
0x8a: {  	s1 =	srdreg.scid  }
0x8b: {  	s0 =	sand.u32 $0x1, s1  }
0x8c: {  	s16 =	sshll.u32 s0, $0xA;
	s2 =	sadd.s32 s3, s2  }
0x8d: {  	s2 =	sadd.s32 s2, s16  }
0x8e: {  	[smem:$0x3FA8] =	sst s2  }
0x8f: {  	_ = 	snop  }
0x90: {  	(tm) =	ssettm $0x1  }
0x91: {  	s17 =	sld [smem:$0x3FFB];
	_ =	sdelay $0x3  }
0x92: {  	_ =	strace s17  }
0x93: {  	s2 =	sld [smem:$0x3FFC];
	_ =	sdelay $0x3  }
0x94: {  	_ =	strace s2  }
0x95: {  	s2 =	sld [smem:$0x3FFD];
	_ =	sdelay $0x3  }
0x96: {  	_ =	strace s2  }
0x97: {  	_ =	strace $0x8FFFFFFF  }
0x98: {  	s18 =	sld [smem:$0x3FDB];
	_ =	sdelay $0x1  }
0x99: {  	s19 =	simm.s32 $_scs_section_size  }
0x9a: {  	s4 =	simm.s32 $_size__tile_overlayer_lowered;
	s5 =	simm.s32 $_tile_overlayer_lowered  }
0x9b: {  	s22 =	simm.s32 $0x1BFF;
	s21 =	sshll.u32 s5, $0x1;
	s2 =	sadd.s32 s19, s18  }
0x9c: {  	s6 =	simm.s32 $0x0;
	s20 =	sshll.u32 s4, $0x1;
	s4 =	sadd.s32 s21, s2  }
0x9d: {  	[timem:s6], [sflag:s22] =	dma.local [hbm:s4], s20  }
0x9e: {  	_ =	swait.ge [sflag:s22], s20  }
0x9f: {  	s3 =	ssub.s32 $0x0, s20;
	[sflag:s22] =	ssyncset.done $0x0  }
0xa0: {  	[sflag:s22] =	ssyncadd.s32 s3;
	_ =	sdelay $0x1  }
0xa1: {  	s23 =	simm.s32 $0x1B8B  }
0xa2: {  	_ =	swait.ge [sflag:s23], $0x1  }
0xa3: {  	[sflag:s23] =	ssyncset.done $0x0  }
0xa4: {  	s25 =	simm.s32 $0x1B8E;
	s24 =	sld [smem:$0x3FFE];
	[sflag:s23] =	ssyncadd.s32 $0xFFFFFFFF  }
0xa5: {  	s26 =	simm.s32 $execute0_lowered;
	[smem:$0x3FD2] =	sst s25  }
0xa6: {  	s4 =	sshll.u32 s26, $0x1;
	_ =	strace $0x80000049;
	[dreg:$0x1] =	wrdreg $0xFFFFFFFF  }
0xa7: {  	s28 =	simm.s32 $_size_execute0_lowered;
	s2 =	sadd.s32 s2, s4;
	[dreg:$0x0] =	wrdreg $0x0  }
0xa8: {  	s4 =	sshll.u32 s28, $0x1;
	[dreg:$0x2] =	wrdreg s2  }
0xa9: {  	[dreg:$0x3] =	wrdreg s4  }
0xaa: {  	[dreg:$0x4] =	wrdreg $0xC0  }
0xab: {  	_ =	task [dreg:s6], $0x5FFFF  }
0xac: {  	[dreg:$0x1] =	wrdreg $0xFFFFFFFF  }
0xad: {  	[dreg:$0x0] =	wrdreg $0x60  }
0xae: {  	[dreg:$0x2] =	wrdreg s24  }
0xaf: {  	[dreg:$0x3] =	wrdreg $0x41000  }
0xb0: {  	[dreg:$0x4] =	wrdreg $0x9  }
0xb1: {  	_ =	task.clear_ibuf [dreg:s6], $0x5FFFF;
	_ =	strace $0x90000049  }
0xb2: {  	s29 =	simm.s32 $0x9;
	_ =	strace $0x8000004B  }
0xb3: {  	_ =	swait.ge [sflag:s29], $0x1  }
0xb4: {  	[sflag:s29] =	ssyncadd.s32 $0xFFFFFFFF  }
0xb5: {  	_ =	strace $0x9000004B  }
0xb6: {  	_ =	sfence  }
0xb7: {  	s30 =	sld [smem:$0x0];
	_ =	sdelay $0x2  }
0xb8: {  	s31 =	sshll.u32 s1, $0xD;
	s1 =	sshrl.u32 s1, $0x2  }
0xb9: {  	s3 =	sand.u32 $0x4000, s31;
	s1 =	sadd.s32 s1, s30  }
0xba: {  	s0 =	sor.u32 s3, s0;
	s1 =	sshll.u32 s1, $0x11  }
0xbb: {  	s0 =	sor.u32 s1, s0  }
0xbc: {  	s0 =	sadd.s32 $0x8F2B, s0  }
0xbd: {  	[sflag:s0] =	ssyncadd.remote.s32 $0x1  }
0xbe: {  	_ =	sfence.sel $0xFFFF  }
0xbf: {  	[dreg:$0x0] =	wrdreg $0xFFFFFFFF;
	(pc) =	sbr.abs _section_cstart, $3  }
0xc0: {  	[dreg:$0x1] =	wrdreg $0xFFFFFFFF  }
0xc1: {  	_ =	task.clear_ibuf [dreg:s6], $0x2FFFF;
	_ =	strace $0x9FFFFFFF  }
0xc2: {  	(tm) =	ssettm $0x7FFFFFFF  }
0xc3: {  	_ =	shalt  }
tec
execute0_lowered:
.L_overlay_start_1:
0x0: {  	(tag) =	ssettag $0x1  }
0x1: {  	s4 =	rddreg [dreg:$0x0]  }
0x2: {  	s2 =	rddreg [dreg:$0x1]  }
0x3: {  	s1 =	stileid.u32;
	s0 =	rddreg [dreg:$0x2];
	s3 =	simm.s32 $0x0  }
0x4: {  	s24 =	srdreg.scid;
	s16 =	simm.s32 $0x100;
	s18 =	simm.s32 $0x0  }
0x5: {  	s5 =	sshrl.u32 s1, $0x3;
	[smem:$0x7FF] =	sst s3;
	s7 =	smul.u32 $0x50000, s1  }
0x6: {  	s6 =	sshll.u32 s1, $0x7;
	s8 =	sadd.s32 $0xC7000, s4;
	s11 =	smul.u32 $0x14000, s1  }
0x7: {  	s10 =	sadd.s32 $0x1F000, s4;
	s30 =	sshll.u32 s1, $0x6;
	s5 =	smul.u32 $0x13C00, s5  }
0x8: {  	_ =	strace $0x8000004A;
	s6 =	sand.u32 $0x380, s6;
	s28 =	sshrl.u32 s7, $0x2  }
0x9: {  	s17 =	sshrl.u32 s11, $0x3;
	s5 =	sor.u32 s6, s5;
	s6 =	sand.u32 $0x1, s24  }
0xa: {  	s14 =	sadd.s32 s28, s2;
	s25 =	ssub.s32 $0x2, s6;
	s9 =	smul.u32 $0x280000, s6  }
0xb: {  	s5 =	sshrl.u32 s5, $0x3;
	s6 =	sor.u32 $0x1C01, s30;
	s26 =	sshrl.u32 s25, $0x1  }
0xc: {  	s12 =	sadd.s32 s5, s4;
	s13 =	ssub.s32 s25, s26;
	s29 =	sshrl.u32 s9, $0x3  }
0xd: {  	s31 =	sadd.s32 $0x140000, s9;
	s9 =	sadd.s32 s11, s9;
	s4 =	sadd.s32 s8, s29  }
0xe: {  	s11 =	sadd.s32 s11, s31;
	s9 =	sshrl.u32 s9, $0x3;
	s15 =	sshrl.u32 s31, $0x3  }
0xf: {  	s5 =	sadd.s32 s17, s4;
	s11 =	sshrl.u32 s11, $0x3;
	s7 =	sadd.s32 s10, s9  }
0x10: {  	s8 =	sadd.s32 s8, s15;
	s15 =	simm.s32 $0x80;
	s9 =	sadd.s32 s10, s11  }
0x11: {  	s10 =	smax.u32 s13, $0x1;
	s11 =	sadd.s32 $0x15000, s12;
	s12 =	sadd.s32 $0x1A000, s12  }
0x12: {  	s13 =	sshrl.u32 s14, $0x3;
	s14 =	simm.s32 $0x1;
	s17 =	sadd.s32 s17, s8  }
.LBB2_1:
0x13: {  	[spmem:s13], [sflag:s6] =	dma.local [hbm:s5], $0x2800  }
0x14: {  	_ =	swait.ge [sflag:s14], $0x2800  }
0x15: {  	[sflag:s14] =	ssyncset.done $0x0  }
0x16: {  	[sflag:s14] =	ssyncadd.s32 $0xFFFFD800  }
0x17: {  	s19 =	sadd.s32 $0x0, s12;
	[bflag:$0x0] =	sbarrier.arrive $0xFFFF  }
0x18: {  	[tilespmem:s3], [sflag:$0x1] =	stream.linear.gather [hbm4b:s19+s3], $0x80, $0x38;
	[tilespmem:$0x18100] =	vst v63  }
0x19: {  	_ =	swait.ge [sflag:s14], $0x80  }
0x1a: {  	[sflag:s14] =	ssyncset.done $0x0  }
0x1b: {  	s31 =	sadd.s32 $0x0, s11;
	[sflag:s14] =	ssyncadd.s32 $0xFFFFFF80  }
0x1c: {  	[tilespmem:s15], [sflag:$0x1] =	stream.linear.gather [hbm4b:s31+s3], $0x80, $0x38;
	[tilespmem:$0x18100] =	vst v63  }
0x1d: {  	_ =	swait.ge [sflag:s14], $0x80  }
0x1e: {  	[sflag:s14] =	ssyncset.done $0x0  }
0x1f: {  	[sflag:s14] =	ssyncadd.s32 $0xFFFFFF80  }
0x20: {  	[tilespmem:s16], [sflag:$0x1] =	stream.indirect.gather [hbm4b:s4+s15], $0x80, s3, s15, $0xb8;
	[tilespmem:$0x18100] =	vst v63  }
0x21: {  	_ =	swait.ge [sflag:s14], $0x4000  }
0x22: {  	[sflag:s14] =	ssyncset.done $0x0  }
0x23: {  	[sflag:s14] =	ssyncadd.s32 $0xFFFFC000  }
0x24: {  	[spmem:s2] =	stream.indirect.scatter.add.f32 [tilespmem:s16], [sflag:$0x1], $0x80, s15, s15, $0xb8;
	[tilespmem:$0x18100] =	vst v63  }
0x25: {  	_ =	swait.ge [sflag:s14], $0x4000  }
0x26: {  	s20 =	simm.s32 $0x100;
	s19 =	simm.s32 $0x80;
	[sflag:s14] =	ssyncset.done $0x0  }
.LBB2_2:
0x27: {  	s21 =	sadd.s32 s19, s12  }
0x28: {  	[sflag:s14] =	ssyncadd.s32 $0xFFFFC000;
	s22 =	smov.u32 s20;
	s23 =	sadd.s32 $0x80, s20  }
0x29: {  	[tilespmem:s3], [sflag:$0x1] =	stream.linear.gather [hbm4b:s21+s3], $0x80, $0x38;
	[tilespmem:$0x18100] =	vst v63  }
0x2a: {  	p0 =	sne.s32 s20, $0x2700;
	_ =	swait.ge [sflag:s14], $0x80  }
0x2b: {  	[sflag:s14] =	ssyncset.done $0x0  }
0x2c: {  	s20 =	sadd.s32 s19, s11;
	s19 =	smov.u32 s22;
	[sflag:s14] =	ssyncadd.s32 $0xFFFFFF80  }
0x2d: {  	[tilespmem:s15], [sflag:$0x1] =	stream.linear.gather [hbm4b:s20+s3], $0x80, $0x38;
	[tilespmem:$0x18100] =	vst v63  }
0x2e: {  	_ =	swait.ge [sflag:s14], $0x80  }
0x2f: {  	[sflag:s14] =	ssyncset.done $0x0  }
0x30: {  	[sflag:s14] =	ssyncadd.s32 $0xFFFFFF80  }
0x31: {  	[tilespmem:s16], [sflag:$0x1] =	stream.indirect.gather [hbm4b:s4+s15], $0x80, s3, s15, $0xb8;
	[tilespmem:$0x18100] =	vst v63  }
0x32: {  	_ =	swait.ge [sflag:s14], $0x4000  }
.Ltmp0:
0x33: {  	[sflag:s14] =	ssyncset.done $0x0;
	(pc) =	sbr.rel @p0 .LBB2_2-.Ltmp0, $4  }
0x34: {  	[sflag:s14] =	ssyncadd.s32 $0xFFFFC000  }
0x35: {  	[spmem:s2] =	stream.indirect.scatter.add.f32 [tilespmem:s16], [sflag:$0x1], $0x80, s15, s15, $0xb8;
	[tilespmem:$0x18100] =	vst v63  }
0x36: {  	_ =	swait.ge [sflag:s14], $0x4000  }
0x37: {  	s20 =	smov.u32 s23;
	[sflag:s14] =	ssyncset.done $0x0  }
0x38: {  	s20 =	sadd.s32 s19, s12;
	[sflag:s14] =	ssyncadd.s32 $0xFFFFC000  }
0x39: {  	[tilespmem:s3], [sflag:$0x1] =	stream.linear.gather [hbm4b:s20+s3], $0x80, $0x38;
	[tilespmem:$0x18100] =	vst v63  }
0x3a: {  	_ =	swait.ge [sflag:s14], $0x80  }
0x3b: {  	[sflag:s14] =	ssyncset.done $0x0  }
0x3c: {  	s29 =	sadd.s32 s19, s11;
	[sflag:s14] =	ssyncadd.s32 $0xFFFFFF80  }
0x3d: {  	[tilespmem:s15], [sflag:$0x1] =	stream.linear.gather [hbm4b:s29+s3], $0x80, $0x38;
	[tilespmem:$0x18100] =	vst v63  }
0x3e: {  	_ =	swait.ge [sflag:s14], $0x80  }
0x3f: {  	[sflag:s14] =	ssyncset.done $0x0  }
0x40: {  	[sflag:s14] =	ssyncadd.s32 $0xFFFFFF80  }
0x41: {  	[tilespmem:s16], [sflag:$0x1] =	stream.indirect.gather [hbm4b:s4+s15], $0x80, s3, s15, $0xb8;
	[tilespmem:$0x18100] =	vst v63  }
0x42: {  	_ =	swait.ge [sflag:s14], $0x4000  }
0x43: {  	[sflag:s14] =	ssyncset.done $0x0  }
0x44: {  	[sflag:s14] =	ssyncadd.s32 $0xFFFFC000  }
0x45: {  	[spmem:s2] =	stream.indirect.scatter.add.f32 [tilespmem:s16], [sflag:$0x1], $0x80, s15, s15, $0xb8;
	[tilespmem:$0x18100] =	vst v63  }
0x46: {  	_ =	swait.ge [sflag:s14], $0x4000  }
0x47: {  	[sflag:s14] =	ssyncset.done $0x0  }
0x48: {  	[sflag:s14] =	ssyncadd.s32 $0xFFFFC000  }
0x49: {  	[bflag:$0x0] =	sbarrier.arrive $0xFFFF  }
0x4a: {  	[hbm:s7], [sflag:s6] =	dma.local [spmem:s13], $0x2800  }
0x4b: {  	_ =	swait.ge [sflag:s14], $0x2800  }
0x4c: {  	[sflag:s14] =	ssyncset.done $0x0  }
0x4d: {  	[sflag:s14] =	ssyncadd.s32 $0xFFFFD800  }
0x4e: {  	[bflag:$0x0] =	sbarrier.arrive $0xFFFF  }
0x4f: {  	[spmem:s13], [sflag:s6] =	dma.local [hbm:s17], $0x2800  }
0x50: {  	_ =	swait.ge [sflag:s14], $0x2800  }
0x51: {  	[sflag:s14] =	ssyncset.done $0x0  }
0x52: {  	[sflag:s14] =	ssyncadd.s32 $0xFFFFD800  }
0x53: {  	s30 =	sadd.s32 $0x0, s12;
	[bflag:$0x0] =	sbarrier.arrive $0xFFFF  }
0x54: {  	[tilespmem:s3], [sflag:$0x1] =	stream.linear.gather [hbm4b:s30+s3], $0x80, $0x38;
	[tilespmem:$0x18100] =	vst v63  }
0x55: {  	_ =	swait.ge [sflag:s14], $0x80  }
0x56: {  	[sflag:s14] =	ssyncset.done $0x0  }
0x57: {  	s31 =	sadd.s32 $0x0, s11;
	[sflag:s14] =	ssyncadd.s32 $0xFFFFFF80  }
0x58: {  	[tilespmem:s15], [sflag:$0x1] =	stream.linear.gather [hbm4b:s31+s3], $0x80, $0x38;
	[tilespmem:$0x18100] =	vst v63  }
0x59: {  	_ =	swait.ge [sflag:s14], $0x80  }
0x5a: {  	[sflag:s14] =	ssyncset.done $0x0  }
0x5b: {  	[sflag:s14] =	ssyncadd.s32 $0xFFFFFF80  }
0x5c: {  	[tilespmem:s16], [sflag:$0x1] =	stream.indirect.gather [hbm4b:s8+s15], $0x80, s3, s15, $0xb8;
	[tilespmem:$0x18100] =	vst v63  }
0x5d: {  	_ =	swait.ge [sflag:s14], $0x4000  }
0x5e: {  	[sflag:s14] =	ssyncset.done $0x0  }
0x5f: {  	[sflag:s14] =	ssyncadd.s32 $0xFFFFC000  }
0x60: {  	[spmem:s2] =	stream.indirect.scatter.add.f32 [tilespmem:s16], [sflag:$0x1], $0x80, s15, s15, $0xb8;
	[tilespmem:$0x18100] =	vst v63  }
0x61: {  	_ =	swait.ge [sflag:s14], $0x4000  }
0x62: {  	s19 =	simm.s32 $0x80;
	s20 =	simm.s32 $0x100;
	[sflag:s14] =	ssyncset.done $0x0  }
.LBB2_4:
0x63: {  	s21 =	sadd.s32 s19, s12  }
0x64: {  	[sflag:s14] =	ssyncadd.s32 $0xFFFFC000;
	s22 =	smov.u32 s20;
	s23 =	sadd.s32 $0x80, s20  }
0x65: {  	[tilespmem:s3], [sflag:$0x1] =	stream.linear.gather [hbm4b:s21+s3], $0x80, $0x38;
	[tilespmem:$0x18100] =	vst v63  }
0x66: {  	p0 =	sne.s32 s20, $0x2700;
	_ =	swait.ge [sflag:s14], $0x80  }
0x67: {  	[sflag:s14] =	ssyncset.done $0x0  }
0x68: {  	s20 =	sadd.s32 s19, s11;
	s19 =	smov.u32 s22;
	[sflag:s14] =	ssyncadd.s32 $0xFFFFFF80  }
0x69: {  	[tilespmem:s15], [sflag:$0x1] =	stream.linear.gather [hbm4b:s20+s3], $0x80, $0x38;
	[tilespmem:$0x18100] =	vst v63  }
0x6a: {  	_ =	swait.ge [sflag:s14], $0x80  }
0x6b: {  	[sflag:s14] =	ssyncset.done $0x0  }
0x6c: {  	[sflag:s14] =	ssyncadd.s32 $0xFFFFFF80  }
0x6d: {  	[tilespmem:s16], [sflag:$0x1] =	stream.indirect.gather [hbm4b:s8+s15], $0x80, s3, s15, $0xb8;
	[tilespmem:$0x18100] =	vst v63  }
0x6e: {  	_ =	swait.ge [sflag:s14], $0x4000  }
.Ltmp1:
0x6f: {  	[sflag:s14] =	ssyncset.done $0x0;
	(pc) =	sbr.rel @p0 .LBB2_4-.Ltmp1, $4  }
0x70: {  	[sflag:s14] =	ssyncadd.s32 $0xFFFFC000  }
0x71: {  	[spmem:s2] =	stream.indirect.scatter.add.f32 [tilespmem:s16], [sflag:$0x1], $0x80, s15, s15, $0xb8;
	[tilespmem:$0x18100] =	vst v63  }
0x72: {  	_ =	swait.ge [sflag:s14], $0x4000  }
0x73: {  	s20 =	smov.u32 s23;
	[sflag:s14] =	ssyncset.done $0x0  }
0x74: {  	s20 =	sadd.s32 s19, s12;
	[sflag:s14] =	ssyncadd.s32 $0xFFFFC000  }
0x75: {  	[tilespmem:s3], [sflag:$0x1] =	stream.linear.gather [hbm4b:s20+s3], $0x80, $0x38;
	[tilespmem:$0x18100] =	vst v63  }
0x76: {  	_ =	swait.ge [sflag:s14], $0x80  }
0x77: {  	[sflag:s14] =	ssyncset.done $0x0  }
0x78: {  	s31 =	sadd.s32 s19, s11;
	[sflag:s14] =	ssyncadd.s32 $0xFFFFFF80  }
0x79: {  	[tilespmem:s15], [sflag:$0x1] =	stream.linear.gather [hbm4b:s31+s3], $0x80, $0x38;
	[tilespmem:$0x18100] =	vst v63  }
0x7a: {  	_ =	swait.ge [sflag:s14], $0x80  }
0x7b: {  	[sflag:s14] =	ssyncset.done $0x0  }
0x7c: {  	[sflag:s14] =	ssyncadd.s32 $0xFFFFFF80  }
0x7d: {  	[tilespmem:s16], [sflag:$0x1] =	stream.indirect.gather [hbm4b:s8+s15], $0x80, s3, s15, $0xb8;
	[tilespmem:$0x18100] =	vst v63  }
0x7e: {  	_ =	swait.ge [sflag:s14], $0x4000  }
0x7f: {  	[sflag:s14] =	ssyncset.done $0x0  }
0x80: {  	[sflag:s14] =	ssyncadd.s32 $0xFFFFC000  }
0x81: {  	[spmem:s2] =	stream.indirect.scatter.add.f32 [tilespmem:s16], [sflag:$0x1], $0x80, s15, s15, $0xb8;
	[tilespmem:$0x18100] =	vst v63  }
0x82: {  	_ =	swait.ge [sflag:s14], $0x4000  }
0x83: {  	[sflag:s14] =	ssyncset.done $0x0  }
0x84: {  	s18 =	sadd.s32 $0x1, s18;
	[sflag:s14] =	ssyncadd.s32 $0xFFFFC000  }
0x85: {  	p0 =	sne.s32 s18, s10;
	[bflag:$0x0] =	sbarrier.arrive $0xFFFF  }
0x86: {  	[hbm:s9], [sflag:s6] =	dma.local [spmem:s13], $0x2800  }
.Ltmp2:
0x87: {  	_ =	swait.ge [sflag:s14], $0x2800;
	(pc) =	sbr.rel @p0 .LBB2_1-.Ltmp2, $3  }
0x88: {  	[sflag:s14] =	ssyncset.done $0x0  }
0x89: {  	[sflag:s14] =	ssyncadd.s32 $0xFFFFD800  }
0x8a: {  	[bflag:$0x0] =	sbarrier.arrive $0xFFFF;
	_ =	sdelay $0x1  }
0x8b: {  	_ =	sfence.sel $0x180000  }
0x8c: {  	[bflag:$0x0] =	sbarrier.arrive $0xFFFF  }
0x8d: {  	p0 =	sne.s32 s1, $0x0;
	_ =	strace $0x9000004A  }
0x8e: {  	s0 =	sadd.s32 @!p0 $0x100000, s0;
	[bflag:$0x2] =	sbarrier.arrive $0xFFFF  }
0x8f: {  	[sflag:s0] =	ssyncadd.tile.s32 @!p0 $0x1;
	_ =	shalt  }
.Lfunc_end2:
_tile_overlayer_lowered:
.L_overlay_start_2:
0x90: {  	(tag) =	ssettag $0x2  }
0x91: {  	s0 =	rddreg [dreg:$0x0];
	s2 =	stileid.u32  }
0x92: {  	s1 =	rddreg [dreg:$0x1];
	p0 =	sne.s32 s2, $0x0  }
0x93: {  	s3 =	rddreg [dreg:$0x2];
	[bflag:$0x3] =	sbarrier.arrive $0xFFFF;
	s2 =	simm.s32 @!p0 $0x1C01  }
0x94: {  	[timem:s3], [sflag:s2] =	dma.local @!p0 [hbm:s0], s1  }
0x95: {  	s0 =	simm.s32 @!p0 $0x1  }
0x96: {  	_ =	swait.ge @!p0 [sflag:s0], s1  }
0x97: {  	s1 =	ssub.s32 @!p0 $0x0, s1;
	[sflag:s0] =	ssyncset.done @!p0 $0x0  }
0x98: {  	[sflag:s0] =	ssyncadd.s32 @!p0 s1  }
0x99: {  	[bflag:$0x3] =	sbarrier.arrive $0xFFFF  }
0x9a: {  	_ =	shalt  }

// kernel: kernel.20.cloned.1.call-start
scs
__scs_entry_jumppad:
0x0: {  	(pc) =	sbr.rel $0x88, $3  }
0x1: {  	(tag) =	ssettag $0x0;
	lr =	simm.s32 $0x1  }
0x2: {  	[smem:$0x3F81] =	sst lr;
	_ =	strace $0xD0000000  }
0x3: {  	_ = 	snop  }
0x4: {  	_ = 	snop  }
0x5: {  	_ = 	snop  }
0x6: {  	_ = 	snop  }
0x7: {  	_ = 	snop  }
__scs_overlays_trampoline_lowered:
0x8: {  	[smem:$0x3F90] =	sst s0  }
0x9: {  	[smem:$0x3F91] =	sst s1  }
0xa: {  	[smem:$0x3F92] =	sst s2  }
0xb: {  	[smem:$0x3F93] =	sst s3  }
0xc: {  	[smem:$0x3F94] =	sst s4  }
0xd: {  	[smem:$0x3F95] =	sst s5  }
0xe: {  	[smem:$0x3F96] =	sst s6  }
0xf: {  	[smem:$0x3F97] =	sst s7  }
0x10: {  	[smem:$0x3F98] =	sst s8  }
0x11: {  	[smem:$0x3F99] =	sst s9;
	s0 =	simm.s32 @!p0 $0x0  }
0x12: {  	s1 =	sld [smem:$0x3F7F];
	s0 =	simm.s32 @p0 $0x1  }
0x13: {  	[smem:$0x3F9A] =	sst s0;
	s0 =	simm.s32 @!p1 $0x0  }
0x14: {  	s2 =	sld [smem:$0x3F7E];
	s0 =	simm.s32 @p1 $0x1  }
0x15: {  	[smem:$0x3F9B] =	sst s0;
	s0 =	simm.s32 @!p2 $0x0  }
0x16: {  	s3 =	sld [smem:$0x3FDB];
	s0 =	simm.s32 @p2 $0x1  }
0x17: {  	s4 =	simm.s32 $0x1BF5;
	[smem:$0x3F9D] =	sst s0  }
0x18: {  	s0 =	sld [smem:$0x3F80];
	_ =	swait.ge [sflag:s4], $0x0  }
0x19: {  	s7 =	sld [smem:$0x3F81]  }
0x1a: {  	s8 =	sadd.s32 $0xFFFFE003, lr  }
0x1b: {  	s9 =	sadd.s32 $0xFFFFFEF7, lr;
	s5 =	simm.s32 $0xFFFFFFFF;
	p2 =	slt.u32 s8, $0xFFFFF086  }
0x1c: {  	p1 =	slt.u32 s9, $0xF7A;
	s5 =	simm.s32 @!p2 $0x0  }
0x1d: {  	s5 =	simm.s32 @p1 $0x1;
	p0 =	seq.s32 s7, s2  }
0x1e: {  	s7 =	smul.u32 @!p0 $0xF7A, s2;
	p2 =	seq.s32 @!p0 s5, $0x0  }
0x1f: {  	s9 =	smul.u32 $0xF7A, s1;
	s8 =	simm.s32 @!p0 $0x1BF5;
	p2 =	por !p2, p0  }
0x20: {  	[sflag:s8] =	ssyncset.s32 @!p0 $0xFFFFF086;
	s6 =	sadd.s32 @!p0 s3, s7;
	s7 =	simm.s32 @!p0 $0x108  }
0x21: {  	s3 =	sadd.s32 s3, s9;
	s6 =	sadd.s32 @!p0 $0x88, s6;
	s7 =	simm.s32 @p2 $0x1082  }
0x22: {  	[simem:s7], [sflag:s8] =	dma.local @!p0 [hbm:s6], $0xF7A  }
0x23: {  	s9 =	sor.u32 $0xD0000000, s2;
	s6 =	simm.s32 $0x108;
	_ =	swait.ge @!p0 [sflag:s8], $0x0  }
0x24: {  	s3 =	sadd.s32 $0x88, s3;
	s6 =	simm.s32 @!p1 $0x1082;
	[sflag:s4] =	ssyncset.s32 $0xFFFFF086  }
0x25: {  	[simem:s6], [sflag:s4] =	dma.local [hbm:s3], $0xF7A  }
0x26: {  	[smem:$0x3F81] =	sst s1;
	(tag) =	ssettag s2;
	_ =	strace s9  }
0x27: {  	s1 =	sld [smem:$0x3F91]  }
0x28: {  	s2 =	sld [smem:$0x3F92]  }
0x29: {  	s4 =	sld [smem:$0x3F94]  }
0x2a: {  	p0 =	seq.s32 s5, $0x0;
	s5 =	sld [smem:$0x3F95]  }
0x2b: {  	s6 =	sld [smem:$0x3F96]  }
0x2c: {  	s7 =	sld [smem:$0x3F97]  }
0x2d: {  	s3 =	simm.s32 $0x108;
	s8 =	sld [smem:$0x3F98]  }
0x2e: {  	s3 =	simm.s32 @!p0 $0x1082;
	s9 =	sld [smem:$0x3F99]  }
0x2f: {  	lr =	sadd.s32 s0, s3;
	s0 =	sld [smem:$0x3F90]  }
0x30: {  	s3 =	sld [smem:$0x3F93]  }
0x31: {  	[smem:$0x3F9C] =	sst s10  }
0x32: {  	s10 =	sld [smem:$0x3F9A];
	_ =	sdelay $0x3  }
0x33: {  	p0 =	seq.s32 s10, $0x1;
	s10 =	sld [smem:$0x3F9C];
	_ =	sdelay $0x3  }
0x34: {  	[smem:$0x3F9C] =	sst s10  }
0x35: {  	s10 =	sld [smem:$0x3F9B];
	_ =	sdelay $0x3  }
0x36: {  	p1 =	seq.s32 s10, $0x1;
	s10 =	sld [smem:$0x3F9C];
	_ =	sdelay $0x3  }
0x37: {  	[smem:$0x3F9C] =	sst s10  }
0x38: {  	s10 =	sld [smem:$0x3F9D]  }
0x39: {  	_ = 	snop;
	(pc) =	sbr.ind lr, $3  }
0x3a: {  	_ = 	snop  }
0x3b: {  	_ = 	snop  }
0x3c: {  	p2 =	seq.s32 s10, $0x1;
	s10 =	sld [smem:$0x3F9C]  }
0x3d: {  	_ =	shalt  }
0x3e: {  	_ =	shalt  }
0x3f: {  	_ =	shalt  }
0x40: {  	_ =	shalt  }
0x41: {  	_ =	shalt  }
0x42: {  	_ =	shalt  }
0x43: {  	_ =	shalt  }
0x44: {  	_ =	shalt  }
0x45: {  	_ =	shalt  }
0x46: {  	_ =	shalt  }
0x47: {  	_ =	shalt  }
0x48: {  	_ =	shalt  }
0x49: {  	_ =	shalt  }
0x4a: {  	_ =	shalt  }
0x4b: {  	_ =	shalt  }
0x4c: {  	_ =	shalt  }
0x4d: {  	_ =	shalt  }
0x4e: {  	_ =	shalt  }
0x4f: {  	_ =	shalt  }
0x50: {  	_ =	shalt  }
0x51: {  	_ =	shalt  }
0x52: {  	_ =	shalt  }
0x53: {  	_ =	shalt  }
0x54: {  	_ =	shalt  }
0x55: {  	_ =	shalt  }
0x56: {  	_ =	shalt  }
0x57: {  	_ =	shalt  }
0x58: {  	_ =	shalt  }
0x59: {  	_ =	shalt  }
0x5a: {  	_ =	shalt  }
0x5b: {  	_ =	shalt  }
0x5c: {  	_ =	shalt  }
0x5d: {  	_ =	shalt  }
0x5e: {  	_ =	shalt  }
0x5f: {  	_ =	shalt  }
0x60: {  	_ =	shalt  }
0x61: {  	_ =	shalt  }
0x62: {  	_ =	shalt  }
0x63: {  	_ =	shalt  }
0x64: {  	_ =	shalt  }
0x65: {  	_ =	shalt  }
0x66: {  	_ =	shalt  }
0x67: {  	_ =	shalt  }
0x68: {  	_ =	shalt  }
0x69: {  	_ =	shalt  }
0x6a: {  	_ =	shalt  }
0x6b: {  	_ =	shalt  }
0x6c: {  	_ =	shalt  }
0x6d: {  	_ =	shalt  }
0x6e: {  	_ =	shalt  }
0x6f: {  	_ =	shalt  }
0x70: {  	_ =	shalt  }
0x71: {  	_ =	shalt  }
0x72: {  	_ =	shalt  }
0x73: {  	_ =	shalt  }
0x74: {  	_ =	shalt  }
0x75: {  	_ =	shalt  }
0x76: {  	_ =	shalt  }
0x77: {  	_ =	shalt  }
0x78: {  	_ =	shalt  }
0x79: {  	_ =	shalt  }
0x7a: {  	_ =	shalt  }
0x7b: {  	_ =	shalt  }
0x7c: {  	_ =	shalt  }
0x7d: {  	_ =	shalt  }
0x7e: {  	_ =	shalt  }
0x7f: {  	_ =	shalt  }
0x80: {  	_ =	shalt  }
0x81: {  	_ =	shalt  }
0x82: {  	_ =	shalt  }
0x83: {  	_ =	shalt  }
0x84: {  	_ =	shalt  }
0x85: {  	_ =	shalt  }
0x86: {  	_ =	shalt  }
0x87: {  	_ =	shalt  }
.Lfunc_end0:
.L_simem_size_0:
called_computation.2_lowered:
.L_overlay_start_0:
0x88: {  	s2 =	sld [smem:$0x3FD9]  }
0x89: {  	s3 =	sld [smem:$0x3FFE];
	_ =	sdelay $0x1  }
0x8a: {  	s1 =	srdreg.scid  }
0x8b: {  	s0 =	sand.u32 $0x1, s1  }
0x8c: {  	s16 =	sshll.u32 s0, $0xA;
	s2 =	sadd.s32 s3, s2  }
0x8d: {  	s2 =	sadd.s32 s2, s16  }
0x8e: {  	[smem:$0x3FA8] =	sst s2  }
0x8f: {  	_ = 	snop  }
0x90: {  	(tm) =	ssettm $0x1  }
0x91: {  	s17 =	sld [smem:$0x3FFB];
	_ =	sdelay $0x3  }
0x92: {  	_ =	strace s17  }
0x93: {  	s2 =	sld [smem:$0x3FFC];
	_ =	sdelay $0x3  }
0x94: {  	_ =	strace s2  }
0x95: {  	s2 =	sld [smem:$0x3FFD];
	_ =	sdelay $0x3  }
0x96: {  	_ =	strace s2  }
0x97: {  	_ =	strace $0x8FFFFFFF  }
0x98: {  	s18 =	sld [smem:$0x3FDB];
	_ =	sdelay $0x1  }
0x99: {  	s19 =	simm.s32 $_scs_section_size  }
0x9a: {  	s4 =	simm.s32 $_size__tile_overlayer_lowered;
	s5 =	simm.s32 $_tile_overlayer_lowered  }
0x9b: {  	s22 =	simm.s32 $0x1BFF;
	s21 =	sshll.u32 s5, $0x1;
	s2 =	sadd.s32 s19, s18  }
0x9c: {  	s6 =	simm.s32 $0x0;
	s20 =	sshll.u32 s4, $0x1;
	s4 =	sadd.s32 s21, s2  }
0x9d: {  	[timem:s6], [sflag:s22] =	dma.local [hbm:s4], s20  }
0x9e: {  	_ =	swait.ge [sflag:s22], s20  }
0x9f: {  	s3 =	ssub.s32 $0x0, s20;
	[sflag:s22] =	ssyncset.done $0x0  }
0xa0: {  	[sflag:s22] =	ssyncadd.s32 s3;
	_ =	sdelay $0x1  }
0xa1: {  	s23 =	simm.s32 $0x1B8B  }
0xa2: {  	_ =	swait.ge [sflag:s23], $0x1  }
0xa3: {  	[sflag:s23] =	ssyncset.done $0x0  }
0xa4: {  	s25 =	simm.s32 $0x1B8E;
	s24 =	sld [smem:$0x3FFE];
	[sflag:s23] =	ssyncadd.s32 $0xFFFFFFFF  }
0xa5: {  	s26 =	simm.s32 $execute0_lowered;
	[smem:$0x3FD2] =	sst s25  }
0xa6: {  	s4 =	sshll.u32 s26, $0x1;
	_ =	strace $0x8000004C;
	[dreg:$0x1] =	wrdreg $0xFFFFFFFF  }
0xa7: {  	s28 =	simm.s32 $_size_execute0_lowered;
	s2 =	sadd.s32 s2, s4;
	[dreg:$0x0] =	wrdreg $0x0  }
0xa8: {  	s4 =	sshll.u32 s28, $0x1;
	[dreg:$0x2] =	wrdreg s2  }
0xa9: {  	[dreg:$0x3] =	wrdreg s4  }
0xaa: {  	[dreg:$0x4] =	wrdreg $0xC0  }
0xab: {  	_ =	task [dreg:s6], $0x5FFFF  }
0xac: {  	[dreg:$0x1] =	wrdreg $0xFFFFFFFF  }
0xad: {  	[dreg:$0x0] =	wrdreg $0x60  }
0xae: {  	[dreg:$0x2] =	wrdreg s24  }
0xaf: {  	[dreg:$0x3] =	wrdreg $0x41000  }
0xb0: {  	[dreg:$0x4] =	wrdreg $0x9  }
0xb1: {  	_ =	task.clear_ibuf [dreg:s6], $0x5FFFF;
	_ =	strace $0x9000004C  }
0xb2: {  	s29 =	simm.s32 $0x9;
	_ =	strace $0x8000004E  }
0xb3: {  	_ =	swait.ge [sflag:s29], $0x1  }
0xb4: {  	[sflag:s29] =	ssyncadd.s32 $0xFFFFFFFF  }
0xb5: {  	_ =	strace $0x9000004E  }
0xb6: {  	_ =	sfence  }
0xb7: {  	s30 =	sld [smem:$0x0];
	_ =	sdelay $0x2  }
0xb8: {  	s31 =	sshll.u32 s1, $0xD;
	s1 =	sshrl.u32 s1, $0x2  }
0xb9: {  	s3 =	sand.u32 $0x4000, s31;
	s1 =	sadd.s32 s1, s30  }
0xba: {  	s0 =	sor.u32 s3, s0;
	s1 =	sshll.u32 s1, $0x11  }
0xbb: {  	s0 =	sor.u32 s1, s0  }
0xbc: {  	s0 =	sadd.s32 $0x8F2B, s0  }
0xbd: {  	[sflag:s0] =	ssyncadd.remote.s32 $0x1  }
0xbe: {  	_ =	sfence.sel $0xFFFF  }
0xbf: {  	[dreg:$0x0] =	wrdreg $0xFFFFFFFF;
	(pc) =	sbr.abs _section_cstart, $3  }
0xc0: {  	[dreg:$0x1] =	wrdreg $0xFFFFFFFF  }
0xc1: {  	_ =	task.clear_ibuf [dreg:s6], $0x2FFFF;
	_ =	strace $0x9FFFFFFF  }
0xc2: {  	(tm) =	ssettm $0x7FFFFFFF  }
0xc3: {  	_ =	shalt  }
tec
execute0_lowered:
.L_overlay_start_1:
0x0: {  	(tag) =	ssettag $0x1  }
0x1: {  	s4 =	rddreg [dreg:$0x0]  }
0x2: {  	s2 =	rddreg [dreg:$0x1]  }
0x3: {  	s1 =	stileid.u32;
	s0 =	rddreg [dreg:$0x2];
	s3 =	simm.s32 $0x0  }
0x4: {  	s24 =	srdreg.scid;
	s16 =	simm.s32 $0x100;
	s18 =	simm.s32 $0x0  }
0x5: {  	s5 =	sshrl.u32 s1, $0x3;
	[smem:$0x7FF] =	sst s3;
	s7 =	smul.u32 $0x50000, s1  }
0x6: {  	s6 =	sshll.u32 s1, $0x7;
	s8 =	sadd.s32 $0xC7000, s4;
	s11 =	smul.u32 $0x14000, s1  }
0x7: {  	s10 =	sadd.s32 $0x1F000, s4;
	s30 =	sshll.u32 s1, $0x6;
	s5 =	smul.u32 $0x13C00, s5  }
0x8: {  	_ =	strace $0x8000004D;
	s6 =	sand.u32 $0x380, s6;
	s28 =	sshrl.u32 s7, $0x2  }
0x9: {  	s17 =	sshrl.u32 s11, $0x3;
	s5 =	sor.u32 s6, s5;
	s6 =	sand.u32 $0x1, s24  }
0xa: {  	s14 =	sadd.s32 s28, s2;
	s25 =	ssub.s32 $0x2, s6;
	s9 =	smul.u32 $0x280000, s6  }
0xb: {  	s5 =	sshrl.u32 s5, $0x3;
	s6 =	sor.u32 $0x1C01, s30;
	s26 =	sshrl.u32 s25, $0x1  }
0xc: {  	s12 =	sadd.s32 s5, s4;
	s13 =	ssub.s32 s25, s26;
	s29 =	sshrl.u32 s9, $0x3  }
0xd: {  	s31 =	sadd.s32 $0x140000, s9;
	s9 =	sadd.s32 s11, s9;
	s4 =	sadd.s32 s8, s29  }
0xe: {  	s11 =	sadd.s32 s11, s31;
	s9 =	sshrl.u32 s9, $0x3;
	s15 =	sshrl.u32 s31, $0x3  }
0xf: {  	s5 =	sadd.s32 s17, s4;
	s11 =	sshrl.u32 s11, $0x3;
	s7 =	sadd.s32 s10, s9  }
0x10: {  	s8 =	sadd.s32 s8, s15;
	s15 =	simm.s32 $0x80;
	s9 =	sadd.s32 s10, s11  }
0x11: {  	s10 =	smax.u32 s13, $0x1;
	s11 =	sadd.s32 $0x15000, s12;
	s12 =	sadd.s32 $0x1A000, s12  }
0x12: {  	s13 =	sshrl.u32 s14, $0x3;
	s14 =	simm.s32 $0x1;
	s17 =	sadd.s32 s17, s8  }
.LBB2_1:
0x13: {  	[spmem:s13], [sflag:s6] =	dma.local [hbm:s5], $0x2800  }
0x14: {  	_ =	swait.ge [sflag:s14], $0x2800  }
0x15: {  	[sflag:s14] =	ssyncset.done $0x0  }
0x16: {  	[sflag:s14] =	ssyncadd.s32 $0xFFFFD800  }
0x17: {  	s19 =	sadd.s32 $0x0, s12;
	[bflag:$0x0] =	sbarrier.arrive $0xFFFF  }
0x18: {  	[tilespmem:s3], [sflag:$0x1] =	stream.linear.gather [hbm4b:s19+s3], $0x80, $0x38;
	[tilespmem:$0x18100] =	vst v63  }
0x19: {  	_ =	swait.ge [sflag:s14], $0x80  }
0x1a: {  	[sflag:s14] =	ssyncset.done $0x0  }
0x1b: {  	s31 =	sadd.s32 $0x0, s11;
	[sflag:s14] =	ssyncadd.s32 $0xFFFFFF80  }
0x1c: {  	[tilespmem:s15], [sflag:$0x1] =	stream.linear.gather [hbm4b:s31+s3], $0x80, $0x38;
	[tilespmem:$0x18100] =	vst v63  }
0x1d: {  	_ =	swait.ge [sflag:s14], $0x80  }
0x1e: {  	[sflag:s14] =	ssyncset.done $0x0  }
0x1f: {  	[sflag:s14] =	ssyncadd.s32 $0xFFFFFF80  }
0x20: {  	[tilespmem:s16], [sflag:$0x1] =	stream.indirect.gather [hbm4b:s4+s15], $0x80, s3, s15, $0xb8;
	[tilespmem:$0x18100] =	vst v63  }
0x21: {  	_ =	swait.ge [sflag:s14], $0x4000  }
0x22: {  	[sflag:s14] =	ssyncset.done $0x0  }
0x23: {  	[sflag:s14] =	ssyncadd.s32 $0xFFFFC000  }
0x24: {  	[spmem:s2] =	stream.indirect.scatter.add.f32 [tilespmem:s16], [sflag:$0x1], $0x80, s15, s15, $0xb8;
	[tilespmem:$0x18100] =	vst v63  }
0x25: {  	_ =	swait.ge [sflag:s14], $0x4000  }
0x26: {  	s20 =	simm.s32 $0x100;
	s19 =	simm.s32 $0x80;
	[sflag:s14] =	ssyncset.done $0x0  }
.LBB2_2:
0x27: {  	s21 =	sadd.s32 s19, s12  }
0x28: {  	[sflag:s14] =	ssyncadd.s32 $0xFFFFC000;
	s22 =	smov.u32 s20;
	s23 =	sadd.s32 $0x80, s20  }
0x29: {  	[tilespmem:s3], [sflag:$0x1] =	stream.linear.gather [hbm4b:s21+s3], $0x80, $0x38;
	[tilespmem:$0x18100] =	vst v63  }
0x2a: {  	p0 =	sne.s32 s20, $0x2700;
	_ =	swait.ge [sflag:s14], $0x80  }
0x2b: {  	[sflag:s14] =	ssyncset.done $0x0  }
0x2c: {  	s20 =	sadd.s32 s19, s11;
	s19 =	smov.u32 s22;
	[sflag:s14] =	ssyncadd.s32 $0xFFFFFF80  }
0x2d: {  	[tilespmem:s15], [sflag:$0x1] =	stream.linear.gather [hbm4b:s20+s3], $0x80, $0x38;
	[tilespmem:$0x18100] =	vst v63  }
0x2e: {  	_ =	swait.ge [sflag:s14], $0x80  }
0x2f: {  	[sflag:s14] =	ssyncset.done $0x0  }
0x30: {  	[sflag:s14] =	ssyncadd.s32 $0xFFFFFF80  }
0x31: {  	[tilespmem:s16], [sflag:$0x1] =	stream.indirect.gather [hbm4b:s4+s15], $0x80, s3, s15, $0xb8;
	[tilespmem:$0x18100] =	vst v63  }
0x32: {  	_ =	swait.ge [sflag:s14], $0x4000  }
.Ltmp0:
0x33: {  	[sflag:s14] =	ssyncset.done $0x0;
	(pc) =	sbr.rel @p0 .LBB2_2-.Ltmp0, $4  }
0x34: {  	[sflag:s14] =	ssyncadd.s32 $0xFFFFC000  }
0x35: {  	[spmem:s2] =	stream.indirect.scatter.add.f32 [tilespmem:s16], [sflag:$0x1], $0x80, s15, s15, $0xb8;
	[tilespmem:$0x18100] =	vst v63  }
0x36: {  	_ =	swait.ge [sflag:s14], $0x4000  }
0x37: {  	s20 =	smov.u32 s23;
	[sflag:s14] =	ssyncset.done $0x0  }
0x38: {  	s20 =	sadd.s32 s19, s12;
	[sflag:s14] =	ssyncadd.s32 $0xFFFFC000  }
0x39: {  	[tilespmem:s3], [sflag:$0x1] =	stream.linear.gather [hbm4b:s20+s3], $0x80, $0x38;
	[tilespmem:$0x18100] =	vst v63  }
0x3a: {  	_ =	swait.ge [sflag:s14], $0x80  }
0x3b: {  	[sflag:s14] =	ssyncset.done $0x0  }
0x3c: {  	s29 =	sadd.s32 s19, s11;
	[sflag:s14] =	ssyncadd.s32 $0xFFFFFF80  }
0x3d: {  	[tilespmem:s15], [sflag:$0x1] =	stream.linear.gather [hbm4b:s29+s3], $0x80, $0x38;
	[tilespmem:$0x18100] =	vst v63  }
0x3e: {  	_ =	swait.ge [sflag:s14], $0x80  }
0x3f: {  	[sflag:s14] =	ssyncset.done $0x0  }
0x40: {  	[sflag:s14] =	ssyncadd.s32 $0xFFFFFF80  }
0x41: {  	[tilespmem:s16], [sflag:$0x1] =	stream.indirect.gather [hbm4b:s4+s15], $0x80, s3, s15, $0xb8;
	[tilespmem:$0x18100] =	vst v63  }
0x42: {  	_ =	swait.ge [sflag:s14], $0x4000  }
0x43: {  	[sflag:s14] =	ssyncset.done $0x0  }
0x44: {  	[sflag:s14] =	ssyncadd.s32 $0xFFFFC000  }
0x45: {  	[spmem:s2] =	stream.indirect.scatter.add.f32 [tilespmem:s16], [sflag:$0x1], $0x80, s15, s15, $0xb8;
	[tilespmem:$0x18100] =	vst v63  }
0x46: {  	_ =	swait.ge [sflag:s14], $0x4000  }
0x47: {  	[sflag:s14] =	ssyncset.done $0x0  }
0x48: {  	[sflag:s14] =	ssyncadd.s32 $0xFFFFC000  }
0x49: {  	[bflag:$0x0] =	sbarrier.arrive $0xFFFF  }
0x4a: {  	[hbm:s7], [sflag:s6] =	dma.local [spmem:s13], $0x2800  }
0x4b: {  	_ =	swait.ge [sflag:s14], $0x2800  }
0x4c: {  	[sflag:s14] =	ssyncset.done $0x0  }
0x4d: {  	[sflag:s14] =	ssyncadd.s32 $0xFFFFD800  }
0x4e: {  	[bflag:$0x0] =	sbarrier.arrive $0xFFFF  }
0x4f: {  	[spmem:s13], [sflag:s6] =	dma.local [hbm:s17], $0x2800  }
0x50: {  	_ =	swait.ge [sflag:s14], $0x2800  }
0x51: {  	[sflag:s14] =	ssyncset.done $0x0  }
0x52: {  	[sflag:s14] =	ssyncadd.s32 $0xFFFFD800  }
0x53: {  	s30 =	sadd.s32 $0x0, s12;
	[bflag:$0x0] =	sbarrier.arrive $0xFFFF  }
0x54: {  	[tilespmem:s3], [sflag:$0x1] =	stream.linear.gather [hbm4b:s30+s3], $0x80, $0x38;
	[tilespmem:$0x18100] =	vst v63  }
0x55: {  	_ =	swait.ge [sflag:s14], $0x80  }
0x56: {  	[sflag:s14] =	ssyncset.done $0x0  }
0x57: {  	s31 =	sadd.s32 $0x0, s11;
	[sflag:s14] =	ssyncadd.s32 $0xFFFFFF80  }
0x58: {  	[tilespmem:s15], [sflag:$0x1] =	stream.linear.gather [hbm4b:s31+s3], $0x80, $0x38;
	[tilespmem:$0x18100] =	vst v63  }
0x59: {  	_ =	swait.ge [sflag:s14], $0x80  }
0x5a: {  	[sflag:s14] =	ssyncset.done $0x0  }
0x5b: {  	[sflag:s14] =	ssyncadd.s32 $0xFFFFFF80  }
0x5c: {  	[tilespmem:s16], [sflag:$0x1] =	stream.indirect.gather [hbm4b:s8+s15], $0x80, s3, s15, $0xb8;
	[tilespmem:$0x18100] =	vst v63  }
0x5d: {  	_ =	swait.ge [sflag:s14], $0x4000  }
0x5e: {  	[sflag:s14] =	ssyncset.done $0x0  }
0x5f: {  	[sflag:s14] =	ssyncadd.s32 $0xFFFFC000  }
0x60: {  	[spmem:s2] =	stream.indirect.scatter.add.f32 [tilespmem:s16], [sflag:$0x1], $0x80, s15, s15, $0xb8;
	[tilespmem:$0x18100] =	vst v63  }
0x61: {  	_ =	swait.ge [sflag:s14], $0x4000  }
0x62: {  	s19 =	simm.s32 $0x80;
	s20 =	simm.s32 $0x100;
	[sflag:s14] =	ssyncset.done $0x0  }
.LBB2_4:
0x63: {  	s21 =	sadd.s32 s19, s12  }
0x64: {  	[sflag:s14] =	ssyncadd.s32 $0xFFFFC000;
	s22 =	smov.u32 s20;
	s23 =	sadd.s32 $0x80, s20  }
0x65: {  	[tilespmem:s3], [sflag:$0x1] =	stream.linear.gather [hbm4b:s21+s3], $0x80, $0x38;
	[tilespmem:$0x18100] =	vst v63  }
0x66: {  	p0 =	sne.s32 s20, $0x2700;
	_ =	swait.ge [sflag:s14], $0x80  }
0x67: {  	[sflag:s14] =	ssyncset.done $0x0  }
0x68: {  	s20 =	sadd.s32 s19, s11;
	s19 =	smov.u32 s22;
	[sflag:s14] =	ssyncadd.s32 $0xFFFFFF80  }
0x69: {  	[tilespmem:s15], [sflag:$0x1] =	stream.linear.gather [hbm4b:s20+s3], $0x80, $0x38;
	[tilespmem:$0x18100] =	vst v63  }
0x6a: {  	_ =	swait.ge [sflag:s14], $0x80  }
0x6b: {  	[sflag:s14] =	ssyncset.done $0x0  }
0x6c: {  	[sflag:s14] =	ssyncadd.s32 $0xFFFFFF80  }
0x6d: {  	[tilespmem:s16], [sflag:$0x1] =	stream.indirect.gather [hbm4b:s8+s15], $0x80, s3, s15, $0xb8;
	[tilespmem:$0x18100] =	vst v63  }
0x6e: {  	_ =	swait.ge [sflag:s14], $0x4000  }
.Ltmp1:
0x6f: {  	[sflag:s14] =	ssyncset.done $0x0;
	(pc) =	sbr.rel @p0 .LBB2_4-.Ltmp1, $4  }
0x70: {  	[sflag:s14] =	ssyncadd.s32 $0xFFFFC000  }
0x71: {  	[spmem:s2] =	stream.indirect.scatter.add.f32 [tilespmem:s16], [sflag:$0x1], $0x80, s15, s15, $0xb8;
	[tilespmem:$0x18100] =	vst v63  }
0x72: {  	_ =	swait.ge [sflag:s14], $0x4000  }
0x73: {  	s20 =	smov.u32 s23;
	[sflag:s14] =	ssyncset.done $0x0  }
0x74: {  	s20 =	sadd.s32 s19, s12;
	[sflag:s14] =	ssyncadd.s32 $0xFFFFC000  }
0x75: {  	[tilespmem:s3], [sflag:$0x1] =	stream.linear.gather [hbm4b:s20+s3], $0x80, $0x38;
	[tilespmem:$0x18100] =	vst v63  }
0x76: {  	_ =	swait.ge [sflag:s14], $0x80  }
0x77: {  	[sflag:s14] =	ssyncset.done $0x0  }
0x78: {  	s31 =	sadd.s32 s19, s11;
	[sflag:s14] =	ssyncadd.s32 $0xFFFFFF80  }
0x79: {  	[tilespmem:s15], [sflag:$0x1] =	stream.linear.gather [hbm4b:s31+s3], $0x80, $0x38;
	[tilespmem:$0x18100] =	vst v63  }
0x7a: {  	_ =	swait.ge [sflag:s14], $0x80  }
0x7b: {  	[sflag:s14] =	ssyncset.done $0x0  }
0x7c: {  	[sflag:s14] =	ssyncadd.s32 $0xFFFFFF80  }
0x7d: {  	[tilespmem:s16], [sflag:$0x1] =	stream.indirect.gather [hbm4b:s8+s15], $0x80, s3, s15, $0xb8;
	[tilespmem:$0x18100] =	vst v63  }
0x7e: {  	_ =	swait.ge [sflag:s14], $0x4000  }
0x7f: {  	[sflag:s14] =	ssyncset.done $0x0  }
0x80: {  	[sflag:s14] =	ssyncadd.s32 $0xFFFFC000  }
0x81: {  	[spmem:s2] =	stream.indirect.scatter.add.f32 [tilespmem:s16], [sflag:$0x1], $0x80, s15, s15, $0xb8;
	[tilespmem:$0x18100] =	vst v63  }
0x82: {  	_ =	swait.ge [sflag:s14], $0x4000  }
0x83: {  	[sflag:s14] =	ssyncset.done $0x0  }
0x84: {  	s18 =	sadd.s32 $0x1, s18;
	[sflag:s14] =	ssyncadd.s32 $0xFFFFC000  }
0x85: {  	p0 =	sne.s32 s18, s10;
	[bflag:$0x0] =	sbarrier.arrive $0xFFFF  }
0x86: {  	[hbm:s9], [sflag:s6] =	dma.local [spmem:s13], $0x2800  }
.Ltmp2:
0x87: {  	_ =	swait.ge [sflag:s14], $0x2800;
	(pc) =	sbr.rel @p0 .LBB2_1-.Ltmp2, $3  }
0x88: {  	[sflag:s14] =	ssyncset.done $0x0  }
0x89: {  	[sflag:s14] =	ssyncadd.s32 $0xFFFFD800  }
0x8a: {  	[bflag:$0x0] =	sbarrier.arrive $0xFFFF;
	_ =	sdelay $0x1  }
0x8b: {  	_ =	sfence.sel $0x180000  }
0x8c: {  	[bflag:$0x0] =	sbarrier.arrive $0xFFFF  }
0x8d: {  	p0 =	sne.s32 s1, $0x0;
	_ =	strace $0x9000004D  }
0x8e: {  	s0 =	sadd.s32 @!p0 $0x100000, s0;
	[bflag:$0x2] =	sbarrier.arrive $0xFFFF  }
0x8f: {  	[sflag:s0] =	ssyncadd.tile.s32 @!p0 $0x1;
	_ =	shalt  }
.Lfunc_end2:
_tile_overlayer_lowered:
.L_overlay_start_2:
0x90: {  	(tag) =	ssettag $0x2  }
0x91: {  	s0 =	rddreg [dreg:$0x0];
	s2 =	stileid.u32  }
0x92: {  	s1 =	rddreg [dreg:$0x1];
	p0 =	sne.s32 s2, $0x0  }
0x93: {  	s3 =	rddreg [dreg:$0x2];
	[bflag:$0x3] =	sbarrier.arrive $0xFFFF;
	s2 =	simm.s32 @!p0 $0x1C01  }
0x94: {  	[timem:s3], [sflag:s2] =	dma.local @!p0 [hbm:s0], s1  }
0x95: {  	s0 =	simm.s32 @!p0 $0x1  }
0x96: {  	_ =	swait.ge @!p0 [sflag:s0], s1  }
0x97: {  	s1 =	ssub.s32 @!p0 $0x0, s1;
	[sflag:s0] =	ssyncset.done @!p0 $0x0  }
0x98: {  	[sflag:s0] =	ssyncadd.s32 @!p0 s1  }
0x99: {  	[bflag:$0x3] =	sbarrier.arrive $0xFFFF  }
0x9a: {  	_ =	shalt  }

// kernel: kernel.23.cloned.1.call-start
scs
__scs_entry_jumppad:
0x0: {  	(pc) =	sbr.rel $0x88, $3  }
0x1: {  	(tag) =	ssettag $0x0;
	lr =	simm.s32 $0x1  }
0x2: {  	[smem:$0x3F81] =	sst lr;
	_ =	strace $0xD0000000  }
0x3: {  	_ = 	snop  }
0x4: {  	_ = 	snop  }
0x5: {  	_ = 	snop  }
0x6: {  	_ = 	snop  }
0x7: {  	_ = 	snop  }
__scs_overlays_trampoline_lowered:
0x8: {  	[smem:$0x3F90] =	sst s0  }
0x9: {  	[smem:$0x3F91] =	sst s1  }
0xa: {  	[smem:$0x3F92] =	sst s2  }
0xb: {  	[smem:$0x3F93] =	sst s3  }
0xc: {  	[smem:$0x3F94] =	sst s4  }
0xd: {  	[smem:$0x3F95] =	sst s5  }
0xe: {  	[smem:$0x3F96] =	sst s6  }
0xf: {  	[smem:$0x3F97] =	sst s7  }
0x10: {  	[smem:$0x3F98] =	sst s8  }
0x11: {  	[smem:$0x3F99] =	sst s9;
	s0 =	simm.s32 @!p0 $0x0  }
0x12: {  	s1 =	sld [smem:$0x3F7F];
	s0 =	simm.s32 @p0 $0x1  }
0x13: {  	[smem:$0x3F9A] =	sst s0;
	s0 =	simm.s32 @!p1 $0x0  }
0x14: {  	s2 =	sld [smem:$0x3F7E];
	s0 =	simm.s32 @p1 $0x1  }
0x15: {  	[smem:$0x3F9B] =	sst s0;
	s0 =	simm.s32 @!p2 $0x0  }
0x16: {  	s3 =	sld [smem:$0x3FDB];
	s0 =	simm.s32 @p2 $0x1  }
0x17: {  	s4 =	simm.s32 $0x1BF5;
	[smem:$0x3F9D] =	sst s0  }
0x18: {  	s0 =	sld [smem:$0x3F80];
	_ =	swait.ge [sflag:s4], $0x0  }
0x19: {  	s7 =	sld [smem:$0x3F81]  }
0x1a: {  	s8 =	sadd.s32 $0xFFFFE003, lr  }
0x1b: {  	s9 =	sadd.s32 $0xFFFFFEF7, lr;
	s5 =	simm.s32 $0xFFFFFFFF;
	p2 =	slt.u32 s8, $0xFFFFF086  }
0x1c: {  	p1 =	slt.u32 s9, $0xF7A;
	s5 =	simm.s32 @!p2 $0x0  }
0x1d: {  	s5 =	simm.s32 @p1 $0x1;
	p0 =	seq.s32 s7, s2  }
0x1e: {  	s7 =	smul.u32 @!p0 $0xF7A, s2;
	p2 =	seq.s32 @!p0 s5, $0x0  }
0x1f: {  	s9 =	smul.u32 $0xF7A, s1;
	s8 =	simm.s32 @!p0 $0x1BF5;
	p2 =	por !p2, p0  }
0x20: {  	[sflag:s8] =	ssyncset.s32 @!p0 $0xFFFFF086;
	s6 =	sadd.s32 @!p0 s3, s7;
	s7 =	simm.s32 @!p0 $0x108  }
0x21: {  	s3 =	sadd.s32 s3, s9;
	s6 =	sadd.s32 @!p0 $0x88, s6;
	s7 =	simm.s32 @p2 $0x1082  }
0x22: {  	[simem:s7], [sflag:s8] =	dma.local @!p0 [hbm:s6], $0xF7A  }
0x23: {  	s9 =	sor.u32 $0xD0000000, s2;
	s6 =	simm.s32 $0x108;
	_ =	swait.ge @!p0 [sflag:s8], $0x0  }
0x24: {  	s3 =	sadd.s32 $0x88, s3;
	s6 =	simm.s32 @!p1 $0x1082;
	[sflag:s4] =	ssyncset.s32 $0xFFFFF086  }
0x25: {  	[simem:s6], [sflag:s4] =	dma.local [hbm:s3], $0xF7A  }
0x26: {  	[smem:$0x3F81] =	sst s1;
	(tag) =	ssettag s2;
	_ =	strace s9  }
0x27: {  	s1 =	sld [smem:$0x3F91]  }
0x28: {  	s2 =	sld [smem:$0x3F92]  }
0x29: {  	s4 =	sld [smem:$0x3F94]  }
0x2a: {  	p0 =	seq.s32 s5, $0x0;
	s5 =	sld [smem:$0x3F95]  }
0x2b: {  	s6 =	sld [smem:$0x3F96]  }
0x2c: {  	s7 =	sld [smem:$0x3F97]  }
0x2d: {  	s3 =	simm.s32 $0x108;
	s8 =	sld [smem:$0x3F98]  }
0x2e: {  	s3 =	simm.s32 @!p0 $0x1082;
	s9 =	sld [smem:$0x3F99]  }
0x2f: {  	lr =	sadd.s32 s0, s3;
	s0 =	sld [smem:$0x3F90]  }
0x30: {  	s3 =	sld [smem:$0x3F93]  }
0x31: {  	[smem:$0x3F9C] =	sst s10  }
0x32: {  	s10 =	sld [smem:$0x3F9A];
	_ =	sdelay $0x3  }
0x33: {  	p0 =	seq.s32 s10, $0x1;
	s10 =	sld [smem:$0x3F9C];
	_ =	sdelay $0x3  }
0x34: {  	[smem:$0x3F9C] =	sst s10  }
0x35: {  	s10 =	sld [smem:$0x3F9B];
	_ =	sdelay $0x3  }
0x36: {  	p1 =	seq.s32 s10, $0x1;
	s10 =	sld [smem:$0x3F9C];
	_ =	sdelay $0x3  }
0x37: {  	[smem:$0x3F9C] =	sst s10  }
0x38: {  	s10 =	sld [smem:$0x3F9D]  }
0x39: {  	_ = 	snop;
	(pc) =	sbr.ind lr, $3  }
0x3a: {  	_ = 	snop  }
0x3b: {  	_ = 	snop  }
0x3c: {  	p2 =	seq.s32 s10, $0x1;
	s10 =	sld [smem:$0x3F9C]  }
0x3d: {  	_ =	shalt  }
0x3e: {  	_ =	shalt  }
0x3f: {  	_ =	shalt  }
0x40: {  	_ =	shalt  }
0x41: {  	_ =	shalt  }
0x42: {  	_ =	shalt  }
0x43: {  	_ =	shalt  }
0x44: {  	_ =	shalt  }
0x45: {  	_ =	shalt  }
0x46: {  	_ =	shalt  }
0x47: {  	_ =	shalt  }
0x48: {  	_ =	shalt  }
0x49: {  	_ =	shalt  }
0x4a: {  	_ =	shalt  }
0x4b: {  	_ =	shalt  }
0x4c: {  	_ =	shalt  }
0x4d: {  	_ =	shalt  }
0x4e: {  	_ =	shalt  }
0x4f: {  	_ =	shalt  }
0x50: {  	_ =	shalt  }
0x51: {  	_ =	shalt  }
0x52: {  	_ =	shalt  }
0x53: {  	_ =	shalt  }
0x54: {  	_ =	shalt  }
0x55: {  	_ =	shalt  }
0x56: {  	_ =	shalt  }
0x57: {  	_ =	shalt  }
0x58: {  	_ =	shalt  }
0x59: {  	_ =	shalt  }
0x5a: {  	_ =	shalt  }
0x5b: {  	_ =	shalt  }
0x5c: {  	_ =	shalt  }
0x5d: {  	_ =	shalt  }
0x5e: {  	_ =	shalt  }
0x5f: {  	_ =	shalt  }
0x60: {  	_ =	shalt  }
0x61: {  	_ =	shalt  }
0x62: {  	_ =	shalt  }
0x63: {  	_ =	shalt  }
0x64: {  	_ =	shalt  }
0x65: {  	_ =	shalt  }
0x66: {  	_ =	shalt  }
0x67: {  	_ =	shalt  }
0x68: {  	_ =	shalt  }
0x69: {  	_ =	shalt  }
0x6a: {  	_ =	shalt  }
0x6b: {  	_ =	shalt  }
0x6c: {  	_ =	shalt  }
0x6d: {  	_ =	shalt  }
0x6e: {  	_ =	shalt  }
0x6f: {  	_ =	shalt  }
0x70: {  	_ =	shalt  }
0x71: {  	_ =	shalt  }
0x72: {  	_ =	shalt  }
0x73: {  	_ =	shalt  }
0x74: {  	_ =	shalt  }
0x75: {  	_ =	shalt  }
0x76: {  	_ =	shalt  }
0x77: {  	_ =	shalt  }
0x78: {  	_ =	shalt  }
0x79: {  	_ =	shalt  }
0x7a: {  	_ =	shalt  }
0x7b: {  	_ =	shalt  }
0x7c: {  	_ =	shalt  }
0x7d: {  	_ =	shalt  }
0x7e: {  	_ =	shalt  }
0x7f: {  	_ =	shalt  }
0x80: {  	_ =	shalt  }
0x81: {  	_ =	shalt  }
0x82: {  	_ =	shalt  }
0x83: {  	_ =	shalt  }
0x84: {  	_ =	shalt  }
0x85: {  	_ =	shalt  }
0x86: {  	_ =	shalt  }
0x87: {  	_ =	shalt  }
.Lfunc_end0:
.L_simem_size_0:
called_computation.3_lowered:
.L_overlay_start_0:
0x88: {  	s2 =	sld [smem:$0x3FD9]  }
0x89: {  	s3 =	sld [smem:$0x3FFE];
	_ =	sdelay $0x1  }
0x8a: {  	s1 =	srdreg.scid  }
0x8b: {  	s0 =	sand.u32 $0x1, s1  }
0x8c: {  	s16 =	sshll.u32 s0, $0xA;
	s2 =	sadd.s32 s3, s2  }
0x8d: {  	s2 =	sadd.s32 s2, s16  }
0x8e: {  	[smem:$0x3FA8] =	sst s2  }
0x8f: {  	_ = 	snop  }
0x90: {  	(tm) =	ssettm $0x1  }
0x91: {  	s17 =	sld [smem:$0x3FFB];
	_ =	sdelay $0x3  }
0x92: {  	_ =	strace s17  }
0x93: {  	s2 =	sld [smem:$0x3FFC];
	_ =	sdelay $0x3  }
0x94: {  	_ =	strace s2  }
0x95: {  	s2 =	sld [smem:$0x3FFD];
	_ =	sdelay $0x3  }
0x96: {  	_ =	strace s2  }
0x97: {  	_ =	strace $0x8FFFFFFF  }
0x98: {  	s18 =	sld [smem:$0x3FDB];
	_ =	sdelay $0x1  }
0x99: {  	s19 =	simm.s32 $_scs_section_size  }
0x9a: {  	s4 =	simm.s32 $_size__tile_overlayer_lowered;
	s5 =	simm.s32 $_tile_overlayer_lowered  }
0x9b: {  	s22 =	simm.s32 $0x1BFF;
	s21 =	sshll.u32 s5, $0x1;
	s2 =	sadd.s32 s19, s18  }
0x9c: {  	s6 =	simm.s32 $0x0;
	s20 =	sshll.u32 s4, $0x1;
	s4 =	sadd.s32 s21, s2  }
0x9d: {  	[timem:s6], [sflag:s22] =	dma.local [hbm:s4], s20  }
0x9e: {  	_ =	swait.ge [sflag:s22], s20  }
0x9f: {  	s3 =	ssub.s32 $0x0, s20;
	[sflag:s22] =	ssyncset.done $0x0  }
0xa0: {  	[sflag:s22] =	ssyncadd.s32 s3;
	_ =	sdelay $0x1  }
0xa1: {  	s23 =	simm.s32 $0x1B8B  }
0xa2: {  	_ =	swait.ge [sflag:s23], $0x1  }
0xa3: {  	[sflag:s23] =	ssyncset.done $0x0  }
0xa4: {  	s25 =	simm.s32 $0x1B8E;
	s24 =	sld [smem:$0x3FFE];
	[sflag:s23] =	ssyncadd.s32 $0xFFFFFFFF  }
0xa5: {  	s26 =	simm.s32 $execute0_lowered;
	[smem:$0x3FD2] =	sst s25  }
0xa6: {  	s4 =	sshll.u32 s26, $0x1;
	_ =	strace $0x8000004F;
	[dreg:$0x1] =	wrdreg $0xFFFFFFFF  }
0xa7: {  	s28 =	simm.s32 $_size_execute0_lowered;
	s2 =	sadd.s32 s2, s4;
	[dreg:$0x0] =	wrdreg $0x0  }
0xa8: {  	s4 =	sshll.u32 s28, $0x1;
	[dreg:$0x2] =	wrdreg s2  }
0xa9: {  	[dreg:$0x3] =	wrdreg s4  }
0xaa: {  	[dreg:$0x4] =	wrdreg $0xC0  }
0xab: {  	_ =	task [dreg:s6], $0x5FFFF  }
0xac: {  	[dreg:$0x1] =	wrdreg $0xFFFFFFFF  }
0xad: {  	[dreg:$0x0] =	wrdreg $0x60  }
0xae: {  	[dreg:$0x2] =	wrdreg s24  }
0xaf: {  	[dreg:$0x3] =	wrdreg $0x41000  }
0xb0: {  	[dreg:$0x4] =	wrdreg $0x9  }
0xb1: {  	_ =	task.clear_ibuf [dreg:s6], $0x5FFFF;
	_ =	strace $0x9000004F  }
0xb2: {  	s29 =	simm.s32 $0x9;
	_ =	strace $0x80000051  }
0xb3: {  	_ =	swait.ge [sflag:s29], $0x1  }
0xb4: {  	[sflag:s29] =	ssyncadd.s32 $0xFFFFFFFF  }
0xb5: {  	_ =	strace $0x90000051  }
0xb6: {  	_ =	sfence  }
0xb7: {  	s30 =	sld [smem:$0x0];
	_ =	sdelay $0x2  }
0xb8: {  	s31 =	sshll.u32 s1, $0xD;
	s1 =	sshrl.u32 s1, $0x2  }
0xb9: {  	s3 =	sand.u32 $0x4000, s31;
	s1 =	sadd.s32 s1, s30  }
0xba: {  	s0 =	sor.u32 s3, s0;
	s1 =	sshll.u32 s1, $0x11  }
0xbb: {  	s0 =	sor.u32 s1, s0  }
0xbc: {  	s0 =	sadd.s32 $0x8F2B, s0  }
0xbd: {  	[sflag:s0] =	ssyncadd.remote.s32 $0x1  }
0xbe: {  	_ =	sfence.sel $0xFFFF  }
0xbf: {  	[dreg:$0x0] =	wrdreg $0xFFFFFFFF;
	(pc) =	sbr.abs _section_cstart, $3  }
0xc0: {  	[dreg:$0x1] =	wrdreg $0xFFFFFFFF  }
0xc1: {  	_ =	task.clear_ibuf [dreg:s6], $0x2FFFF;
	_ =	strace $0x9FFFFFFF  }
0xc2: {  	(tm) =	ssettm $0x7FFFFFFF  }
0xc3: {  	_ =	shalt  }
tec
execute0_lowered:
.L_overlay_start_1:
0x0: {  	(tag) =	ssettag $0x1  }
0x1: {  	s4 =	rddreg [dreg:$0x0]  }
0x2: {  	s2 =	rddreg [dreg:$0x1]  }
0x3: {  	s1 =	stileid.u32;
	s0 =	rddreg [dreg:$0x2];
	s3 =	simm.s32 $0x0  }
0x4: {  	s24 =	srdreg.scid;
	s16 =	simm.s32 $0x100;
	s18 =	simm.s32 $0x0  }
0x5: {  	s5 =	sshrl.u32 s1, $0x3;
	[smem:$0x7FF] =	sst s3;
	s7 =	smul.u32 $0x50000, s1  }
0x6: {  	s6 =	sshll.u32 s1, $0x7;
	s8 =	sadd.s32 $0xC7000, s4;
	s11 =	smul.u32 $0x14000, s1  }
0x7: {  	s10 =	sadd.s32 $0x1F000, s4;
	s30 =	sshll.u32 s1, $0x6;
	s5 =	smul.u32 $0x13C00, s5  }
0x8: {  	_ =	strace $0x80000050;
	s6 =	sand.u32 $0x380, s6;
	s28 =	sshrl.u32 s7, $0x2  }
0x9: {  	s17 =	sshrl.u32 s11, $0x3;
	s5 =	sor.u32 s6, s5;
	s6 =	sand.u32 $0x1, s24  }
0xa: {  	s14 =	sadd.s32 s28, s2;
	s25 =	ssub.s32 $0x2, s6;
	s9 =	smul.u32 $0x280000, s6  }
0xb: {  	s5 =	sshrl.u32 s5, $0x3;
	s6 =	sor.u32 $0x1C01, s30;
	s26 =	sshrl.u32 s25, $0x1  }
0xc: {  	s12 =	sadd.s32 s5, s4;
	s13 =	ssub.s32 s25, s26;
	s29 =	sshrl.u32 s9, $0x3  }
0xd: {  	s31 =	sadd.s32 $0x140000, s9;
	s9 =	sadd.s32 s11, s9;
	s4 =	sadd.s32 s8, s29  }
0xe: {  	s11 =	sadd.s32 s11, s31;
	s9 =	sshrl.u32 s9, $0x3;
	s15 =	sshrl.u32 s31, $0x3  }
0xf: {  	s5 =	sadd.s32 s17, s4;
	s11 =	sshrl.u32 s11, $0x3;
	s7 =	sadd.s32 s10, s9  }
0x10: {  	s8 =	sadd.s32 s8, s15;
	s15 =	simm.s32 $0x80;
	s9 =	sadd.s32 s10, s11  }
0x11: {  	s10 =	smax.u32 s13, $0x1;
	s11 =	sadd.s32 $0x15000, s12;
	s12 =	sadd.s32 $0x1A000, s12  }
0x12: {  	s13 =	sshrl.u32 s14, $0x3;
	s14 =	simm.s32 $0x1;
	s17 =	sadd.s32 s17, s8  }
.LBB2_1:
0x13: {  	[spmem:s13], [sflag:s6] =	dma.local [hbm:s5], $0x2800  }
0x14: {  	_ =	swait.ge [sflag:s14], $0x2800  }
0x15: {  	[sflag:s14] =	ssyncset.done $0x0  }
0x16: {  	[sflag:s14] =	ssyncadd.s32 $0xFFFFD800  }
0x17: {  	s19 =	sadd.s32 $0x0, s12;
	[bflag:$0x0] =	sbarrier.arrive $0xFFFF  }
0x18: {  	[tilespmem:s3], [sflag:$0x1] =	stream.linear.gather [hbm4b:s19+s3], $0x80, $0x38;
	[tilespmem:$0x18100] =	vst v63  }
0x19: {  	_ =	swait.ge [sflag:s14], $0x80  }
0x1a: {  	[sflag:s14] =	ssyncset.done $0x0  }
0x1b: {  	s31 =	sadd.s32 $0x0, s11;
	[sflag:s14] =	ssyncadd.s32 $0xFFFFFF80  }
0x1c: {  	[tilespmem:s15], [sflag:$0x1] =	stream.linear.gather [hbm4b:s31+s3], $0x80, $0x38;
	[tilespmem:$0x18100] =	vst v63  }
0x1d: {  	_ =	swait.ge [sflag:s14], $0x80  }
0x1e: {  	[sflag:s14] =	ssyncset.done $0x0  }
0x1f: {  	[sflag:s14] =	ssyncadd.s32 $0xFFFFFF80  }
0x20: {  	[tilespmem:s16], [sflag:$0x1] =	stream.indirect.gather [hbm4b:s4+s15], $0x80, s3, s15, $0xb8;
	[tilespmem:$0x18100] =	vst v63  }
0x21: {  	_ =	swait.ge [sflag:s14], $0x4000  }
0x22: {  	[sflag:s14] =	ssyncset.done $0x0  }
0x23: {  	[sflag:s14] =	ssyncadd.s32 $0xFFFFC000  }
0x24: {  	[spmem:s2] =	stream.indirect.scatter.add.f32 [tilespmem:s16], [sflag:$0x1], $0x80, s15, s15, $0xb8;
	[tilespmem:$0x18100] =	vst v63  }
0x25: {  	_ =	swait.ge [sflag:s14], $0x4000  }
0x26: {  	s20 =	simm.s32 $0x100;
	s19 =	simm.s32 $0x80;
	[sflag:s14] =	ssyncset.done $0x0  }
.LBB2_2:
0x27: {  	s21 =	sadd.s32 s19, s12  }
0x28: {  	[sflag:s14] =	ssyncadd.s32 $0xFFFFC000;
	s22 =	smov.u32 s20;
	s23 =	sadd.s32 $0x80, s20  }
0x29: {  	[tilespmem:s3], [sflag:$0x1] =	stream.linear.gather [hbm4b:s21+s3], $0x80, $0x38;
	[tilespmem:$0x18100] =	vst v63  }
0x2a: {  	p0 =	sne.s32 s20, $0x2700;
	_ =	swait.ge [sflag:s14], $0x80  }
0x2b: {  	[sflag:s14] =	ssyncset.done $0x0  }
0x2c: {  	s20 =	sadd.s32 s19, s11;
	s19 =	smov.u32 s22;
	[sflag:s14] =	ssyncadd.s32 $0xFFFFFF80  }
0x2d: {  	[tilespmem:s15], [sflag:$0x1] =	stream.linear.gather [hbm4b:s20+s3], $0x80, $0x38;
	[tilespmem:$0x18100] =	vst v63  }
0x2e: {  	_ =	swait.ge [sflag:s14], $0x80  }
0x2f: {  	[sflag:s14] =	ssyncset.done $0x0  }
0x30: {  	[sflag:s14] =	ssyncadd.s32 $0xFFFFFF80  }
0x31: {  	[tilespmem:s16], [sflag:$0x1] =	stream.indirect.gather [hbm4b:s4+s15], $0x80, s3, s15, $0xb8;
	[tilespmem:$0x18100] =	vst v63  }
0x32: {  	_ =	swait.ge [sflag:s14], $0x4000  }
.Ltmp0:
0x33: {  	[sflag:s14] =	ssyncset.done $0x0;
	(pc) =	sbr.rel @p0 .LBB2_2-.Ltmp0, $4  }
0x34: {  	[sflag:s14] =	ssyncadd.s32 $0xFFFFC000  }
0x35: {  	[spmem:s2] =	stream.indirect.scatter.add.f32 [tilespmem:s16], [sflag:$0x1], $0x80, s15, s15, $0xb8;
	[tilespmem:$0x18100] =	vst v63  }
0x36: {  	_ =	swait.ge [sflag:s14], $0x4000  }
0x37: {  	s20 =	smov.u32 s23;
	[sflag:s14] =	ssyncset.done $0x0  }
0x38: {  	s20 =	sadd.s32 s19, s12;
	[sflag:s14] =	ssyncadd.s32 $0xFFFFC000  }
0x39: {  	[tilespmem:s3], [sflag:$0x1] =	stream.linear.gather [hbm4b:s20+s3], $0x80, $0x38;
	[tilespmem:$0x18100] =	vst v63  }
0x3a: {  	_ =	swait.ge [sflag:s14], $0x80  }
0x3b: {  	[sflag:s14] =	ssyncset.done $0x0  }
0x3c: {  	s29 =	sadd.s32 s19, s11;
	[sflag:s14] =	ssyncadd.s32 $0xFFFFFF80  }
0x3d: {  	[tilespmem:s15], [sflag:$0x1] =	stream.linear.gather [hbm4b:s29+s3], $0x80, $0x38;
	[tilespmem:$0x18100] =	vst v63  }
0x3e: {  	_ =	swait.ge [sflag:s14], $0x80  }
0x3f: {  	[sflag:s14] =	ssyncset.done $0x0  }
0x40: {  	[sflag:s14] =	ssyncadd.s32 $0xFFFFFF80  }
0x41: {  	[tilespmem:s16], [sflag:$0x1] =	stream.indirect.gather [hbm4b:s4+s15], $0x80, s3, s15, $0xb8;
	[tilespmem:$0x18100] =	vst v63  }
0x42: {  	_ =	swait.ge [sflag:s14], $0x4000  }
0x43: {  	[sflag:s14] =	ssyncset.done $0x0  }
0x44: {  	[sflag:s14] =	ssyncadd.s32 $0xFFFFC000  }
0x45: {  	[spmem:s2] =	stream.indirect.scatter.add.f32 [tilespmem:s16], [sflag:$0x1], $0x80, s15, s15, $0xb8;
	[tilespmem:$0x18100] =	vst v63  }
0x46: {  	_ =	swait.ge [sflag:s14], $0x4000  }
0x47: {  	[sflag:s14] =	ssyncset.done $0x0  }
0x48: {  	[sflag:s14] =	ssyncadd.s32 $0xFFFFC000  }
0x49: {  	[bflag:$0x0] =	sbarrier.arrive $0xFFFF  }
0x4a: {  	[hbm:s7], [sflag:s6] =	dma.local [spmem:s13], $0x2800  }
0x4b: {  	_ =	swait.ge [sflag:s14], $0x2800  }
0x4c: {  	[sflag:s14] =	ssyncset.done $0x0  }
0x4d: {  	[sflag:s14] =	ssyncadd.s32 $0xFFFFD800  }
0x4e: {  	[bflag:$0x0] =	sbarrier.arrive $0xFFFF  }
0x4f: {  	[spmem:s13], [sflag:s6] =	dma.local [hbm:s17], $0x2800  }
0x50: {  	_ =	swait.ge [sflag:s14], $0x2800  }
0x51: {  	[sflag:s14] =	ssyncset.done $0x0  }
0x52: {  	[sflag:s14] =	ssyncadd.s32 $0xFFFFD800  }
0x53: {  	s30 =	sadd.s32 $0x0, s12;
	[bflag:$0x0] =	sbarrier.arrive $0xFFFF  }
0x54: {  	[tilespmem:s3], [sflag:$0x1] =	stream.linear.gather [hbm4b:s30+s3], $0x80, $0x38;
	[tilespmem:$0x18100] =	vst v63  }
0x55: {  	_ =	swait.ge [sflag:s14], $0x80  }
0x56: {  	[sflag:s14] =	ssyncset.done $0x0  }
0x57: {  	s31 =	sadd.s32 $0x0, s11;
	[sflag:s14] =	ssyncadd.s32 $0xFFFFFF80  }
0x58: {  	[tilespmem:s15], [sflag:$0x1] =	stream.linear.gather [hbm4b:s31+s3], $0x80, $0x38;
	[tilespmem:$0x18100] =	vst v63  }
0x59: {  	_ =	swait.ge [sflag:s14], $0x80  }
0x5a: {  	[sflag:s14] =	ssyncset.done $0x0  }
0x5b: {  	[sflag:s14] =	ssyncadd.s32 $0xFFFFFF80  }
0x5c: {  	[tilespmem:s16], [sflag:$0x1] =	stream.indirect.gather [hbm4b:s8+s15], $0x80, s3, s15, $0xb8;
	[tilespmem:$0x18100] =	vst v63  }
0x5d: {  	_ =	swait.ge [sflag:s14], $0x4000  }
0x5e: {  	[sflag:s14] =	ssyncset.done $0x0  }
0x5f: {  	[sflag:s14] =	ssyncadd.s32 $0xFFFFC000  }
0x60: {  	[spmem:s2] =	stream.indirect.scatter.add.f32 [tilespmem:s16], [sflag:$0x1], $0x80, s15, s15, $0xb8;
	[tilespmem:$0x18100] =	vst v63  }
0x61: {  	_ =	swait.ge [sflag:s14], $0x4000  }
0x62: {  	s19 =	simm.s32 $0x80;
	s20 =	simm.s32 $0x100;
	[sflag:s14] =	ssyncset.done $0x0  }
.LBB2_4:
0x63: {  	s21 =	sadd.s32 s19, s12  }
0x64: {  	[sflag:s14] =	ssyncadd.s32 $0xFFFFC000;
	s22 =	smov.u32 s20;
	s23 =	sadd.s32 $0x80, s20  }
0x65: {  	[tilespmem:s3], [sflag:$0x1] =	stream.linear.gather [hbm4b:s21+s3], $0x80, $0x38;
	[tilespmem:$0x18100] =	vst v63  }
0x66: {  	p0 =	sne.s32 s20, $0x2700;
	_ =	swait.ge [sflag:s14], $0x80  }
0x67: {  	[sflag:s14] =	ssyncset.done $0x0  }
0x68: {  	s20 =	sadd.s32 s19, s11;
	s19 =	smov.u32 s22;
	[sflag:s14] =	ssyncadd.s32 $0xFFFFFF80  }
0x69: {  	[tilespmem:s15], [sflag:$0x1] =	stream.linear.gather [hbm4b:s20+s3], $0x80, $0x38;
	[tilespmem:$0x18100] =	vst v63  }
0x6a: {  	_ =	swait.ge [sflag:s14], $0x80  }
0x6b: {  	[sflag:s14] =	ssyncset.done $0x0  }
0x6c: {  	[sflag:s14] =	ssyncadd.s32 $0xFFFFFF80  }
0x6d: {  	[tilespmem:s16], [sflag:$0x1] =	stream.indirect.gather [hbm4b:s8+s15], $0x80, s3, s15, $0xb8;
	[tilespmem:$0x18100] =	vst v63  }
0x6e: {  	_ =	swait.ge [sflag:s14], $0x4000  }
.Ltmp1:
0x6f: {  	[sflag:s14] =	ssyncset.done $0x0;
	(pc) =	sbr.rel @p0 .LBB2_4-.Ltmp1, $4  }
0x70: {  	[sflag:s14] =	ssyncadd.s32 $0xFFFFC000  }
0x71: {  	[spmem:s2] =	stream.indirect.scatter.add.f32 [tilespmem:s16], [sflag:$0x1], $0x80, s15, s15, $0xb8;
	[tilespmem:$0x18100] =	vst v63  }
0x72: {  	_ =	swait.ge [sflag:s14], $0x4000  }
0x73: {  	s20 =	smov.u32 s23;
	[sflag:s14] =	ssyncset.done $0x0  }
0x74: {  	s20 =	sadd.s32 s19, s12;
	[sflag:s14] =	ssyncadd.s32 $0xFFFFC000  }
0x75: {  	[tilespmem:s3], [sflag:$0x1] =	stream.linear.gather [hbm4b:s20+s3], $0x80, $0x38;
	[tilespmem:$0x18100] =	vst v63  }
0x76: {  	_ =	swait.ge [sflag:s14], $0x80  }
0x77: {  	[sflag:s14] =	ssyncset.done $0x0  }
0x78: {  	s31 =	sadd.s32 s19, s11;
	[sflag:s14] =	ssyncadd.s32 $0xFFFFFF80  }
0x79: {  	[tilespmem:s15], [sflag:$0x1] =	stream.linear.gather [hbm4b:s31+s3], $0x80, $0x38;
	[tilespmem:$0x18100] =	vst v63  }
0x7a: {  	_ =	swait.ge [sflag:s14], $0x80  }
0x7b: {  	[sflag:s14] =	ssyncset.done $0x0  }
0x7c: {  	[sflag:s14] =	ssyncadd.s32 $0xFFFFFF80  }
0x7d: {  	[tilespmem:s16], [sflag:$0x1] =	stream.indirect.gather [hbm4b:s8+s15], $0x80, s3, s15, $0xb8;
	[tilespmem:$0x18100] =	vst v63  }
0x7e: {  	_ =	swait.ge [sflag:s14], $0x4000  }
0x7f: {  	[sflag:s14] =	ssyncset.done $0x0  }
0x80: {  	[sflag:s14] =	ssyncadd.s32 $0xFFFFC000  }
0x81: {  	[spmem:s2] =	stream.indirect.scatter.add.f32 [tilespmem:s16], [sflag:$0x1], $0x80, s15, s15, $0xb8;
	[tilespmem:$0x18100] =	vst v63  }
0x82: {  	_ =	swait.ge [sflag:s14], $0x4000  }
0x83: {  	[sflag:s14] =	ssyncset.done $0x0  }
0x84: {  	s18 =	sadd.s32 $0x1, s18;
	[sflag:s14] =	ssyncadd.s32 $0xFFFFC000  }
0x85: {  	p0 =	sne.s32 s18, s10;
	[bflag:$0x0] =	sbarrier.arrive $0xFFFF  }
0x86: {  	[hbm:s9], [sflag:s6] =	dma.local [spmem:s13], $0x2800  }
.Ltmp2:
0x87: {  	_ =	swait.ge [sflag:s14], $0x2800;
	(pc) =	sbr.rel @p0 .LBB2_1-.Ltmp2, $3  }
0x88: {  	[sflag:s14] =	ssyncset.done $0x0  }
0x89: {  	[sflag:s14] =	ssyncadd.s32 $0xFFFFD800  }
0x8a: {  	[bflag:$0x0] =	sbarrier.arrive $0xFFFF;
	_ =	sdelay $0x1  }
0x8b: {  	_ =	sfence.sel $0x180000  }
0x8c: {  	[bflag:$0x0] =	sbarrier.arrive $0xFFFF  }
0x8d: {  	p0 =	sne.s32 s1, $0x0;
	_ =	strace $0x90000050  }
0x8e: {  	s0 =	sadd.s32 @!p0 $0x100000, s0;
	[bflag:$0x2] =	sbarrier.arrive $0xFFFF  }
0x8f: {  	[sflag:s0] =	ssyncadd.tile.s32 @!p0 $0x1;
	_ =	shalt  }
.Lfunc_end2:
_tile_overlayer_lowered:
.L_overlay_start_2:
0x90: {  	(tag) =	ssettag $0x2  }
0x91: {  	s0 =	rddreg [dreg:$0x0];
	s2 =	stileid.u32  }
0x92: {  	s1 =	rddreg [dreg:$0x1];
	p0 =	sne.s32 s2, $0x0  }
0x93: {  	s3 =	rddreg [dreg:$0x2];
	[bflag:$0x3] =	sbarrier.arrive $0xFFFF;
	s2 =	simm.s32 @!p0 $0x1C01  }
0x94: {  	[timem:s3], [sflag:s2] =	dma.local @!p0 [hbm:s0], s1  }
0x95: {  	s0 =	simm.s32 @!p0 $0x1  }
0x96: {  	_ =	swait.ge @!p0 [sflag:s0], s1  }
0x97: {  	s1 =	ssub.s32 @!p0 $0x0, s1;
	[sflag:s0] =	ssyncset.done @!p0 $0x0  }
0x98: {  	[sflag:s0] =	ssyncadd.s32 @!p0 s1  }
0x99: {  	[bflag:$0x3] =	sbarrier.arrive $0xFFFF  }
0x9a: {  	_ =	shalt  }

// kernel: kernel.26.cloned.1.call-start
scs
__scs_entry_jumppad:
0x0: {  	(pc) =	sbr.rel $0x88, $3  }
0x1: {  	(tag) =	ssettag $0x0;
	lr =	simm.s32 $0x1  }
0x2: {  	[smem:$0x3F81] =	sst lr;
	_ =	strace $0xD0000000  }
0x3: {  	_ = 	snop  }
0x4: {  	_ = 	snop  }
0x5: {  	_ = 	snop  }
0x6: {  	_ = 	snop  }
0x7: {  	_ = 	snop  }
__scs_overlays_trampoline_lowered:
0x8: {  	[smem:$0x3F90] =	sst s0  }
0x9: {  	[smem:$0x3F91] =	sst s1  }
0xa: {  	[smem:$0x3F92] =	sst s2  }
0xb: {  	[smem:$0x3F93] =	sst s3  }
0xc: {  	[smem:$0x3F94] =	sst s4  }
0xd: {  	[smem:$0x3F95] =	sst s5  }
0xe: {  	[smem:$0x3F96] =	sst s6  }
0xf: {  	[smem:$0x3F97] =	sst s7  }
0x10: {  	[smem:$0x3F98] =	sst s8  }
0x11: {  	[smem:$0x3F99] =	sst s9;
	s0 =	simm.s32 @!p0 $0x0  }
0x12: {  	s1 =	sld [smem:$0x3F7F];
	s0 =	simm.s32 @p0 $0x1  }
0x13: {  	[smem:$0x3F9A] =	sst s0;
	s0 =	simm.s32 @!p1 $0x0  }
0x14: {  	s2 =	sld [smem:$0x3F7E];
	s0 =	simm.s32 @p1 $0x1  }
0x15: {  	[smem:$0x3F9B] =	sst s0;
	s0 =	simm.s32 @!p2 $0x0  }
0x16: {  	s3 =	sld [smem:$0x3FDB];
	s0 =	simm.s32 @p2 $0x1  }
0x17: {  	s4 =	simm.s32 $0x1BF5;
	[smem:$0x3F9D] =	sst s0  }
0x18: {  	s0 =	sld [smem:$0x3F80];
	_ =	swait.ge [sflag:s4], $0x0  }
0x19: {  	s7 =	sld [smem:$0x3F81]  }
0x1a: {  	s8 =	sadd.s32 $0xFFFFE003, lr  }
0x1b: {  	s9 =	sadd.s32 $0xFFFFFEF7, lr;
	s5 =	simm.s32 $0xFFFFFFFF;
	p2 =	slt.u32 s8, $0xFFFFF086  }
0x1c: {  	p1 =	slt.u32 s9, $0xF7A;
	s5 =	simm.s32 @!p2 $0x0  }
0x1d: {  	s5 =	simm.s32 @p1 $0x1;
	p0 =	seq.s32 s7, s2  }
0x1e: {  	s7 =	smul.u32 @!p0 $0xF7A, s2;
	p2 =	seq.s32 @!p0 s5, $0x0  }
0x1f: {  	s9 =	smul.u32 $0xF7A, s1;
	s8 =	simm.s32 @!p0 $0x1BF5;
	p2 =	por !p2, p0  }
0x20: {  	[sflag:s8] =	ssyncset.s32 @!p0 $0xFFFFF086;
	s6 =	sadd.s32 @!p0 s3, s7;
	s7 =	simm.s32 @!p0 $0x108  }
0x21: {  	s3 =	sadd.s32 s3, s9;
	s6 =	sadd.s32 @!p0 $0x88, s6;
	s7 =	simm.s32 @p2 $0x1082  }
0x22: {  	[simem:s7], [sflag:s8] =	dma.local @!p0 [hbm:s6], $0xF7A  }
0x23: {  	s9 =	sor.u32 $0xD0000000, s2;
	s6 =	simm.s32 $0x108;
	_ =	swait.ge @!p0 [sflag:s8], $0x0  }
0x24: {  	s3 =	sadd.s32 $0x88, s3;
	s6 =	simm.s32 @!p1 $0x1082;
	[sflag:s4] =	ssyncset.s32 $0xFFFFF086  }
0x25: {  	[simem:s6], [sflag:s4] =	dma.local [hbm:s3], $0xF7A  }
0x26: {  	[smem:$0x3F81] =	sst s1;
	(tag) =	ssettag s2;
	_ =	strace s9  }
0x27: {  	s1 =	sld [smem:$0x3F91]  }
0x28: {  	s2 =	sld [smem:$0x3F92]  }
0x29: {  	s4 =	sld [smem:$0x3F94]  }
0x2a: {  	p0 =	seq.s32 s5, $0x0;
	s5 =	sld [smem:$0x3F95]  }
0x2b: {  	s6 =	sld [smem:$0x3F96]  }
0x2c: {  	s7 =	sld [smem:$0x3F97]  }
0x2d: {  	s3 =	simm.s32 $0x108;
	s8 =	sld [smem:$0x3F98]  }
0x2e: {  	s3 =	simm.s32 @!p0 $0x1082;
	s9 =	sld [smem:$0x3F99]  }
0x2f: {  	lr =	sadd.s32 s0, s3;
	s0 =	sld [smem:$0x3F90]  }
0x30: {  	s3 =	sld [smem:$0x3F93]  }
0x31: {  	[smem:$0x3F9C] =	sst s10  }
0x32: {  	s10 =	sld [smem:$0x3F9A];
	_ =	sdelay $0x3  }
0x33: {  	p0 =	seq.s32 s10, $0x1;
	s10 =	sld [smem:$0x3F9C];
	_ =	sdelay $0x3  }
0x34: {  	[smem:$0x3F9C] =	sst s10  }
0x35: {  	s10 =	sld [smem:$0x3F9B];
	_ =	sdelay $0x3  }
0x36: {  	p1 =	seq.s32 s10, $0x1;
	s10 =	sld [smem:$0x3F9C];
	_ =	sdelay $0x3  }
0x37: {  	[smem:$0x3F9C] =	sst s10  }
0x38: {  	s10 =	sld [smem:$0x3F9D]  }
0x39: {  	_ = 	snop;
	(pc) =	sbr.ind lr, $3  }
0x3a: {  	_ = 	snop  }
0x3b: {  	_ = 	snop  }
0x3c: {  	p2 =	seq.s32 s10, $0x1;
	s10 =	sld [smem:$0x3F9C]  }
0x3d: {  	_ =	shalt  }
0x3e: {  	_ =	shalt  }
0x3f: {  	_ =	shalt  }
0x40: {  	_ =	shalt  }
0x41: {  	_ =	shalt  }
0x42: {  	_ =	shalt  }
0x43: {  	_ =	shalt  }
0x44: {  	_ =	shalt  }
0x45: {  	_ =	shalt  }
0x46: {  	_ =	shalt  }
0x47: {  	_ =	shalt  }
0x48: {  	_ =	shalt  }
0x49: {  	_ =	shalt  }
0x4a: {  	_ =	shalt  }
0x4b: {  	_ =	shalt  }
0x4c: {  	_ =	shalt  }
0x4d: {  	_ =	shalt  }
0x4e: {  	_ =	shalt  }
0x4f: {  	_ =	shalt  }
0x50: {  	_ =	shalt  }
0x51: {  	_ =	shalt  }
0x52: {  	_ =	shalt  }
0x53: {  	_ =	shalt  }
0x54: {  	_ =	shalt  }
0x55: {  	_ =	shalt  }
0x56: {  	_ =	shalt  }
0x57: {  	_ =	shalt  }
0x58: {  	_ =	shalt  }
0x59: {  	_ =	shalt  }
0x5a: {  	_ =	shalt  }
0x5b: {  	_ =	shalt  }
0x5c: {  	_ =	shalt  }
0x5d: {  	_ =	shalt  }
0x5e: {  	_ =	shalt  }
0x5f: {  	_ =	shalt  }
0x60: {  	_ =	shalt  }
0x61: {  	_ =	shalt  }
0x62: {  	_ =	shalt  }
0x63: {  	_ =	shalt  }
0x64: {  	_ =	shalt  }
0x65: {  	_ =	shalt  }
0x66: {  	_ =	shalt  }
0x67: {  	_ =	shalt  }
0x68: {  	_ =	shalt  }
0x69: {  	_ =	shalt  }
0x6a: {  	_ =	shalt  }
0x6b: {  	_ =	shalt  }
0x6c: {  	_ =	shalt  }
0x6d: {  	_ =	shalt  }
0x6e: {  	_ =	shalt  }
0x6f: {  	_ =	shalt  }
0x70: {  	_ =	shalt  }
0x71: {  	_ =	shalt  }
0x72: {  	_ =	shalt  }
0x73: {  	_ =	shalt  }
0x74: {  	_ =	shalt  }
0x75: {  	_ =	shalt  }
0x76: {  	_ =	shalt  }
0x77: {  	_ =	shalt  }
0x78: {  	_ =	shalt  }
0x79: {  	_ =	shalt  }
0x7a: {  	_ =	shalt  }
0x7b: {  	_ =	shalt  }
0x7c: {  	_ =	shalt  }
0x7d: {  	_ =	shalt  }
0x7e: {  	_ =	shalt  }
0x7f: {  	_ =	shalt  }
0x80: {  	_ =	shalt  }
0x81: {  	_ =	shalt  }
0x82: {  	_ =	shalt  }
0x83: {  	_ =	shalt  }
0x84: {  	_ =	shalt  }
0x85: {  	_ =	shalt  }
0x86: {  	_ =	shalt  }
0x87: {  	_ =	shalt  }
.Lfunc_end0:
.L_simem_size_0:
called_computation.4_lowered:
.L_overlay_start_0:
0x88: {  	s2 =	sld [smem:$0x3FD9]  }
0x89: {  	s3 =	sld [smem:$0x3FFE];
	_ =	sdelay $0x1  }
0x8a: {  	s1 =	srdreg.scid  }
0x8b: {  	s0 =	sand.u32 $0x1, s1  }
0x8c: {  	s16 =	sshll.u32 s0, $0xA;
	s2 =	sadd.s32 s3, s2  }
0x8d: {  	s2 =	sadd.s32 s2, s16  }
0x8e: {  	[smem:$0x3FA8] =	sst s2  }
0x8f: {  	_ = 	snop  }
0x90: {  	(tm) =	ssettm $0x1  }
0x91: {  	s17 =	sld [smem:$0x3FFB];
	_ =	sdelay $0x3  }
0x92: {  	_ =	strace s17  }
0x93: {  	s2 =	sld [smem:$0x3FFC];
	_ =	sdelay $0x3  }
0x94: {  	_ =	strace s2  }
0x95: {  	s2 =	sld [smem:$0x3FFD];
	_ =	sdelay $0x3  }
0x96: {  	_ =	strace s2  }
0x97: {  	_ =	strace $0x8FFFFFFF  }
0x98: {  	s18 =	sld [smem:$0x3FDB];
	_ =	sdelay $0x1  }
0x99: {  	s19 =	simm.s32 $_scs_section_size  }
0x9a: {  	s4 =	simm.s32 $_size__tile_overlayer_lowered;
	s5 =	simm.s32 $_tile_overlayer_lowered  }
0x9b: {  	s22 =	simm.s32 $0x1BFF;
	s21 =	sshll.u32 s5, $0x1;
	s2 =	sadd.s32 s19, s18  }
0x9c: {  	s6 =	simm.s32 $0x0;
	s20 =	sshll.u32 s4, $0x1;
	s4 =	sadd.s32 s21, s2  }
0x9d: {  	[timem:s6], [sflag:s22] =	dma.local [hbm:s4], s20  }
0x9e: {  	_ =	swait.ge [sflag:s22], s20  }
0x9f: {  	s3 =	ssub.s32 $0x0, s20;
	[sflag:s22] =	ssyncset.done $0x0  }
0xa0: {  	[sflag:s22] =	ssyncadd.s32 s3;
	_ =	sdelay $0x1  }
0xa1: {  	s23 =	simm.s32 $0x1B8B  }
0xa2: {  	_ =	swait.ge [sflag:s23], $0x1  }
0xa3: {  	[sflag:s23] =	ssyncset.done $0x0  }
0xa4: {  	s25 =	simm.s32 $0x1B8E;
	s24 =	sld [smem:$0x3FFE];
	[sflag:s23] =	ssyncadd.s32 $0xFFFFFFFF  }
0xa5: {  	s26 =	simm.s32 $execute0_lowered;
	[smem:$0x3FD2] =	sst s25  }
0xa6: {  	s4 =	sshll.u32 s26, $0x1;
	_ =	strace $0x80000052;
	[dreg:$0x1] =	wrdreg $0xFFFFFFFF  }
0xa7: {  	s28 =	simm.s32 $_size_execute0_lowered;
	s2 =	sadd.s32 s2, s4;
	[dreg:$0x0] =	wrdreg $0x0  }
0xa8: {  	s4 =	sshll.u32 s28, $0x1;
	[dreg:$0x2] =	wrdreg s2  }
0xa9: {  	[dreg:$0x3] =	wrdreg s4  }
0xaa: {  	[dreg:$0x4] =	wrdreg $0xC0  }
0xab: {  	_ =	task [dreg:s6], $0x5FFFF  }
0xac: {  	[dreg:$0x1] =	wrdreg $0xFFFFFFFF  }
0xad: {  	[dreg:$0x0] =	wrdreg $0x60  }
0xae: {  	[dreg:$0x2] =	wrdreg s24  }
0xaf: {  	[dreg:$0x3] =	wrdreg $0x41000  }
0xb0: {  	[dreg:$0x4] =	wrdreg $0x9  }
0xb1: {  	_ =	task.clear_ibuf [dreg:s6], $0x5FFFF;
	_ =	strace $0x90000052  }
0xb2: {  	s29 =	simm.s32 $0x9;
	_ =	strace $0x80000054  }
0xb3: {  	_ =	swait.ge [sflag:s29], $0x1  }
0xb4: {  	[sflag:s29] =	ssyncadd.s32 $0xFFFFFFFF  }
0xb5: {  	_ =	strace $0x90000054  }
0xb6: {  	_ =	sfence  }
0xb7: {  	s30 =	sld [smem:$0x0];
	_ =	sdelay $0x2  }
0xb8: {  	s31 =	sshll.u32 s1, $0xD;
	s1 =	sshrl.u32 s1, $0x2  }
0xb9: {  	s3 =	sand.u32 $0x4000, s31;
	s1 =	sadd.s32 s1, s30  }
0xba: {  	s0 =	sor.u32 s3, s0;
	s1 =	sshll.u32 s1, $0x11  }
0xbb: {  	s0 =	sor.u32 s1, s0  }
0xbc: {  	s0 =	sadd.s32 $0x8F2B, s0  }
0xbd: {  	[sflag:s0] =	ssyncadd.remote.s32 $0x1  }
0xbe: {  	_ =	sfence.sel $0xFFFF  }
0xbf: {  	[dreg:$0x0] =	wrdreg $0xFFFFFFFF;
	(pc) =	sbr.abs _section_cstart, $3  }
0xc0: {  	[dreg:$0x1] =	wrdreg $0xFFFFFFFF  }
0xc1: {  	_ =	task.clear_ibuf [dreg:s6], $0x2FFFF;
	_ =	strace $0x9FFFFFFF  }
0xc2: {  	(tm) =	ssettm $0x7FFFFFFF  }
0xc3: {  	_ =	shalt  }
tec
execute0_lowered:
.L_overlay_start_1:
0x0: {  	(tag) =	ssettag $0x1  }
0x1: {  	s4 =	rddreg [dreg:$0x0]  }
0x2: {  	s2 =	rddreg [dreg:$0x1]  }
0x3: {  	s1 =	stileid.u32;
	s0 =	rddreg [dreg:$0x2];
	s3 =	simm.s32 $0x0  }
0x4: {  	s24 =	srdreg.scid;
	s16 =	simm.s32 $0x100;
	s18 =	simm.s32 $0x0  }
0x5: {  	s5 =	sshrl.u32 s1, $0x3;
	[smem:$0x7FF] =	sst s3;
	s7 =	smul.u32 $0x50000, s1  }
0x6: {  	s6 =	sshll.u32 s1, $0x7;
	s8 =	sadd.s32 $0xBF000, s4;
	s11 =	smul.u32 $0x14000, s1  }
0x7: {  	s10 =	sadd.s32 $0x1F000, s4;
	s30 =	sshll.u32 s1, $0x6;
	s5 =	smul.u32 $0x13C00, s5  }
0x8: {  	_ =	strace $0x80000053;
	s6 =	sand.u32 $0x380, s6;
	s28 =	sshrl.u32 s7, $0x2  }
0x9: {  	s17 =	sshrl.u32 s11, $0x3;
	s5 =	sor.u32 s6, s5;
	s6 =	sand.u32 $0x1, s24  }
0xa: {  	s14 =	sadd.s32 s28, s2;
	s25 =	ssub.s32 $0x2, s6;
	s9 =	smul.u32 $0x280000, s6  }
0xb: {  	s5 =	sshrl.u32 s5, $0x3;
	s6 =	sor.u32 $0x1C01, s30;
	s26 =	sshrl.u32 s25, $0x1  }
0xc: {  	s12 =	sadd.s32 s5, s4;
	s13 =	ssub.s32 s25, s26;
	s29 =	sshrl.u32 s9, $0x3  }
0xd: {  	s31 =	sadd.s32 $0x140000, s9;
	s9 =	sadd.s32 s11, s9;
	s4 =	sadd.s32 s8, s29  }
0xe: {  	s11 =	sadd.s32 s11, s31;
	s9 =	sshrl.u32 s9, $0x3;
	s15 =	sshrl.u32 s31, $0x3  }
0xf: {  	s5 =	sadd.s32 s17, s4;
	s11 =	sshrl.u32 s11, $0x3;
	s7 =	sadd.s32 s10, s9  }
0x10: {  	s8 =	sadd.s32 s8, s15;
	s15 =	simm.s32 $0x80;
	s9 =	sadd.s32 s10, s11  }
0x11: {  	s10 =	smax.u32 s13, $0x1;
	s11 =	sadd.s32 $0x15000, s12;
	s12 =	sadd.s32 $0x1A000, s12  }
0x12: {  	s13 =	sshrl.u32 s14, $0x3;
	s14 =	simm.s32 $0x1;
	s17 =	sadd.s32 s17, s8  }
.LBB2_1:
0x13: {  	[spmem:s13], [sflag:s6] =	dma.local [hbm:s5], $0x2800  }
0x14: {  	_ =	swait.ge [sflag:s14], $0x2800  }
0x15: {  	[sflag:s14] =	ssyncset.done $0x0  }
0x16: {  	[sflag:s14] =	ssyncadd.s32 $0xFFFFD800  }
0x17: {  	s19 =	sadd.s32 $0x0, s12;
	[bflag:$0x0] =	sbarrier.arrive $0xFFFF  }
0x18: {  	[tilespmem:s3], [sflag:$0x1] =	stream.linear.gather [hbm4b:s19+s3], $0x80, $0x38;
	[tilespmem:$0x18100] =	vst v63  }
0x19: {  	_ =	swait.ge [sflag:s14], $0x80  }
0x1a: {  	[sflag:s14] =	ssyncset.done $0x0  }
0x1b: {  	s31 =	sadd.s32 $0x0, s11;
	[sflag:s14] =	ssyncadd.s32 $0xFFFFFF80  }
0x1c: {  	[tilespmem:s15], [sflag:$0x1] =	stream.linear.gather [hbm4b:s31+s3], $0x80, $0x38;
	[tilespmem:$0x18100] =	vst v63  }
0x1d: {  	_ =	swait.ge [sflag:s14], $0x80  }
0x1e: {  	[sflag:s14] =	ssyncset.done $0x0  }
0x1f: {  	[sflag:s14] =	ssyncadd.s32 $0xFFFFFF80  }
0x20: {  	[tilespmem:s16], [sflag:$0x1] =	stream.indirect.gather [hbm4b:s4+s15], $0x80, s3, s15, $0xb8;
	[tilespmem:$0x18100] =	vst v63  }
0x21: {  	_ =	swait.ge [sflag:s14], $0x4000  }
0x22: {  	[sflag:s14] =	ssyncset.done $0x0  }
0x23: {  	[sflag:s14] =	ssyncadd.s32 $0xFFFFC000  }
0x24: {  	[spmem:s2] =	stream.indirect.scatter.add.f32 [tilespmem:s16], [sflag:$0x1], $0x80, s15, s15, $0xb8;
	[tilespmem:$0x18100] =	vst v63  }
0x25: {  	_ =	swait.ge [sflag:s14], $0x4000  }
0x26: {  	s20 =	simm.s32 $0x100;
	s19 =	simm.s32 $0x80;
	[sflag:s14] =	ssyncset.done $0x0  }
.LBB2_2:
0x27: {  	s21 =	sadd.s32 s19, s12  }
0x28: {  	[sflag:s14] =	ssyncadd.s32 $0xFFFFC000;
	s22 =	smov.u32 s20;
	s23 =	sadd.s32 $0x80, s20  }
0x29: {  	[tilespmem:s3], [sflag:$0x1] =	stream.linear.gather [hbm4b:s21+s3], $0x80, $0x38;
	[tilespmem:$0x18100] =	vst v63  }
0x2a: {  	p0 =	sne.s32 s20, $0x2700;
	_ =	swait.ge [sflag:s14], $0x80  }
0x2b: {  	[sflag:s14] =	ssyncset.done $0x0  }
0x2c: {  	s20 =	sadd.s32 s19, s11;
	s19 =	smov.u32 s22;
	[sflag:s14] =	ssyncadd.s32 $0xFFFFFF80  }
0x2d: {  	[tilespmem:s15], [sflag:$0x1] =	stream.linear.gather [hbm4b:s20+s3], $0x80, $0x38;
	[tilespmem:$0x18100] =	vst v63  }
0x2e: {  	_ =	swait.ge [sflag:s14], $0x80  }
0x2f: {  	[sflag:s14] =	ssyncset.done $0x0  }
0x30: {  	[sflag:s14] =	ssyncadd.s32 $0xFFFFFF80  }
0x31: {  	[tilespmem:s16], [sflag:$0x1] =	stream.indirect.gather [hbm4b:s4+s15], $0x80, s3, s15, $0xb8;
	[tilespmem:$0x18100] =	vst v63  }
0x32: {  	_ =	swait.ge [sflag:s14], $0x4000  }
.Ltmp0:
0x33: {  	[sflag:s14] =	ssyncset.done $0x0;
	(pc) =	sbr.rel @p0 .LBB2_2-.Ltmp0, $4  }
0x34: {  	[sflag:s14] =	ssyncadd.s32 $0xFFFFC000  }
0x35: {  	[spmem:s2] =	stream.indirect.scatter.add.f32 [tilespmem:s16], [sflag:$0x1], $0x80, s15, s15, $0xb8;
	[tilespmem:$0x18100] =	vst v63  }
0x36: {  	_ =	swait.ge [sflag:s14], $0x4000  }
0x37: {  	s20 =	smov.u32 s23;
	[sflag:s14] =	ssyncset.done $0x0  }
0x38: {  	s20 =	sadd.s32 s19, s12;
	[sflag:s14] =	ssyncadd.s32 $0xFFFFC000  }
0x39: {  	[tilespmem:s3], [sflag:$0x1] =	stream.linear.gather [hbm4b:s20+s3], $0x80, $0x38;
	[tilespmem:$0x18100] =	vst v63  }
0x3a: {  	_ =	swait.ge [sflag:s14], $0x80  }
0x3b: {  	[sflag:s14] =	ssyncset.done $0x0  }
0x3c: {  	s29 =	sadd.s32 s19, s11;
	[sflag:s14] =	ssyncadd.s32 $0xFFFFFF80  }
0x3d: {  	[tilespmem:s15], [sflag:$0x1] =	stream.linear.gather [hbm4b:s29+s3], $0x80, $0x38;
	[tilespmem:$0x18100] =	vst v63  }
0x3e: {  	_ =	swait.ge [sflag:s14], $0x80  }
0x3f: {  	[sflag:s14] =	ssyncset.done $0x0  }
0x40: {  	[sflag:s14] =	ssyncadd.s32 $0xFFFFFF80  }
0x41: {  	[tilespmem:s16], [sflag:$0x1] =	stream.indirect.gather [hbm4b:s4+s15], $0x80, s3, s15, $0xb8;
	[tilespmem:$0x18100] =	vst v63  }
0x42: {  	_ =	swait.ge [sflag:s14], $0x4000  }
0x43: {  	[sflag:s14] =	ssyncset.done $0x0  }
0x44: {  	[sflag:s14] =	ssyncadd.s32 $0xFFFFC000  }
0x45: {  	[spmem:s2] =	stream.indirect.scatter.add.f32 [tilespmem:s16], [sflag:$0x1], $0x80, s15, s15, $0xb8;
	[tilespmem:$0x18100] =	vst v63  }
0x46: {  	_ =	swait.ge [sflag:s14], $0x4000  }
0x47: {  	[sflag:s14] =	ssyncset.done $0x0  }
0x48: {  	[sflag:s14] =	ssyncadd.s32 $0xFFFFC000  }
0x49: {  	[bflag:$0x0] =	sbarrier.arrive $0xFFFF  }
0x4a: {  	[hbm:s7], [sflag:s6] =	dma.local [spmem:s13], $0x2800  }
0x4b: {  	_ =	swait.ge [sflag:s14], $0x2800  }
0x4c: {  	[sflag:s14] =	ssyncset.done $0x0  }
0x4d: {  	[sflag:s14] =	ssyncadd.s32 $0xFFFFD800  }
0x4e: {  	[bflag:$0x0] =	sbarrier.arrive $0xFFFF  }
0x4f: {  	[spmem:s13], [sflag:s6] =	dma.local [hbm:s17], $0x2800  }
0x50: {  	_ =	swait.ge [sflag:s14], $0x2800  }
0x51: {  	[sflag:s14] =	ssyncset.done $0x0  }
0x52: {  	[sflag:s14] =	ssyncadd.s32 $0xFFFFD800  }
0x53: {  	s30 =	sadd.s32 $0x0, s12;
	[bflag:$0x0] =	sbarrier.arrive $0xFFFF  }
0x54: {  	[tilespmem:s3], [sflag:$0x1] =	stream.linear.gather [hbm4b:s30+s3], $0x80, $0x38;
	[tilespmem:$0x18100] =	vst v63  }
0x55: {  	_ =	swait.ge [sflag:s14], $0x80  }
0x56: {  	[sflag:s14] =	ssyncset.done $0x0  }
0x57: {  	s31 =	sadd.s32 $0x0, s11;
	[sflag:s14] =	ssyncadd.s32 $0xFFFFFF80  }
0x58: {  	[tilespmem:s15], [sflag:$0x1] =	stream.linear.gather [hbm4b:s31+s3], $0x80, $0x38;
	[tilespmem:$0x18100] =	vst v63  }
0x59: {  	_ =	swait.ge [sflag:s14], $0x80  }
0x5a: {  	[sflag:s14] =	ssyncset.done $0x0  }
0x5b: {  	[sflag:s14] =	ssyncadd.s32 $0xFFFFFF80  }
0x5c: {  	[tilespmem:s16], [sflag:$0x1] =	stream.indirect.gather [hbm4b:s8+s15], $0x80, s3, s15, $0xb8;
	[tilespmem:$0x18100] =	vst v63  }
0x5d: {  	_ =	swait.ge [sflag:s14], $0x4000  }
0x5e: {  	[sflag:s14] =	ssyncset.done $0x0  }
0x5f: {  	[sflag:s14] =	ssyncadd.s32 $0xFFFFC000  }
0x60: {  	[spmem:s2] =	stream.indirect.scatter.add.f32 [tilespmem:s16], [sflag:$0x1], $0x80, s15, s15, $0xb8;
	[tilespmem:$0x18100] =	vst v63  }
0x61: {  	_ =	swait.ge [sflag:s14], $0x4000  }
0x62: {  	s19 =	simm.s32 $0x80;
	s20 =	simm.s32 $0x100;
	[sflag:s14] =	ssyncset.done $0x0  }
.LBB2_4:
0x63: {  	s21 =	sadd.s32 s19, s12  }
0x64: {  	[sflag:s14] =	ssyncadd.s32 $0xFFFFC000;
	s22 =	smov.u32 s20;
	s23 =	sadd.s32 $0x80, s20  }
0x65: {  	[tilespmem:s3], [sflag:$0x1] =	stream.linear.gather [hbm4b:s21+s3], $0x80, $0x38;
	[tilespmem:$0x18100] =	vst v63  }
0x66: {  	p0 =	sne.s32 s20, $0x2700;
	_ =	swait.ge [sflag:s14], $0x80  }
0x67: {  	[sflag:s14] =	ssyncset.done $0x0  }
0x68: {  	s20 =	sadd.s32 s19, s11;
	s19 =	smov.u32 s22;
	[sflag:s14] =	ssyncadd.s32 $0xFFFFFF80  }
0x69: {  	[tilespmem:s15], [sflag:$0x1] =	stream.linear.gather [hbm4b:s20+s3], $0x80, $0x38;
	[tilespmem:$0x18100] =	vst v63  }
0x6a: {  	_ =	swait.ge [sflag:s14], $0x80  }
0x6b: {  	[sflag:s14] =	ssyncset.done $0x0  }
0x6c: {  	[sflag:s14] =	ssyncadd.s32 $0xFFFFFF80  }
0x6d: {  	[tilespmem:s16], [sflag:$0x1] =	stream.indirect.gather [hbm4b:s8+s15], $0x80, s3, s15, $0xb8;
	[tilespmem:$0x18100] =	vst v63  }
0x6e: {  	_ =	swait.ge [sflag:s14], $0x4000  }
.Ltmp1:
0x6f: {  	[sflag:s14] =	ssyncset.done $0x0;
	(pc) =	sbr.rel @p0 .LBB2_4-.Ltmp1, $4  }
0x70: {  	[sflag:s14] =	ssyncadd.s32 $0xFFFFC000  }
0x71: {  	[spmem:s2] =	stream.indirect.scatter.add.f32 [tilespmem:s16], [sflag:$0x1], $0x80, s15, s15, $0xb8;
	[tilespmem:$0x18100] =	vst v63  }
0x72: {  	_ =	swait.ge [sflag:s14], $0x4000  }
0x73: {  	s20 =	smov.u32 s23;
	[sflag:s14] =	ssyncset.done $0x0  }
0x74: {  	s20 =	sadd.s32 s19, s12;
	[sflag:s14] =	ssyncadd.s32 $0xFFFFC000  }
0x75: {  	[tilespmem:s3], [sflag:$0x1] =	stream.linear.gather [hbm4b:s20+s3], $0x80, $0x38;
	[tilespmem:$0x18100] =	vst v63  }
0x76: {  	_ =	swait.ge [sflag:s14], $0x80  }
0x77: {  	[sflag:s14] =	ssyncset.done $0x0  }
0x78: {  	s31 =	sadd.s32 s19, s11;
	[sflag:s14] =	ssyncadd.s32 $0xFFFFFF80  }
0x79: {  	[tilespmem:s15], [sflag:$0x1] =	stream.linear.gather [hbm4b:s31+s3], $0x80, $0x38;
	[tilespmem:$0x18100] =	vst v63  }
0x7a: {  	_ =	swait.ge [sflag:s14], $0x80  }
0x7b: {  	[sflag:s14] =	ssyncset.done $0x0  }
0x7c: {  	[sflag:s14] =	ssyncadd.s32 $0xFFFFFF80  }
0x7d: {  	[tilespmem:s16], [sflag:$0x1] =	stream.indirect.gather [hbm4b:s8+s15], $0x80, s3, s15, $0xb8;
	[tilespmem:$0x18100] =	vst v63  }
0x7e: {  	_ =	swait.ge [sflag:s14], $0x4000  }
0x7f: {  	[sflag:s14] =	ssyncset.done $0x0  }
0x80: {  	[sflag:s14] =	ssyncadd.s32 $0xFFFFC000  }
0x81: {  	[spmem:s2] =	stream.indirect.scatter.add.f32 [tilespmem:s16], [sflag:$0x1], $0x80, s15, s15, $0xb8;
	[tilespmem:$0x18100] =	vst v63  }
0x82: {  	_ =	swait.ge [sflag:s14], $0x4000  }
0x83: {  	[sflag:s14] =	ssyncset.done $0x0  }
0x84: {  	s18 =	sadd.s32 $0x1, s18;
	[sflag:s14] =	ssyncadd.s32 $0xFFFFC000  }
0x85: {  	p0 =	sne.s32 s18, s10;
	[bflag:$0x0] =	sbarrier.arrive $0xFFFF  }
0x86: {  	[hbm:s9], [sflag:s6] =	dma.local [spmem:s13], $0x2800  }
.Ltmp2:
0x87: {  	_ =	swait.ge [sflag:s14], $0x2800;
	(pc) =	sbr.rel @p0 .LBB2_1-.Ltmp2, $3  }
0x88: {  	[sflag:s14] =	ssyncset.done $0x0  }
0x89: {  	[sflag:s14] =	ssyncadd.s32 $0xFFFFD800  }
0x8a: {  	[bflag:$0x0] =	sbarrier.arrive $0xFFFF;
	_ =	sdelay $0x1  }
0x8b: {  	_ =	sfence.sel $0x180000  }
0x8c: {  	[bflag:$0x0] =	sbarrier.arrive $0xFFFF  }
0x8d: {  	p0 =	sne.s32 s1, $0x0;
	_ =	strace $0x90000053  }
0x8e: {  	s0 =	sadd.s32 @!p0 $0x100000, s0;
	[bflag:$0x2] =	sbarrier.arrive $0xFFFF  }
0x8f: {  	[sflag:s0] =	ssyncadd.tile.s32 @!p0 $0x1;
	_ =	shalt  }
.Lfunc_end2:
_tile_overlayer_lowered:
.L_overlay_start_2:
0x90: {  	(tag) =	ssettag $0x2  }
0x91: {  	s0 =	rddreg [dreg:$0x0];
	s2 =	stileid.u32  }
0x92: {  	s1 =	rddreg [dreg:$0x1];
	p0 =	sne.s32 s2, $0x0  }
0x93: {  	s3 =	rddreg [dreg:$0x2];
	[bflag:$0x3] =	sbarrier.arrive $0xFFFF;
	s2 =	simm.s32 @!p0 $0x1C01  }
0x94: {  	[timem:s3], [sflag:s2] =	dma.local @!p0 [hbm:s0], s1  }
0x95: {  	s0 =	simm.s32 @!p0 $0x1  }
0x96: {  	_ =	swait.ge @!p0 [sflag:s0], s1  }
0x97: {  	s1 =	ssub.s32 @!p0 $0x0, s1;
	[sflag:s0] =	ssyncset.done @!p0 $0x0  }
0x98: {  	[sflag:s0] =	ssyncadd.s32 @!p0 s1  }
0x99: {  	[bflag:$0x3] =	sbarrier.arrive $0xFFFF  }
0x9a: {  	_ =	shalt  }

</sc_bundles>
